<compile_context>
chip_gen: v7x
topology: tpu7x:2x2x1
jax: 0.10.2.dev20260603
libtpu: 0.0.44.dev20260713+nightly
codegen_flags: <defaults>
</compile_context>

<pallas_src>
import functools

import jax
import jax.numpy as jnp
from jax import lax
from jax.experimental import pallas as pl
from jax.experimental.pallas import tpu as pltpu
from jax.experimental.pallas import tpu_sc as plsc

N = 10000
E = 160000
F = 256
HALF = 128
NPAD = 10240
NC = 2
NS = 16
CH = 128
C3 = 80
CP = 40
C1 = 40
EPAD = NS * C3 * CH
DUMMY = N
DEGW = 128
RB = 5000

RPT = NPAD // NS


def _deg_body(dst_hbm, ones_hbm, zrow_hbm, degp_hbm, deg_sp, dst_v, ones_v,
              ssem):
    c = lax.axis_index("c")
    s = lax.axis_index("s")
    w = c * NS + s
    pltpu.sync_copy(dst_hbm.at[w], dst_v)
    pltpu.sync_copy(ones_hbm, ones_v)
    pltpu.sync_copy(zrow_hbm, deg_sp.at[pl.ds(s * RPT, RPT)])
    plsc.subcore_barrier()

    def fire(j, carry):
        pltpu.async_copy(ones_v, deg_sp.at[dst_v.at[j]], ssem, add=True)
        return carry

    lax.fori_loop(0, C1, fire, 0, unroll=False)

    def drain(j, carry):
        pltpu.make_async_copy(ones_v, deg_sp.at[dst_v.at[j]], ssem).wait()
        return carry

    lax.fori_loop(0, C1, drain, 0, unroll=False)
    plsc.subcore_barrier()
    pltpu.sync_copy(
        deg_sp.at[pl.ds(s * RPT, RPT)],
        degp_hbm.at[pl.ds(c * NPAD + s * RPT, RPT)],
    )


def _agg_body(srcb_hbm, dstb_hbm, y_hbm, zeros_hbm, out_hbm,
              agg_sp, src_v, dst_v, bufs, gsems):
    c = lax.axis_index("c")
    s = lax.axis_index("s")
    w = c * NS + s
    pltpu.sync_copy(zeros_hbm, agg_sp.at[pl.ds(s * RPT, RPT)])
    plsc.subcore_barrier()

    NQ = 4
    QW = CH // NQ

    def gather(j, b):
        for q in range(NQ):
            pltpu.async_copy(
                y_hbm.at[src_v.at[j, pl.ds(q * QW, QW)]],
                bufs.at[b, pl.ds(q * QW, QW)],
                gsems.at[b],
            )

    def gather_wait(j, b):
        for q in range(NQ):
            pltpu.make_async_copy(
                y_hbm.at[src_v.at[j, pl.ds(q * QW, QW)]],
                bufs.at[b, pl.ds(q * QW, QW)],
                gsems.at[b],
            ).wait()

    def scat(j, b):
        pltpu.sync_copy(bufs.at[b], agg_sp.at[dst_v.at[j]], add=True)

    for p in range(2):
        pltpu.sync_copy(srcb_hbm.at[w, pl.ds(p * CP, CP)], src_v)
        pltpu.sync_copy(dstb_hbm.at[s, pl.ds(p * CP, CP)], dst_v)
        gather(0, 0)
        gather(1, 1)

        def step(i, carry):
            for b in range(2):
                j = i * 2 + b
                gather_wait(j, b)
                scat(j, b)

                @pl.when(j + 2 < CP)
                def _():
                    gather(j + 2, b)
            return carry

        lax.fori_loop(0, CP // 2, step, 0, unroll=False)
    plsc.subcore_barrier()
    pltpu.sync_copy(
        agg_sp.at[pl.ds(s * RPT, RPT)],
        out_hbm.at[pl.ds(c * NPAD + s * RPT, RPT)],
    )


@functools.lru_cache(maxsize=None)
def _sc_kernels():
    mesh = plsc.VectorSubcoreMesh(
        core_axis_name="c", subcore_axis_name="s", num_cores=NC, num_subcores=NS
    )
    deg_kernel = pl.kernel(
        _deg_body,
        out_type=jax.ShapeDtypeStruct((NC * NPAD, DEGW), jnp.float32),
        mesh=mesh,
        scratch_types=[
            pltpu.VMEM_SHARED((NPAD, DEGW), jnp.float32),
            pltpu.VMEM((C1, CH), jnp.int32),
            pltpu.VMEM((CH, DEGW), jnp.float32),
            pltpu.SemaphoreType.DMA,
        ],
    )
    agg_kernel = pl.kernel(
        _agg_body,
        out_type=jax.ShapeDtypeStruct((NC * NPAD, HALF), jnp.float32),
        mesh=mesh,
        scratch_types=[
            pltpu.VMEM_SHARED((NPAD, HALF), jnp.float32),
            pltpu.VMEM((CP, CH), jnp.int32),
            pltpu.VMEM((CP, CH), jnp.int32),
            pltpu.VMEM((2, CH, HALF), jnp.float32),
            pltpu.SemaphoreType.DMA((2,)),
        ],
    )
    return deg_kernel, agg_kernel


def _mm_body(x_ref, wc_ref, wres_ref, xw_ref, xres_ref):
    xw_ref[0] = lax.dot_general(
        x_ref[...], wc_ref[...], (((1,), (1,)), ((), ())),
        preferred_element_type=jnp.float32,
    )
    xres_ref[...] = lax.dot_general(
        x_ref[...], wres_ref[...], (((1,), (1,)), ((), ())),
        preferred_element_type=jnp.float32,
    )


def _scale_body(xw_ref, dega_ref, degb_ref, y_ref):
    deg = dega_ref[0, :, 0:1] + degb_ref[0, :, 0:1] + 1.0
    dinv = lax.rsqrt(jnp.maximum(deg, 1e-12))
    y_ref[0] = dinv * xw_ref[0]


def _final_body(xres_ref, b_ref, agg_ref, y_ref, dega_ref, degb_ref, out_ref):
    deg = dega_ref[0, :, 0:1] + degb_ref[0, :, 0:1] + 1.0
    dinv = lax.rsqrt(jnp.maximum(deg, 1e-12))
    g = dinv * (agg_ref[0] + y_ref[0]) + b_ref[...][None, :]
    out_ref[...] = jnp.maximum(g, 0.0) + xres_ref[...]


def kernel(x, edge_index, W_conv, b_conv, W_res):
    src = edge_index[0].astype(jnp.int32)
    dst = edge_index[1].astype(jnp.int32)
    n_pad_edges = EPAD - E
    src_p = jnp.concatenate([src, jnp.zeros((n_pad_edges,), jnp.int32)])
    dst_p = jnp.concatenate([dst, jnp.full((n_pad_edges,), DUMMY, jnp.int32)])

    dst1 = dst_p.reshape(NC * NS, C1, CH)
    s3 = src_p.reshape(NS, C3, CH)
    srcb = jnp.concatenate([s3, s3 + NPAD], axis=0)
    dstb = dst_p.reshape(NS, C3, CH)

    ones_d = jnp.ones((CH, DEGW), jnp.float32)
    zrow_d = jnp.zeros((RPT, DEGW), jnp.float32)

    deg_kernel, agg_kernel = _sc_kernels()
    degp = deg_kernel(dst1, ones_d, zrow_d)

    nrb = N // RB
    grid = (nrb, NC)
    xw3, xres = pl.pallas_call(
        _mm_body,
        grid=grid,
        in_specs=[
            pl.BlockSpec((RB, F), lambda i, h: (i, 0)),
            pl.BlockSpec((HALF, F), lambda i, h: (h, 0)),
            pl.BlockSpec((HALF, F), lambda i, h: (h, 0)),
        ],
        out_specs=[
            pl.BlockSpec((1, RB, HALF), lambda i, h: (h, i, 0)),
            pl.BlockSpec((RB, HALF), lambda i, h: (i, h)),
        ],
        out_shape=[
            jax.ShapeDtypeStruct((NC, NPAD, HALF), jnp.float32),
            jax.ShapeDtypeStruct((N, F), jnp.float32),
        ],
    )(x, W_conv, W_res)

    degp3 = degp.reshape(NC, NPAD, DEGW)
    y3 = pl.pallas_call(
        _scale_body,
        grid=grid,
        in_specs=[
            pl.BlockSpec((1, RB, HALF), lambda i, h: (h, i, 0)),
            pl.BlockSpec((1, RB, DEGW), lambda i, h: (0, i, 0)),
            pl.BlockSpec((1, RB, DEGW), lambda i, h: (1, i, 0)),
        ],
        out_specs=pl.BlockSpec((1, RB, HALF), lambda i, h: (h, i, 0)),
        out_shape=jax.ShapeDtypeStruct((NC, NPAD, HALF), jnp.float32),
    )(xw3, degp3, degp3)

    agg = agg_kernel(srcb, dstb, y3.reshape(NC * NPAD, HALF), zrow_d)

    out = pl.pallas_call(
        _final_body,
        grid=grid,
        in_specs=[
            pl.BlockSpec((RB, HALF), lambda i, h: (i, h)),
            pl.BlockSpec((HALF,), lambda i, h: (h,)),
            pl.BlockSpec((1, RB, HALF), lambda i, h: (h, i, 0)),
            pl.BlockSpec((1, RB, HALF), lambda i, h: (h, i, 0)),
            pl.BlockSpec((1, RB, DEGW), lambda i, h: (0, i, 0)),
            pl.BlockSpec((1, RB, DEGW), lambda i, h: (1, i, 0)),
        ],
        out_specs=pl.BlockSpec((RB, HALF), lambda i, h: (i, h)),
        out_shape=jax.ShapeDtypeStruct((N, F), jnp.float32),
    )(xres, b_conv, agg.reshape(NC, NPAD, HALF), y3, degp3, degp3)

    return out

# --- scband reference (transcript-rebuilt; emitter-appended) ---
"""Pipeline reference for scband-res-block-86500641342127 (READ-ONLY COPY).

The authoritative reference and input builder live on the scoring server;
editing this copy changes nothing except your own understanding.
"""

import jax, jax.numpy as jnp
import numpy as np

N_NODES = 10000
N_EDGES = 160000
NFEAT = 256


def gcn_conv(x, edge_index, W, b):
    # Faithful GCNConv: add self-loops, symmetric normalization D^-1/2 A D^-1/2,
    # linear transform (torch convention: out = x @ W.T), scatter-add aggregation.
    n = x.shape[0]
    loop = jnp.arange(n, dtype=edge_index.dtype)
    src = jnp.concatenate([edge_index[0], loop])
    dst = jnp.concatenate([edge_index[1], loop])
    deg = jnp.zeros((n,), dtype=x.dtype).at[dst].add(1.0)
    dinv = jax.lax.rsqrt(jnp.maximum(deg, 1e-12))
    norm = dinv[src] * dinv[dst]
    xw = x @ W.T
    msg = xw[src] * norm[:, None]
    out = jnp.zeros_like(xw).at[dst].add(msg)
    if b is not None:
        out = out + b
    return out


def setup_inputs(seed: int = 0) -> dict:
    key = jax.random.key(seed)
    k1, k2, k3, k4 = jax.random.split(key, 4)
    x = jax.random.normal(k1, (N_NODES, NFEAT), dtype=jnp.float32)
    edge_index = jax.random.randint(k2, (2, N_EDGES), 0, N_NODES, dtype=jnp.int64)
    # conv.lin.weight was initialized to zeros in the module; use small random values
    # so the computation is numerically nontrivial (it is a learnable Parameter).
    W_conv = jax.random.normal(k3, (NFEAT, NFEAT), dtype=jnp.float32) * 0.05
    b_conv = jnp.zeros((NFEAT,), dtype=jnp.float32)
    # res is nn.Linear(nfeat, nfeat, bias=False) initialized to identity (learnable).
    W_res = jnp.eye(NFEAT, dtype=jnp.float32)
    return {"x": x, "edge_index": edge_index, "W_conv": W_conv, "b_conv": b_conv, "W_res": W_res}


def reference(x, edge_index, W_conv, b_conv, W_res):
    # type == 'linear': x = relu(conv(x, edge_index)) + res(x)
    out = jax.nn.relu(gcn_conv(x, edge_index, W_conv, b_conv)) + x @ W_res.T
    # F.dropout with p=0.0 (and eval-mode semantics) is identity.
    return out

if __name__ == "__main__":
    import jax
    _d = setup_inputs()
    print(jax.jit(kernel)(*tuple(_d.values())))

</pallas_src>

<mosaic_0001>
#map = affine_map<(d0, d1) -> (0, 0, 0)>
#map1 = affine_map<(d0, d1) -> (0, 0)>
module attributes {stable_mosaic.version = 14 : i64} {
  func.func @_deg_body(%arg0: i32, %arg1: i32, %arg2: memref<32x40x128xi32, #tpu.memory_space<hbm>>, %arg3: memref<128x128xf32, #tpu.memory_space<hbm>>, %arg4: memref<640x128xf32, #tpu.memory_space<hbm>>, %arg5: memref<20480x128xf32, #tpu.memory_space<hbm>>, %arg6: memref<10240x128xf32, #tpu.memory_space<vmem_shared>>, %arg7: memref<40x128xi32, #tpu.memory_space<vmem>>, %arg8: memref<128x128xf32, #tpu.memory_space<vmem>>, %arg9: memref<!tpu.dma_semaphore, #tpu.memory_space<semaphore_mem>>) attributes {dimension_semantics = [#tpu.dimension_semantics<core_parallel>, #tpu.dimension_semantics<subcore_parallel>], iteration_bounds = array<i64: 2, 16>, scalar_prefetch = 0 : i64, scratch_operands = 4 : i64, tpu.core_type = #tpu.core_type<sc_vector_subcore>, window_params = [{transform_indices = #map}, {transform_indices = #map1}, {transform_indices = #map1}, {transform_indices = #map1}]} {
    %mul3A = arith.constant 16 : i32
    %mul3A_0 = arith.muli %arg0, %mul3A : i32
    %add3A = arith.addi %mul3A_0, %arg1 : i32
    "tpu.region"() ({
      %run_scoped3A = tpu.sem_alloc : memref<!tpu.dma_semaphore, #tpu.memory_space<semaphore_mem>>
      %dma_start3A = arith.constant 0 : i32
      %dma_start3A_22 = arith.constant 0 : i32
      %dma_start3A_23 = tpu.memref_slice %arg2[%add3A, %dma_start3A, %dma_start3A_22] : memref<32x40x128xi32, #tpu.memory_space<hbm>> -> memref<1x40x128xi32, #tpu.memory_space<hbm>>
      %dma_start3A_24 = tpu.memref_squeeze %dma_start3A_23 : memref<1x40x128xi32, #tpu.memory_space<hbm>> -> memref<40x128xi32, #tpu.memory_space<hbm>>
      %dma_start3A_25 = arith.constant 0 : i32
      %dma_start3A_26 = arith.constant 0 : i32
      %dma_start3A_27 = tpu.memref_slice %arg2[%add3A, %dma_start3A_25, %dma_start3A_26] : memref<32x40x128xi32, #tpu.memory_space<hbm>> -> memref<1x40x128xi32, #tpu.memory_space<hbm>>
      %dma_start3A_28 = tpu.memref_squeeze %dma_start3A_27 : memref<1x40x128xi32, #tpu.memory_space<hbm>> -> memref<40x128xi32, #tpu.memory_space<hbm>>
      tpu.enqueue_dma source(%dma_start3A_28 : memref<40x128xi32, #tpu.memory_space<hbm>>) target(%arg7 : memref<40x128xi32, #tpu.memory_space<vmem>>) target_semaphore(%run_scoped3A : memref<!tpu.dma_semaphore, #tpu.memory_space<semaphore_mem>>)
      %dma_wait3A = arith.constant 0 : i32
      %dma_wait3A_29 = arith.constant 0 : i32
      %dma_wait3A_30 = tpu.memref_slice %arg2[%add3A, %dma_wait3A, %dma_wait3A_29] : memref<32x40x128xi32, #tpu.memory_space<hbm>> -> memref<1x40x128xi32, #tpu.memory_space<hbm>>
      %dma_wait3A_31 = tpu.memref_squeeze %dma_wait3A_30 : memref<1x40x128xi32, #tpu.memory_space<hbm>> -> memref<40x128xi32, #tpu.memory_space<hbm>>
      %dma_wait3A_32 = arith.constant 0 : i32
      %dma_wait3A_33 = arith.constant 0 : i32
      %dma_wait3A_34 = tpu.memref_slice %arg2[%add3A, %dma_wait3A_32, %dma_wait3A_33] : memref<32x40x128xi32, #tpu.memory_space<hbm>> -> memref<1x40x128xi32, #tpu.memory_space<hbm>>
      %dma_wait3A_35 = tpu.memref_squeeze %dma_wait3A_34 : memref<1x40x128xi32, #tpu.memory_space<hbm>> -> memref<40x128xi32, #tpu.memory_space<hbm>>
      tpu.wait_dma2 semaphore(%run_scoped3A : memref<!tpu.dma_semaphore, #tpu.memory_space<semaphore_mem>>) src(%dma_wait3A_35 : memref<40x128xi32, #tpu.memory_space<hbm>>) dst(%arg7 : memref<40x128xi32, #tpu.memory_space<vmem>>)
      tpu.yield
    }) : () -> ()
    "tpu.region"() ({
      %run_scoped3A = tpu.sem_alloc : memref<!tpu.dma_semaphore, #tpu.memory_space<semaphore_mem>>
      tpu.enqueue_dma source(%arg3 : memref<128x128xf32, #tpu.memory_space<hbm>>) target(%arg8 : memref<128x128xf32, #tpu.memory_space<vmem>>) target_semaphore(%run_scoped3A : memref<!tpu.dma_semaphore, #tpu.memory_space<semaphore_mem>>)
      tpu.wait_dma2 semaphore(%run_scoped3A : memref<!tpu.dma_semaphore, #tpu.memory_space<semaphore_mem>>) src(%arg3 : memref<128x128xf32, #tpu.memory_space<hbm>>) dst(%arg8 : memref<128x128xf32, #tpu.memory_space<vmem>>)
      tpu.yield
    }) : () -> ()
    %mul3A_1 = arith.constant 640 : i32
    %mul3A_2 = arith.muli %arg1, %mul3A_1 : i32
    "tpu.region"() ({
      %run_scoped3A = tpu.sem_alloc : memref<!tpu.dma_semaphore, #tpu.memory_space<semaphore_mem>>
      %dma_start3A = arith.constant 0 : i32
      %dma_start3A_22 = tpu.memref_slice %arg6[%mul3A_2, %dma_start3A] : memref<10240x128xf32, #tpu.memory_space<vmem_shared>> -> memref<640x128xf32, #tpu.memory_space<vmem_shared>>
      tpu.enqueue_dma source(%arg4 : memref<640x128xf32, #tpu.memory_space<hbm>>) target(%dma_start3A_22 : memref<640x128xf32, #tpu.memory_space<vmem_shared>>) target_semaphore(%run_scoped3A : memref<!tpu.dma_semaphore, #tpu.memory_space<semaphore_mem>>)
      %dma_wait3A = arith.constant 0 : i32
      %dma_wait3A_23 = tpu.memref_slice %arg6[%mul3A_2, %dma_wait3A] : memref<10240x128xf32, #tpu.memory_space<vmem_shared>> -> memref<640x128xf32, #tpu.memory_space<vmem_shared>>
      tpu.wait_dma2 semaphore(%run_scoped3A : memref<!tpu.dma_semaphore, #tpu.memory_space<semaphore_mem>>) src(%arg4 : memref<640x128xf32, #tpu.memory_space<hbm>>) dst(%dma_wait3A_23 : memref<640x128xf32, #tpu.memory_space<vmem_shared>>)
      tpu.yield
    }) : () -> ()
    %barrier3A = arith.constant 0 : index
    tpu.barrier barrier_id(%barrier3A)
    %scan3A = arith.constant 0 : i32
    %scan3A_3 = arith.constant 0 : i32
    %scan3A_4 = arith.constant 40 : i32
    %scan3A_5 = arith.addi %scan3A_3, %scan3A_4 : i32
    %scan3A_6 = arith.constant 1 : i32
    scf.for %scan3A_22 = %scan3A_3 to %scan3A_5 step %scan3A_6  : i32 {
      %dma_start3A = arith.constant 0 : i32
      %dma_start3A_23 = tpu.memref_slice %arg7[%scan3A_22, %dma_start3A] : memref<40x128xi32, #tpu.memory_space<vmem>> -> memref<1x128xi32, #tpu.memory_space<vmem>>
      %dma_start3A_24 = tpu.memref_squeeze %dma_start3A_23 : memref<1x128xi32, #tpu.memory_space<vmem>> -> memref<128xi32, #tpu.memory_space<vmem>>
      %dma_start3A_25 = arith.constant 0 : i32
      %dma_start3A_26 = arith.constant 0 : i32
      %dma_start3A_27 = tpu.memref_slice %arg6[%dma_start3A_25, %dma_start3A_26] : memref<10240x128xf32, #tpu.memory_space<vmem_shared>> -> memref<10240x128xf32, #tpu.memory_space<vmem_shared>>
      tpu.enqueue_indirect_dma source(%arg8 : memref<128x128xf32, #tpu.memory_space<vmem>>) target(%dma_start3A_27 : memref<10240x128xf32, #tpu.memory_space<vmem_shared>>) offsets(%dma_start3A_24 : memref<128xi32, #tpu.memory_space<vmem>>) semaphore(%arg9 : memref<!tpu.dma_semaphore, #tpu.memory_space<semaphore_mem>>) {add = true}
    }
    %scan3A_7 = arith.constant 40 : i32
    %scan3A_8 = arith.constant 0 : i32
    %scan3A_9 = arith.constant 0 : i32
    %scan3A_10 = arith.constant 40 : i32
    %scan3A_11 = arith.addi %scan3A_9, %scan3A_10 : i32
    %scan3A_12 = arith.constant 1 : i32
    scf.for %scan3A_22 = %scan3A_9 to %scan3A_11 step %scan3A_12  : i32 {
      %dma_wait3A = arith.constant 0 : i32
      %dma_wait3A_23 = tpu.memref_slice %arg7[%scan3A_22, %dma_wait3A] : memref<40x128xi32, #tpu.memory_space<vmem>> -> memref<1x128xi32, #tpu.memory_space<vmem>>
      %dma_wait3A_24 = tpu.memref_squeeze %dma_wait3A_23 : memref<1x128xi32, #tpu.memory_space<vmem>> -> memref<128xi32, #tpu.memory_space<vmem>>
      %dma_wait3A_25 = arith.constant 0 : i32
      %dma_wait3A_26 = arith.constant 0 : i32
      %dma_wait3A_27 = tpu.memref_slice %arg6[%dma_wait3A_25, %dma_wait3A_26] : memref<10240x128xf32, #tpu.memory_space<vmem_shared>> -> memref<10240x128xf32, #tpu.memory_space<vmem_shared>>
      tpu.wait_indirect_dma semaphore(%arg9 : memref<!tpu.dma_semaphore, #tpu.memory_space<semaphore_mem>>) src(%arg8 : memref<128x128xf32, #tpu.memory_space<vmem>>) dst(%dma_wait3A_27 : memref<10240x128xf32, #tpu.memory_space<vmem_shared>>)
    }
    %scan3A_13 = arith.constant 40 : i32
    %barrier3A_14 = arith.constant 0 : index
    tpu.barrier barrier_id(%barrier3A_14)
    %mul3A_15 = arith.constant 640 : i32
    %mul3A_16 = arith.muli %arg1, %mul3A_15 : i32
    %mul3A_17 = arith.constant 10240 : i32
    %mul3A_18 = arith.muli %arg0, %mul3A_17 : i32
    %mul3A_19 = arith.constant 640 : i32
    %mul3A_20 = arith.muli %arg1, %mul3A_19 : i32
    %add3A_21 = arith.addi %mul3A_18, %mul3A_20 : i32
    "tpu.region"() ({
      %run_scoped3A = tpu.sem_alloc : memref<!tpu.dma_semaphore, #tpu.memory_space<semaphore_mem>>
      %dma_start3A = arith.constant 0 : i32
      %dma_start3A_22 = tpu.memref_slice %arg5[%add3A_21, %dma_start3A] : memref<20480x128xf32, #tpu.memory_space<hbm>> -> memref<640x128xf32, #tpu.memory_space<hbm>>
      %dma_start3A_23 = arith.constant 0 : i32
      %dma_start3A_24 = tpu.memref_slice %arg6[%mul3A_16, %dma_start3A_23] : memref<10240x128xf32, #tpu.memory_space<vmem_shared>> -> memref<640x128xf32, #tpu.memory_space<vmem_shared>>
      tpu.enqueue_dma source(%dma_start3A_24 : memref<640x128xf32, #tpu.memory_space<vmem_shared>>) target(%dma_start3A_22 : memref<640x128xf32, #tpu.memory_space<hbm>>) target_semaphore(%run_scoped3A : memref<!tpu.dma_semaphore, #tpu.memory_space<semaphore_mem>>)
      %dma_wait3A = arith.constant 0 : i32
      %dma_wait3A_25 = tpu.memref_slice %arg5[%add3A_21, %dma_wait3A] : memref<20480x128xf32, #tpu.memory_space<hbm>> -> memref<640x128xf32, #tpu.memory_space<hbm>>
      %dma_wait3A_26 = arith.constant 0 : i32
      %dma_wait3A_27 = tpu.memref_slice %arg6[%mul3A_16, %dma_wait3A_26] : memref<10240x128xf32, #tpu.memory_space<vmem_shared>> -> memref<640x128xf32, #tpu.memory_space<vmem_shared>>
      tpu.wait_dma2 semaphore(%run_scoped3A : memref<!tpu.dma_semaphore, #tpu.memory_space<semaphore_mem>>) src(%dma_wait3A_27 : memref<640x128xf32, #tpu.memory_space<vmem_shared>>) dst(%dma_wait3A_25 : memref<640x128xf32, #tpu.memory_space<hbm>>)
      tpu.yield
    }) : () -> ()
    return
  }
}

#map = affine_map<(d0, d1) -> (0, 0, 0)>
#map1 = affine_map<(d0, d1) -> (0, 0)>
module attributes {stable_mosaic.version = 14 : i64} {
  func.func @_agg_body(%arg0: i32, %arg1: i32, %arg2: memref<32x80x128xi32, #tpu.memory_space<hbm>>, %arg3: memref<16x80x128xi32, #tpu.memory_space<hbm>>, %arg4: memref<20480x128xf32, #tpu.memory_space<hbm>>, %arg5: memref<640x128xf32, #tpu.memory_space<hbm>>, %arg6: memref<20480x128xf32, #tpu.memory_space<hbm>>, %arg7: memref<10240x128xf32, #tpu.memory_space<vmem_shared>>, %arg8: memref<40x128xi32, #tpu.memory_space<vmem>>, %arg9: memref<40x128xi32, #tpu.memory_space<vmem>>, %arg10: memref<2x128x128xf32, #tpu.memory_space<vmem>>, %arg11: memref<2x!tpu.dma_semaphore, #tpu.memory_space<semaphore_mem>>) attributes {dimension_semantics = [#tpu.dimension_semantics<core_parallel>, #tpu.dimension_semantics<subcore_parallel>], iteration_bounds = array<i64: 2, 16>, scalar_prefetch = 0 : i64, scratch_operands = 5 : i64, tpu.core_type = #tpu.core_type<sc_vector_subcore>, window_params = [{transform_indices = #map}, {transform_indices = #map}, {transform_indices = #map1}, {transform_indices = #map1}, {transform_indices = #map1}]} {
    %mul3A = arith.constant 16 : i32
    %mul3A_0 = arith.muli %arg0, %mul3A : i32
    %add3A = arith.addi %mul3A_0, %arg1 : i32
    %mul3A_1 = arith.constant 640 : i32
    %mul3A_2 = arith.muli %arg1, %mul3A_1 : i32
    "tpu.region"() ({
      %run_scoped3A = tpu.sem_alloc : memref<!tpu.dma_semaphore, #tpu.memory_space<semaphore_mem>>
      %dma_start3A_261 = arith.constant 0 : i32
      %dma_start3A_262 = tpu.memref_slice %arg7[%mul3A_2, %dma_start3A_261] : memref<10240x128xf32, #tpu.memory_space<vmem_shared>> -> memref<640x128xf32, #tpu.memory_space<vmem_shared>>
      tpu.enqueue_dma source(%arg5 : memref<640x128xf32, #tpu.memory_space<hbm>>) target(%dma_start3A_262 : memref<640x128xf32, #tpu.memory_space<vmem_shared>>) target_semaphore(%run_scoped3A : memref<!tpu.dma_semaphore, #tpu.memory_space<semaphore_mem>>)
      %dma_wait3A = arith.constant 0 : i32
      %dma_wait3A_263 = tpu.memref_slice %arg7[%mul3A_2, %dma_wait3A] : memref<10240x128xf32, #tpu.memory_space<vmem_shared>> -> memref<640x128xf32, #tpu.memory_space<vmem_shared>>
      tpu.wait_dma2 semaphore(%run_scoped3A : memref<!tpu.dma_semaphore, #tpu.memory_space<semaphore_mem>>) src(%arg5 : memref<640x128xf32, #tpu.memory_space<hbm>>) dst(%dma_wait3A_263 : memref<640x128xf32, #tpu.memory_space<vmem_shared>>)
      tpu.yield
    }) : () -> ()
    %barrier3A = arith.constant 0 : index
    tpu.barrier barrier_id(%barrier3A)
    "tpu.region"() ({
      %run_scoped3A = tpu.sem_alloc : memref<!tpu.dma_semaphore, #tpu.memory_space<semaphore_mem>>
      %dma_start3A_261 = arith.constant 0 : i32
      %dma_start3A_262 = arith.constant 0 : i32
      %dma_start3A_263 = tpu.memref_slice %arg2[%add3A, %dma_start3A_261, %dma_start3A_262] : memref<32x80x128xi32, #tpu.memory_space<hbm>> -> memref<1x40x128xi32, #tpu.memory_space<hbm>>
      %dma_start3A_264 = tpu.memref_squeeze %dma_start3A_263 : memref<1x40x128xi32, #tpu.memory_space<hbm>> -> memref<40x128xi32, #tpu.memory_space<hbm>>
      %dma_start3A_265 = arith.constant 0 : i32
      %dma_start3A_266 = arith.constant 0 : i32
      %dma_start3A_267 = tpu.memref_slice %arg2[%add3A, %dma_start3A_265, %dma_start3A_266] : memref<32x80x128xi32, #tpu.memory_space<hbm>> -> memref<1x40x128xi32, #tpu.memory_space<hbm>>
      %dma_start3A_268 = tpu.memref_squeeze %dma_start3A_267 : memref<1x40x128xi32, #tpu.memory_space<hbm>> -> memref<40x128xi32, #tpu.memory_space<hbm>>
      tpu.enqueue_dma source(%dma_start3A_268 : memref<40x128xi32, #tpu.memory_space<hbm>>) target(%arg8 : memref<40x128xi32, #tpu.memory_space<vmem>>) target_semaphore(%run_scoped3A : memref<!tpu.dma_semaphore, #tpu.memory_space<semaphore_mem>>)
      %dma_wait3A = arith.constant 0 : i32
      %dma_wait3A_269 = arith.constant 0 : i32
      %dma_wait3A_270 = tpu.memref_slice %arg2[%add3A, %dma_wait3A, %dma_wait3A_269] : memref<32x80x128xi32, #tpu.memory_space<hbm>> -> memref<1x40x128xi32, #tpu.memory_space<hbm>>
      %dma_wait3A_271 = tpu.memref_squeeze %dma_wait3A_270 : memref<1x40x128xi32, #tpu.memory_space<hbm>> -> memref<40x128xi32, #tpu.memory_space<hbm>>
      %dma_wait3A_272 = arith.constant 0 : i32
      %dma_wait3A_273 = arith.constant 0 : i32
      %dma_wait3A_274 = tpu.memref_slice %arg2[%add3A, %dma_wait3A_272, %dma_wait3A_273] : memref<32x80x128xi32, #tpu.memory_space<hbm>> -> memref<1x40x128xi32, #tpu.memory_space<hbm>>
      %dma_wait3A_275 = tpu.memref_squeeze %dma_wait3A_274 : memref<1x40x128xi32, #tpu.memory_space<hbm>> -> memref<40x128xi32, #tpu.memory_space<hbm>>
      tpu.wait_dma2 semaphore(%run_scoped3A : memref<!tpu.dma_semaphore, #tpu.memory_space<semaphore_mem>>) src(%dma_wait3A_275 : memref<40x128xi32, #tpu.memory_space<hbm>>) dst(%arg8 : memref<40x128xi32, #tpu.memory_space<vmem>>)
      tpu.yield
    }) : () -> ()
    "tpu.region"() ({
      %run_scoped3A = tpu.sem_alloc : memref<!tpu.dma_semaphore, #tpu.memory_space<semaphore_mem>>
      %dma_start3A_261 = arith.constant 0 : i32
      %dma_start3A_262 = arith.constant 0 : i32
      %dma_start3A_263 = tpu.memref_slice %arg3[%arg1, %dma_start3A_261, %dma_start3A_262] : memref<16x80x128xi32, #tpu.memory_space<hbm>> -> memref<1x40x128xi32, #tpu.memory_space<hbm>>
      %dma_start3A_264 = tpu.memref_squeeze %dma_start3A_263 : memref<1x40x128xi32, #tpu.memory_space<hbm>> -> memref<40x128xi32, #tpu.memory_space<hbm>>
      %dma_start3A_265 = arith.constant 0 : i32
      %dma_start3A_266 = arith.constant 0 : i32
      %dma_start3A_267 = tpu.memref_slice %arg3[%arg1, %dma_start3A_265, %dma_start3A_266] : memref<16x80x128xi32, #tpu.memory_space<hbm>> -> memref<1x40x128xi32, #tpu.memory_space<hbm>>
      %dma_start3A_268 = tpu.memref_squeeze %dma_start3A_267 : memref<1x40x128xi32, #tpu.memory_space<hbm>> -> memref<40x128xi32, #tpu.memory_space<hbm>>
      tpu.enqueue_dma source(%dma_start3A_268 : memref<40x128xi32, #tpu.memory_space<hbm>>) target(%arg9 : memref<40x128xi32, #tpu.memory_space<vmem>>) target_semaphore(%run_scoped3A : memref<!tpu.dma_semaphore, #tpu.memory_space<semaphore_mem>>)
      %dma_wait3A = arith.constant 0 : i32
      %dma_wait3A_269 = arith.constant 0 : i32
      %dma_wait3A_270 = tpu.memref_slice %arg3[%arg1, %dma_wait3A, %dma_wait3A_269] : memref<16x80x128xi32, #tpu.memory_space<hbm>> -> memref<1x40x128xi32, #tpu.memory_space<hbm>>
      %dma_wait3A_271 = tpu.memref_squeeze %dma_wait3A_270 : memref<1x40x128xi32, #tpu.memory_space<hbm>> -> memref<40x128xi32, #tpu.memory_space<hbm>>
      %dma_wait3A_272 = arith.constant 0 : i32
      %dma_wait3A_273 = arith.constant 0 : i32
      %dma_wait3A_274 = tpu.memref_slice %arg3[%arg1, %dma_wait3A_272, %dma_wait3A_273] : memref<16x80x128xi32, #tpu.memory_space<hbm>> -> memref<1x40x128xi32, #tpu.memory_space<hbm>>
      %dma_wait3A_275 = tpu.memref_squeeze %dma_wait3A_274 : memref<1x40x128xi32, #tpu.memory_space<hbm>> -> memref<40x128xi32, #tpu.memory_space<hbm>>
      tpu.wait_dma2 semaphore(%run_scoped3A : memref<!tpu.dma_semaphore, #tpu.memory_space<semaphore_mem>>) src(%dma_wait3A_275 : memref<40x128xi32, #tpu.memory_space<hbm>>) dst(%arg9 : memref<40x128xi32, #tpu.memory_space<vmem>>)
      tpu.yield
    }) : () -> ()
    %dma_start3A = arith.constant 0 : i32
    %dma_start3A_3 = arith.constant 0 : i32
    %dma_start3A_4 = arith.constant 0 : i32
    %dma_start3A_5 = arith.constant 0 : i32
    %dma_start3A_6 = arith.constant 0 : i32
    %dma_start3A_7 = tpu.memref_slice %arg10[%dma_start3A_3, %dma_start3A_5, %dma_start3A_6] : memref<2x128x128xf32, #tpu.memory_space<vmem>> -> memref<1x32x128xf32, #tpu.memory_space<vmem>>
    %dma_start3A_8 = tpu.memref_squeeze %dma_start3A_7 : memref<1x32x128xf32, #tpu.memory_space<vmem>> -> memref<32x128xf32, #tpu.memory_space<vmem>>
    %dma_start3A_9 = arith.constant 0 : i32
    %dma_start3A_10 = tpu.memref_slice %arg8[%dma_start3A, %dma_start3A_9] : memref<40x128xi32, #tpu.memory_space<vmem>> -> memref<1x32xi32, #tpu.memory_space<vmem>>
    %dma_start3A_11 = tpu.memref_squeeze %dma_start3A_10 : memref<1x32xi32, #tpu.memory_space<vmem>> -> memref<32xi32, #tpu.memory_space<vmem>>
    %dma_start3A_12 = arith.constant 0 : i32
    %dma_start3A_13 = arith.constant 0 : i32
    %dma_start3A_14 = tpu.memref_slice %arg4[%dma_start3A_12, %dma_start3A_13] : memref<20480x128xf32, #tpu.memory_space<hbm>> -> memref<20480x128xf32, #tpu.memory_space<hbm>>
    %dma_start3A_15 = tpu.memref_slice %arg11[%dma_start3A_4] : memref<2x!tpu.dma_semaphore, #tpu.memory_space<semaphore_mem>> -> memref<1x!tpu.dma_semaphore, #tpu.memory_space<semaphore_mem>>
    %dma_start3A_16 = tpu.memref_squeeze %dma_start3A_15 : memref<1x!tpu.dma_semaphore, #tpu.memory_space<semaphore_mem>> -> memref<!tpu.dma_semaphore, #tpu.memory_space<semaphore_mem>>
    tpu.enqueue_indirect_dma source(%dma_start3A_14 : memref<20480x128xf32, #tpu.memory_space<hbm>>) target(%dma_start3A_8 : memref<32x128xf32, #tpu.memory_space<vmem>>) offsets(%dma_start3A_11 : memref<32xi32, #tpu.memory_space<vmem>>) semaphore(%dma_start3A_16 : memref<!tpu.dma_semaphore, #tpu.memory_space<semaphore_mem>>)
    %dma_start3A_17 = arith.constant 0 : i32
    %dma_start3A_18 = arith.constant 0 : i32
    %dma_start3A_19 = arith.constant 0 : i32
    %dma_start3A_20 = arith.constant 32 : i32
    %dma_start3A_21 = arith.constant 0 : i32
    %dma_start3A_22 = tpu.memref_slice %arg10[%dma_start3A_18, %dma_start3A_20, %dma_start3A_21] : memref<2x128x128xf32, #tpu.memory_space<vmem>> -> memref<1x32x128xf32, #tpu.memory_space<vmem>>
    %dma_start3A_23 = tpu.memref_squeeze %dma_start3A_22 : memref<1x32x128xf32, #tpu.memory_space<vmem>> -> memref<32x128xf32, #tpu.memory_space<vmem>>
    %dma_start3A_24 = arith.constant 32 : i32
    %dma_start3A_25 = tpu.memref_slice %arg8[%dma_start3A_17, %dma_start3A_24] : memref<40x128xi32, #tpu.memory_space<vmem>> -> memref<1x32xi32, #tpu.memory_space<vmem>>
    %dma_start3A_26 = tpu.memref_squeeze %dma_start3A_25 : memref<1x32xi32, #tpu.memory_space<vmem>> -> memref<32xi32, #tpu.memory_space<vmem>>
    %dma_start3A_27 = arith.constant 0 : i32
    %dma_start3A_28 = arith.constant 0 : i32
    %dma_start3A_29 = tpu.memref_slice %arg4[%dma_start3A_27, %dma_start3A_28] : memref<20480x128xf32, #tpu.memory_space<hbm>> -> memref<20480x128xf32, #tpu.memory_space<hbm>>
    %dma_start3A_30 = tpu.memref_slice %arg11[%dma_start3A_19] : memref<2x!tpu.dma_semaphore, #tpu.memory_space<semaphore_mem>> -> memref<1x!tpu.dma_semaphore, #tpu.memory_space<semaphore_mem>>
    %dma_start3A_31 = tpu.memref_squeeze %dma_start3A_30 : memref<1x!tpu.dma_semaphore, #tpu.memory_space<semaphore_mem>> -> memref<!tpu.dma_semaphore, #tpu.memory_space<semaphore_mem>>
    tpu.enqueue_indirect_dma source(%dma_start3A_29 : memref<20480x128xf32, #tpu.memory_space<hbm>>) target(%dma_start3A_23 : memref<32x128xf32, #tpu.memory_space<vmem>>) offsets(%dma_start3A_26 : memref<32xi32, #tpu.memory_space<vmem>>) semaphore(%dma_start3A_31 : memref<!tpu.dma_semaphore, #tpu.memory_space<semaphore_mem>>)
    %dma_start3A_32 = arith.constant 0 : i32
    %dma_start3A_33 = arith.constant 0 : i32
    %dma_start3A_34 = arith.constant 0 : i32
    %dma_start3A_35 = arith.constant 64 : i32
    %dma_start3A_36 = arith.constant 0 : i32
    %dma_start3A_37 = tpu.memref_slice %arg10[%dma_start3A_33, %dma_start3A_35, %dma_start3A_36] : memref<2x128x128xf32, #tpu.memory_space<vmem>> -> memref<1x32x128xf32, #tpu.memory_space<vmem>>
    %dma_start3A_38 = tpu.memref_squeeze %dma_start3A_37 : memref<1x32x128xf32, #tpu.memory_space<vmem>> -> memref<32x128xf32, #tpu.memory_space<vmem>>
    %dma_start3A_39 = arith.constant 64 : i32
    %dma_start3A_40 = tpu.memref_slice %arg8[%dma_start3A_32, %dma_start3A_39] : memref<40x128xi32, #tpu.memory_space<vmem>> -> memref<1x32xi32, #tpu.memory_space<vmem>>
    %dma_start3A_41 = tpu.memref_squeeze %dma_start3A_40 : memref<1x32xi32, #tpu.memory_space<vmem>> -> memref<32xi32, #tpu.memory_space<vmem>>
    %dma_start3A_42 = arith.constant 0 : i32
    %dma_start3A_43 = arith.constant 0 : i32
    %dma_start3A_44 = tpu.memref_slice %arg4[%dma_start3A_42, %dma_start3A_43] : memref<20480x128xf32, #tpu.memory_space<hbm>> -> memref<20480x128xf32, #tpu.memory_space<hbm>>
    %dma_start3A_45 = tpu.memref_slice %arg11[%dma_start3A_34] : memref<2x!tpu.dma_semaphore, #tpu.memory_space<semaphore_mem>> -> memref<1x!tpu.dma_semaphore, #tpu.memory_space<semaphore_mem>>
    %dma_start3A_46 = tpu.memref_squeeze %dma_start3A_45 : memref<1x!tpu.dma_semaphore, #tpu.memory_space<semaphore_mem>> -> memref<!tpu.dma_semaphore, #tpu.memory_space<semaphore_mem>>
    tpu.enqueue_indirect_dma source(%dma_start3A_44 : memref<20480x128xf32, #tpu.memory_space<hbm>>) target(%dma_start3A_38 : memref<32x128xf32, #tpu.memory_space<vmem>>) offsets(%dma_start3A_41 : memref<32xi32, #tpu.memory_space<vmem>>) semaphore(%dma_start3A_46 : memref<!tpu.dma_semaphore, #tpu.memory_space<semaphore_mem>>)
    %dma_start3A_47 = arith.constant 0 : i32
    %dma_start3A_48 = arith.constant 0 : i32
    %dma_start3A_49 = arith.constant 0 : i32
    %dma_start3A_50 = arith.constant 96 : i32
    %dma_start3A_51 = arith.constant 0 : i32
    %dma_start3A_52 = tpu.memref_slice %arg10[%dma_start3A_48, %dma_start3A_50, %dma_start3A_51] : memref<2x128x128xf32, #tpu.memory_space<vmem>> -> memref<1x32x128xf32, #tpu.memory_space<vmem>>
    %dma_start3A_53 = tpu.memref_squeeze %dma_start3A_52 : memref<1x32x128xf32, #tpu.memory_space<vmem>> -> memref<32x128xf32, #tpu.memory_space<vmem>>
    %dma_start3A_54 = arith.constant 96 : i32
    %dma_start3A_55 = tpu.memref_slice %arg8[%dma_start3A_47, %dma_start3A_54] : memref<40x128xi32, #tpu.memory_space<vmem>> -> memref<1x32xi32, #tpu.memory_space<vmem>>
    %dma_start3A_56 = tpu.memref_squeeze %dma_start3A_55 : memref<1x32xi32, #tpu.memory_space<vmem>> -> memref<32xi32, #tpu.memory_space<vmem>>
    %dma_start3A_57 = arith.constant 0 : i32
    %dma_start3A_58 = arith.constant 0 : i32
    %dma_start3A_59 = tpu.memref_slice %arg4[%dma_start3A_57, %dma_start3A_58] : memref<20480x128xf32, #tpu.memory_space<hbm>> -> memref<20480x128xf32, #tpu.memory_space<hbm>>
    %dma_start3A_60 = tpu.memref_slice %arg11[%dma_start3A_49] : memref<2x!tpu.dma_semaphore, #tpu.memory_space<semaphore_mem>> -> memref<1x!tpu.dma_semaphore, #tpu.memory_space<semaphore_mem>>
    %dma_start3A_61 = tpu.memref_squeeze %dma_start3A_60 : memref<1x!tpu.dma_semaphore, #tpu.memory_space<semaphore_mem>> -> memref<!tpu.dma_semaphore, #tpu.memory_space<semaphore_mem>>
    tpu.enqueue_indirect_dma source(%dma_start3A_59 : memref<20480x128xf32, #tpu.memory_space<hbm>>) target(%dma_start3A_53 : memref<32x128xf32, #tpu.memory_space<vmem>>) offsets(%dma_start3A_56 : memref<32xi32, #tpu.memory_space<vmem>>) semaphore(%dma_start3A_61 : memref<!tpu.dma_semaphore, #tpu.memory_space<semaphore_mem>>)
    %dma_start3A_62 = arith.constant 1 : i32
    %dma_start3A_63 = arith.constant 1 : i32
    %dma_start3A_64 = arith.constant 1 : i32
    %dma_start3A_65 = arith.constant 0 : i32
    %dma_start3A_66 = arith.constant 0 : i32
    %dma_start3A_67 = tpu.memref_slice %arg10[%dma_start3A_63, %dma_start3A_65, %dma_start3A_66] : memref<2x128x128xf32, #tpu.memory_space<vmem>> -> memref<1x32x128xf32, #tpu.memory_space<vmem>>
    %dma_start3A_68 = tpu.memref_squeeze %dma_start3A_67 : memref<1x32x128xf32, #tpu.memory_space<vmem>> -> memref<32x128xf32, #tpu.memory_space<vmem>>
    %dma_start3A_69 = arith.constant 0 : i32
    %dma_start3A_70 = tpu.memref_slice %arg8[%dma_start3A_62, %dma_start3A_69] : memref<40x128xi32, #tpu.memory_space<vmem>> -> memref<1x32xi32, #tpu.memory_space<vmem>>
    %dma_start3A_71 = tpu.memref_squeeze %dma_start3A_70 : memref<1x32xi32, #tpu.memory_space<vmem>> -> memref<32xi32, #tpu.memory_space<vmem>>
    %dma_start3A_72 = arith.constant 0 : i32
    %dma_start3A_73 = arith.constant 0 : i32
    %dma_start3A_74 = tpu.memref_slice %arg4[%dma_start3A_72, %dma_start3A_73] : memref<20480x128xf32, #tpu.memory_space<hbm>> -> memref<20480x128xf32, #tpu.memory_space<hbm>>
    %dma_start3A_75 = tpu.memref_slice %arg11[%dma_start3A_64] : memref<2x!tpu.dma_semaphore, #tpu.memory_space<semaphore_mem>> -> memref<1x!tpu.dma_semaphore, #tpu.memory_space<semaphore_mem>>
    %dma_start3A_76 = tpu.memref_squeeze %dma_start3A_75 : memref<1x!tpu.dma_semaphore, #tpu.memory_space<semaphore_mem>> -> memref<!tpu.dma_semaphore, #tpu.memory_space<semaphore_mem>>
    tpu.enqueue_indirect_dma source(%dma_start3A_74 : memref<20480x128xf32, #tpu.memory_space<hbm>>) target(%dma_start3A_68 : memref<32x128xf32, #tpu.memory_space<vmem>>) offsets(%dma_start3A_71 : memref<32xi32, #tpu.memory_space<vmem>>) semaphore(%dma_start3A_76 : memref<!tpu.dma_semaphore, #tpu.memory_space<semaphore_mem>>)
    %dma_start3A_77 = arith.constant 1 : i32
    %dma_start3A_78 = arith.constant 1 : i32
    %dma_start3A_79 = arith.constant 1 : i32
    %dma_start3A_80 = arith.constant 32 : i32
    %dma_start3A_81 = arith.constant 0 : i32
    %dma_start3A_82 = tpu.memref_slice %arg10[%dma_start3A_78, %dma_start3A_80, %dma_start3A_81] : memref<2x128x128xf32, #tpu.memory_space<vmem>> -> memref<1x32x128xf32, #tpu.memory_space<vmem>>
    %dma_start3A_83 = tpu.memref_squeeze %dma_start3A_82 : memref<1x32x128xf32, #tpu.memory_space<vmem>> -> memref<32x128xf32, #tpu.memory_space<vmem>>
    %dma_start3A_84 = arith.constant 32 : i32
    %dma_start3A_85 = tpu.memref_slice %arg8[%dma_start3A_77, %dma_start3A_84] : memref<40x128xi32, #tpu.memory_space<vmem>> -> memref<1x32xi32, #tpu.memory_space<vmem>>
    %dma_start3A_86 = tpu.memref_squeeze %dma_start3A_85 : memref<1x32xi32, #tpu.memory_space<vmem>> -> memref<32xi32, #tpu.memory_space<vmem>>
    %dma_start3A_87 = arith.constant 0 : i32
    %dma_start3A_88 = arith.constant 0 : i32
    %dma_start3A_89 = tpu.memref_slice %arg4[%dma_start3A_87, %dma_start3A_88] : memref<20480x128xf32, #tpu.memory_space<hbm>> -> memref<20480x128xf32, #tpu.memory_space<hbm>>
    %dma_start3A_90 = tpu.memref_slice %arg11[%dma_start3A_79] : memref<2x!tpu.dma_semaphore, #tpu.memory_space<semaphore_mem>> -> memref<1x!tpu.dma_semaphore, #tpu.memory_space<semaphore_mem>>
    %dma_start3A_91 = tpu.memref_squeeze %dma_start3A_90 : memref<1x!tpu.dma_semaphore, #tpu.memory_space<semaphore_mem>> -> memref<!tpu.dma_semaphore, #tpu.memory_space<semaphore_mem>>
    tpu.enqueue_indirect_dma source(%dma_start3A_89 : memref<20480x128xf32, #tpu.memory_space<hbm>>) target(%dma_start3A_83 : memref<32x128xf32, #tpu.memory_space<vmem>>) offsets(%dma_start3A_86 : memref<32xi32, #tpu.memory_space<vmem>>) semaphore(%dma_start3A_91 : memref<!tpu.dma_semaphore, #tpu.memory_space<semaphore_mem>>)
    %dma_start3A_92 = arith.constant 1 : i32
    %dma_start3A_93 = arith.constant 1 : i32
    %dma_start3A_94 = arith.constant 1 : i32
    %dma_start3A_95 = arith.constant 64 : i32
    %dma_start3A_96 = arith.constant 0 : i32
    %dma_start3A_97 = tpu.memref_slice %arg10[%dma_start3A_93, %dma_start3A_95, %dma_start3A_96] : memref<2x128x128xf32, #tpu.memory_space<vmem>> -> memref<1x32x128xf32, #tpu.memory_space<vmem>>
    %dma_start3A_98 = tpu.memref_squeeze %dma_start3A_97 : memref<1x32x128xf32, #tpu.memory_space<vmem>> -> memref<32x128xf32, #tpu.memory_space<vmem>>
    %dma_start3A_99 = arith.constant 64 : i32
    %dma_start3A_100 = tpu.memref_slice %arg8[%dma_start3A_92, %dma_start3A_99] : memref<40x128xi32, #tpu.memory_space<vmem>> -> memref<1x32xi32, #tpu.memory_space<vmem>>
    %dma_start3A_101 = tpu.memref_squeeze %dma_start3A_100 : memref<1x32xi32, #tpu.memory_space<vmem>> -> memref<32xi32, #tpu.memory_space<vmem>>
    %dma_start3A_102 = arith.constant 0 : i32
    %dma_start3A_103 = arith.constant 0 : i32
    %dma_start3A_104 = tpu.memref_slice %arg4[%dma_start3A_102, %dma_start3A_103] : memref<20480x128xf32, #tpu.memory_space<hbm>> -> memref<20480x128xf32, #tpu.memory_space<hbm>>
    %dma_start3A_105 = tpu.memref_slice %arg11[%dma_start3A_94] : memref<2x!tpu.dma_semaphore, #tpu.memory_space<semaphore_mem>> -> memref<1x!tpu.dma_semaphore, #tpu.memory_space<semaphore_mem>>
    %dma_start3A_106 = tpu.memref_squeeze %dma_start3A_105 : memref<1x!tpu.dma_semaphore, #tpu.memory_space<semaphore_mem>> -> memref<!tpu.dma_semaphore, #tpu.memory_space<semaphore_mem>>
    tpu.enqueue_indirect_dma source(%dma_start3A_104 : memref<20480x128xf32, #tpu.memory_space<hbm>>) target(%dma_start3A_98 : memref<32x128xf32, #tpu.memory_space<vmem>>) offsets(%dma_start3A_101 : memref<32xi32, #tpu.memory_space<vmem>>) semaphore(%dma_start3A_106 : memref<!tpu.dma_semaphore, #tpu.memory_space<semaphore_mem>>)
    %dma_start3A_107 = arith.constant 1 : i32
    %dma_start3A_108 = arith.constant 1 : i32
    %dma_start3A_109 = arith.constant 1 : i32
    %dma_start3A_110 = arith.constant 96 : i32
    %dma_start3A_111 = arith.constant 0 : i32
    %dma_start3A_112 = tpu.memref_slice %arg10[%dma_start3A_108, %dma_start3A_110, %dma_start3A_111] : memref<2x128x128xf32, #tpu.memory_space<vmem>> -> memref<1x32x128xf32, #tpu.memory_space<vmem>>
    %dma_start3A_113 = tpu.memref_squeeze %dma_start3A_112 : memref<1x32x128xf32, #tpu.memory_space<vmem>> -> memref<32x128xf32, #tpu.memory_space<vmem>>
    %dma_start3A_114 = arith.constant 96 : i32
    %dma_start3A_115 = tpu.memref_slice %arg8[%dma_start3A_107, %dma_start3A_114] : memref<40x128xi32, #tpu.memory_space<vmem>> -> memref<1x32xi32, #tpu.memory_space<vmem>>
    %dma_start3A_116 = tpu.memref_squeeze %dma_start3A_115 : memref<1x32xi32, #tpu.memory_space<vmem>> -> memref<32xi32, #tpu.memory_space<vmem>>
    %dma_start3A_117 = arith.constant 0 : i32
    %dma_start3A_118 = arith.constant 0 : i32
    %dma_start3A_119 = tpu.memref_slice %arg4[%dma_start3A_117, %dma_start3A_118] : memref<20480x128xf32, #tpu.memory_space<hbm>> -> memref<20480x128xf32, #tpu.memory_space<hbm>>
    %dma_start3A_120 = tpu.memref_slice %arg11[%dma_start3A_109] : memref<2x!tpu.dma_semaphore, #tpu.memory_space<semaphore_mem>> -> memref<1x!tpu.dma_semaphore, #tpu.memory_space<semaphore_mem>>
    %dma_start3A_121 = tpu.memref_squeeze %dma_start3A_120 : memref<1x!tpu.dma_semaphore, #tpu.memory_space<semaphore_mem>> -> memref<!tpu.dma_semaphore, #tpu.memory_space<semaphore_mem>>
    tpu.enqueue_indirect_dma source(%dma_start3A_119 : memref<20480x128xf32, #tpu.memory_space<hbm>>) target(%dma_start3A_113 : memref<32x128xf32, #tpu.memory_space<vmem>>) offsets(%dma_start3A_116 : memref<32xi32, #tpu.memory_space<vmem>>) semaphore(%dma_start3A_121 : memref<!tpu.dma_semaphore, #tpu.memory_space<semaphore_mem>>)
    %scan3A = arith.constant 0 : i32
    %scan3A_122 = arith.constant 0 : i32
    %scan3A_123 = arith.constant 20 : i32
    %scan3A_124 = arith.addi %scan3A_122, %scan3A_123 : i32
    %scan3A_125 = arith.constant 1 : i32
    scf.for %scan3A_261 = %scan3A_122 to %scan3A_124 step %scan3A_125  : i32 {
      %mul3A_262 = arith.constant 2 : i32
      %mul3A_263 = arith.muli %scan3A_261, %mul3A_262 : i32
      %add3A_264 = arith.constant 0 : i32
      %add3A_265 = arith.addi %mul3A_263, %add3A_264 : i32
      %dma_wait3A = arith.constant 0 : i32
      %dma_wait3A_266 = arith.constant 0 : i32
      %dma_wait3A_267 = arith.constant 0 : i32
      %dma_wait3A_268 = arith.constant 0 : i32
      %dma_wait3A_269 = tpu.memref_slice %arg10[%dma_wait3A, %dma_wait3A_267, %dma_wait3A_268] : memref<2x128x128xf32, #tpu.memory_space<vmem>> -> memref<1x32x128xf32, #tpu.memory_space<vmem>>
      %dma_wait3A_270 = tpu.memref_squeeze %dma_wait3A_269 : memref<1x32x128xf32, #tpu.memory_space<vmem>> -> memref<32x128xf32, #tpu.memory_space<vmem>>
      %dma_wait3A_271 = arith.constant 0 : i32
      %dma_wait3A_272 = tpu.memref_slice %arg8[%add3A_265, %dma_wait3A_271] : memref<40x128xi32, #tpu.memory_space<vmem>> -> memref<1x32xi32, #tpu.memory_space<vmem>>
      %dma_wait3A_273 = tpu.memref_squeeze %dma_wait3A_272 : memref<1x32xi32, #tpu.memory_space<vmem>> -> memref<32xi32, #tpu.memory_space<vmem>>
      %dma_wait3A_274 = arith.constant 0 : i32
      %dma_wait3A_275 = arith.constant 0 : i32
      %dma_wait3A_276 = tpu.memref_slice %arg4[%dma_wait3A_274, %dma_wait3A_275] : memref<20480x128xf32, #tpu.memory_space<hbm>> -> memref<20480x128xf32, #tpu.memory_space<hbm>>
      %dma_wait3A_277 = tpu.memref_slice %arg11[%dma_wait3A_266] : memref<2x!tpu.dma_semaphore, #tpu.memory_space<semaphore_mem>> -> memref<1x!tpu.dma_semaphore, #tpu.memory_space<semaphore_mem>>
      %dma_wait3A_278 = tpu.memref_squeeze %dma_wait3A_277 : memref<1x!tpu.dma_semaphore, #tpu.memory_space<semaphore_mem>> -> memref<!tpu.dma_semaphore, #tpu.memory_space<semaphore_mem>>
      tpu.wait_indirect_dma semaphore(%dma_wait3A_278 : memref<!tpu.dma_semaphore, #tpu.memory_space<semaphore_mem>>) src(%dma_wait3A_276 : memref<20480x128xf32, #tpu.memory_space<hbm>>) dst(%dma_wait3A_270 : memref<32x128xf32, #tpu.memory_space<vmem>>)
      %dma_wait3A_279 = arith.constant 0 : i32
      %dma_wait3A_280 = arith.constant 0 : i32
      %dma_wait3A_281 = arith.constant 32 : i32
      %dma_wait3A_282 = arith.constant 0 : i32
      %dma_wait3A_283 = tpu.memref_slice %arg10[%dma_wait3A_279, %dma_wait3A_281, %dma_wait3A_282] : memref<2x128x128xf32, #tpu.memory_space<vmem>> -> memref<1x32x128xf32, #tpu.memory_space<vmem>>
      %dma_wait3A_284 = tpu.memref_squeeze %dma_wait3A_283 : memref<1x32x128xf32, #tpu.memory_space<vmem>> -> memref<32x128xf32, #tpu.memory_space<vmem>>
      %dma_wait3A_285 = arith.constant 32 : i32
      %dma_wait3A_286 = tpu.memref_slice %arg8[%add3A_265, %dma_wait3A_285] : memref<40x128xi32, #tpu.memory_space<vmem>> -> memref<1x32xi32, #tpu.memory_space<vmem>>
      %dma_wait3A_287 = tpu.memref_squeeze %dma_wait3A_286 : memref<1x32xi32, #tpu.memory_space<vmem>> -> memref<32xi32, #tpu.memory_space<vmem>>
      %dma_wait3A_288 = arith.constant 0 : i32
      %dma_wait3A_289 = arith.constant 0 : i32
      %dma_wait3A_290 = tpu.memref_slice %arg4[%dma_wait3A_288, %dma_wait3A_289] : memref<20480x128xf32, #tpu.memory_space<hbm>> -> memref<20480x128xf32, #tpu.memory_space<hbm>>
      %dma_wait3A_291 = tpu.memref_slice %arg11[%dma_wait3A_280] : memref<2x!tpu.dma_semaphore, #tpu.memory_space<semaphore_mem>> -> memref<1x!tpu.dma_semaphore, #tpu.memory_space<semaphore_mem>>
      %dma_wait3A_292 = tpu.memref_squeeze %dma_wait3A_291 : memref<1x!tpu.dma_semaphore, #tpu.memory_space<semaphore_mem>> -> memref<!tpu.dma_semaphore, #tpu.memory_space<semaphore_mem>>
      tpu.wait_indirect_dma semaphore(%dma_wait3A_292 : memref<!tpu.dma_semaphore, #tpu.memory_space<semaphore_mem>>) src(%dma_wait3A_290 : memref<20480x128xf32, #tpu.memory_space<hbm>>) dst(%dma_wait3A_284 : memref<32x128xf32, #tpu.memory_space<vmem>>)
      %dma_wait3A_293 = arith.constant 0 : i32
      %dma_wait3A_294 = arith.constant 0 : i32
      %dma_wait3A_295 = arith.constant 64 : i32
      %dma_wait3A_296 = arith.constant 0 : i32
      %dma_wait3A_297 = tpu.memref_slice %arg10[%dma_wait3A_293, %dma_wait3A_295, %dma_wait3A_296] : memref<2x128x128xf32, #tpu.memory_space<vmem>> -> memref<1x32x128xf32, #tpu.memory_space<vmem>>
      %dma_wait3A_298 = tpu.memref_squeeze %dma_wait3A_297 : memref<1x32x128xf32, #tpu.memory_space<vmem>> -> memref<32x128xf32, #tpu.memory_space<vmem>>
      %dma_wait3A_299 = arith.constant 64 : i32
      %dma_wait3A_300 = tpu.memref_slice %arg8[%add3A_265, %dma_wait3A_299] : memref<40x128xi32, #tpu.memory_space<vmem>> -> memref<1x32xi32, #tpu.memory_space<vmem>>
      %dma_wait3A_301 = tpu.memref_squeeze %dma_wait3A_300 : memref<1x32xi32, #tpu.memory_space<vmem>> -> memref<32xi32, #tpu.memory_space<vmem>>
      %dma_wait3A_302 = arith.constant 0 : i32
      %dma_wait3A_303 = arith.constant 0 : i32
      %dma_wait3A_304 = tpu.memref_slice %arg4[%dma_wait3A_302, %dma_wait3A_303] : memref<20480x128xf32, #tpu.memory_space<hbm>> -> memref<20480x128xf32, #tpu.memory_space<hbm>>
      %dma_wait3A_305 = tpu.memref_slice %arg11[%dma_wait3A_294] : memref<2x!tpu.dma_semaphore, #tpu.memory_space<semaphore_mem>> -> memref<1x!tpu.dma_semaphore, #tpu.memory_space<semaphore_mem>>
      %dma_wait3A_306 = tpu.memref_squeeze %dma_wait3A_305 : memref<1x!tpu.dma_semaphore, #tpu.memory_space<semaphore_mem>> -> memref<!tpu.dma_semaphore, #tpu.memory_space<semaphore_mem>>
      tpu.wait_indirect_dma semaphore(%dma_wait3A_306 : memref<!tpu.dma_semaphore, #tpu.memory_space<semaphore_mem>>) src(%dma_wait3A_304 : memref<20480x128xf32, #tpu.memory_space<hbm>>) dst(%dma_wait3A_298 : memref<32x128xf32, #tpu.memory_space<vmem>>)
      %dma_wait3A_307 = arith.constant 0 : i32
      %dma_wait3A_308 = arith.constant 0 : i32
      %dma_wait3A_309 = arith.constant 96 : i32
      %dma_wait3A_310 = arith.constant 0 : i32
      %dma_wait3A_311 = tpu.memref_slice %arg10[%dma_wait3A_307, %dma_wait3A_309, %dma_wait3A_310] : memref<2x128x128xf32, #tpu.memory_space<vmem>> -> memref<1x32x128xf32, #tpu.memory_space<vmem>>
      %dma_wait3A_312 = tpu.memref_squeeze %dma_wait3A_311 : memref<1x32x128xf32, #tpu.memory_space<vmem>> -> memref<32x128xf32, #tpu.memory_space<vmem>>
      %dma_wait3A_313 = arith.constant 96 : i32
      %dma_wait3A_314 = tpu.memref_slice %arg8[%add3A_265, %dma_wait3A_313] : memref<40x128xi32, #tpu.memory_space<vmem>> -> memref<1x32xi32, #tpu.memory_space<vmem>>
      %dma_wait3A_315 = tpu.memref_squeeze %dma_wait3A_314 : memref<1x32xi32, #tpu.memory_space<vmem>> -> memref<32xi32, #tpu.memory_space<vmem>>
      %dma_wait3A_316 = arith.constant 0 : i32
      %dma_wait3A_317 = arith.constant 0 : i32
      %dma_wait3A_318 = tpu.memref_slice %arg4[%dma_wait3A_316, %dma_wait3A_317] : memref<20480x128xf32, #tpu.memory_space<hbm>> -> memref<20480x128xf32, #tpu.memory_space<hbm>>
      %dma_wait3A_319 = tpu.memref_slice %arg11[%dma_wait3A_308] : memref<2x!tpu.dma_semaphore, #tpu.memory_space<semaphore_mem>> -> memref<1x!tpu.dma_semaphore, #tpu.memory_space<semaphore_mem>>
      %dma_wait3A_320 = tpu.memref_squeeze %dma_wait3A_319 : memref<1x!tpu.dma_semaphore, #tpu.memory_space<semaphore_mem>> -> memref<!tpu.dma_semaphore, #tpu.memory_space<semaphore_mem>>
      tpu.wait_indirect_dma semaphore(%dma_wait3A_320 : memref<!tpu.dma_semaphore, #tpu.memory_space<semaphore_mem>>) src(%dma_wait3A_318 : memref<20480x128xf32, #tpu.memory_space<hbm>>) dst(%dma_wait3A_312 : memref<32x128xf32, #tpu.memory_space<vmem>>)
      %run_scoped3A = arith.constant 0 : i32
      "tpu.region"() ({
        %run_scoped3A_393 = tpu.sem_alloc : memref<!tpu.dma_semaphore, #tpu.memory_space<semaphore_mem>>
        %dma_start3A_394 = arith.constant 0 : i32
        %dma_start3A_395 = arith.constant 0 : i32
        %dma_start3A_396 = tpu.memref_slice %arg10[%run_scoped3A, %dma_start3A_394, %dma_start3A_395] : memref<2x128x128xf32, #tpu.memory_space<vmem>> -> memref<1x128x128xf32, #tpu.memory_space<vmem>>
        %dma_start3A_397 = tpu.memref_squeeze %dma_start3A_396 : memref<1x128x128xf32, #tpu.memory_space<vmem>> -> memref<128x128xf32, #tpu.memory_space<vmem>>
        %dma_start3A_398 = arith.constant 0 : i32
        %dma_start3A_399 = tpu.memref_slice %arg9[%add3A_265, %dma_start3A_398] : memref<40x128xi32, #tpu.memory_space<vmem>> -> memref<1x128xi32, #tpu.memory_space<vmem>>
        %dma_start3A_400 = tpu.memref_squeeze %dma_start3A_399 : memref<1x128xi32, #tpu.memory_space<vmem>> -> memref<128xi32, #tpu.memory_space<vmem>>
        %dma_start3A_401 = arith.constant 0 : i32
        %dma_start3A_402 = arith.constant 0 : i32
        %dma_start3A_403 = tpu.memref_slice %arg7[%dma_start3A_401, %dma_start3A_402] : memref<10240x128xf32, #tpu.memory_space<vmem_shared>> -> memref<10240x128xf32, #tpu.memory_space<vmem_shared>>
        tpu.enqueue_indirect_dma source(%dma_start3A_397 : memref<128x128xf32, #tpu.memory_space<vmem>>) target(%dma_start3A_403 : memref<10240x128xf32, #tpu.memory_space<vmem_shared>>) offsets(%dma_start3A_400 : memref<128xi32, #tpu.memory_space<vmem>>) semaphore(%run_scoped3A_393 : memref<!tpu.dma_semaphore, #tpu.memory_space<semaphore_mem>>) {add = true}
        %dma_wait3A_404 = arith.constant 0 : i32
        %dma_wait3A_405 = arith.constant 0 : i32
        %dma_wait3A_406 = tpu.memref_slice %arg10[%run_scoped3A, %dma_wait3A_404, %dma_wait3A_405] : memref<2x128x128xf32, #tpu.memory_space<vmem>> -> memref<1x128x128xf32, #tpu.memory_space<vmem>>
        %dma_wait3A_407 = tpu.memref_squeeze %dma_wait3A_406 : memref<1x128x128xf32, #tpu.memory_space<vmem>> -> memref<128x128xf32, #tpu.memory_space<vmem>>
        %dma_wait3A_408 = arith.constant 0 : i32
        %dma_wait3A_409 = tpu.memref_slice %arg9[%add3A_265, %dma_wait3A_408] : memref<40x128xi32, #tpu.memory_space<vmem>> -> memref<1x128xi32, #tpu.memory_space<vmem>>
        %dma_wait3A_410 = tpu.memref_squeeze %dma_wait3A_409 : memref<1x128xi32, #tpu.memory_space<vmem>> -> memref<128xi32, #tpu.memory_space<vmem>>
        %dma_wait3A_411 = arith.constant 0 : i32
        %dma_wait3A_412 = arith.constant 0 : i32
        %dma_wait3A_413 = tpu.memref_slice %arg7[%dma_wait3A_411, %dma_wait3A_412] : memref<10240x128xf32, #tpu.memory_space<vmem_shared>> -> memref<10240x128xf32, #tpu.memory_space<vmem_shared>>
        tpu.wait_indirect_dma semaphore(%run_scoped3A_393 : memref<!tpu.dma_semaphore, #tpu.memory_space<semaphore_mem>>) src(%dma_wait3A_407 : memref<128x128xf32, #tpu.memory_space<vmem>>) dst(%dma_wait3A_413 : memref<10240x128xf32, #tpu.memory_space<vmem_shared>>)
        tpu.yield
      }) : () -> ()
      %add3A_321 = arith.constant 2 : i32
      %add3A_322 = arith.addi %add3A_265, %add3A_321 : i32
      %lt3A = arith.constant 40 : i32
      %lt3A_323 = arith.cmpi slt, %add3A_322, %lt3A : i32
      %convert_element_type3A = arith.extui %lt3A_323 : i1 to i32
      %cond3A = arith.constant 0 : i32
      %cond3A_324 = arith.cmpi ne, %convert_element_type3A, %cond3A : i32
      scf.if %cond3A_324 {
        %add3A_393 = arith.constant 2 : i32
        %add3A_394 = arith.addi %add3A_265, %add3A_393 : i32
        %dma_start3A_395 = arith.constant 0 : i32
        %dma_start3A_396 = arith.constant 0 : i32
        %dma_start3A_397 = arith.constant 0 : i32
        %dma_start3A_398 = arith.constant 0 : i32
        %dma_start3A_399 = tpu.memref_slice %arg10[%dma_start3A_395, %dma_start3A_397, %dma_start3A_398] : memref<2x128x128xf32, #tpu.memory_space<vmem>> -> memref<1x32x128xf32, #tpu.memory_space<vmem>>
        %dma_start3A_400 = tpu.memref_squeeze %dma_start3A_399 : memref<1x32x128xf32, #tpu.memory_space<vmem>> -> memref<32x128xf32, #tpu.memory_space<vmem>>
        %dma_start3A_401 = arith.constant 0 : i32
        %dma_start3A_402 = tpu.memref_slice %arg8[%add3A_394, %dma_start3A_401] : memref<40x128xi32, #tpu.memory_space<vmem>> -> memref<1x32xi32, #tpu.memory_space<vmem>>
        %dma_start3A_403 = tpu.memref_squeeze %dma_start3A_402 : memref<1x32xi32, #tpu.memory_space<vmem>> -> memref<32xi32, #tpu.memory_space<vmem>>
        %dma_start3A_404 = arith.constant 0 : i32
        %dma_start3A_405 = arith.constant 0 : i32
        %dma_start3A_406 = tpu.memref_slice %arg4[%dma_start3A_404, %dma_start3A_405] : memref<20480x128xf32, #tpu.memory_space<hbm>> -> memref<20480x128xf32, #tpu.memory_space<hbm>>
        %dma_start3A_407 = tpu.memref_slice %arg11[%dma_start3A_396] : memref<2x!tpu.dma_semaphore, #tpu.memory_space<semaphore_mem>> -> memref<1x!tpu.dma_semaphore, #tpu.memory_space<semaphore_mem>>
        %dma_start3A_408 = tpu.memref_squeeze %dma_start3A_407 : memref<1x!tpu.dma_semaphore, #tpu.memory_space<semaphore_mem>> -> memref<!tpu.dma_semaphore, #tpu.memory_space<semaphore_mem>>
        tpu.enqueue_indirect_dma source(%dma_start3A_406 : memref<20480x128xf32, #tpu.memory_space<hbm>>) target(%dma_start3A_400 : memref<32x128xf32, #tpu.memory_space<vmem>>) offsets(%dma_start3A_403 : memref<32xi32, #tpu.memory_space<vmem>>) semaphore(%dma_start3A_408 : memref<!tpu.dma_semaphore, #tpu.memory_space<semaphore_mem>>)
        %dma_start3A_409 = arith.constant 0 : i32
        %dma_start3A_410 = arith.constant 0 : i32
        %dma_start3A_411 = arith.constant 32 : i32
        %dma_start3A_412 = arith.constant 0 : i32
        %dma_start3A_413 = tpu.memref_slice %arg10[%dma_start3A_409, %dma_start3A_411, %dma_start3A_412] : memref<2x128x128xf32, #tpu.memory_space<vmem>> -> memref<1x32x128xf32, #tpu.memory_space<vmem>>
        %dma_start3A_414 = tpu.memref_squeeze %dma_start3A_413 : memref<1x32x128xf32, #tpu.memory_space<vmem>> -> memref<32x128xf32, #tpu.memory_space<vmem>>
        %dma_start3A_415 = arith.constant 32 : i32
        %dma_start3A_416 = tpu.memref_slice %arg8[%add3A_394, %dma_start3A_415] : memref<40x128xi32, #tpu.memory_space<vmem>> -> memref<1x32xi32, #tpu.memory_space<vmem>>
        %dma_start3A_417 = tpu.memref_squeeze %dma_start3A_416 : memref<1x32xi32, #tpu.memory_space<vmem>> -> memref<32xi32, #tpu.memory_space<vmem>>
        %dma_start3A_418 = arith.constant 0 : i32
        %dma_start3A_419 = arith.constant 0 : i32
        %dma_start3A_420 = tpu.memref_slice %arg4[%dma_start3A_418, %dma_start3A_419] : memref<20480x128xf32, #tpu.memory_space<hbm>> -> memref<20480x128xf32, #tpu.memory_space<hbm>>
        %dma_start3A_421 = tpu.memref_slice %arg11[%dma_start3A_410] : memref<2x!tpu.dma_semaphore, #tpu.memory_space<semaphore_mem>> -> memref<1x!tpu.dma_semaphore, #tpu.memory_space<semaphore_mem>>
        %dma_start3A_422 = tpu.memref_squeeze %dma_start3A_421 : memref<1x!tpu.dma_semaphore, #tpu.memory_space<semaphore_mem>> -> memref<!tpu.dma_semaphore, #tpu.memory_space<semaphore_mem>>
        tpu.enqueue_indirect_dma source(%dma_start3A_420 : memref<20480x128xf32, #tpu.memory_space<hbm>>) target(%dma_start3A_414 : memref<32x128xf32, #tpu.memory_space<vmem>>) offsets(%dma_start3A_417 : memref<32xi32, #tpu.memory_space<vmem>>) semaphore(%dma_start3A_422 : memref<!tpu.dma_semaphore, #tpu.memory_space<semaphore_mem>>)
        %dma_start3A_423 = arith.constant 0 : i32
        %dma_start3A_424 = arith.constant 0 : i32
        %dma_start3A_425 = arith.constant 64 : i32
        %dma_start3A_426 = arith.constant 0 : i32
        %dma_start3A_427 = tpu.memref_slice %arg10[%dma_start3A_423, %dma_start3A_425, %dma_start3A_426] : memref<2x128x128xf32, #tpu.memory_space<vmem>> -> memref<1x32x128xf32, #tpu.memory_space<vmem>>
        %dma_start3A_428 = tpu.memref_squeeze %dma_start3A_427 : memref<1x32x128xf32, #tpu.memory_space<vmem>> -> memref<32x128xf32, #tpu.memory_space<vmem>>
        %dma_start3A_429 = arith.constant 64 : i32
        %dma_start3A_430 = tpu.memref_slice %arg8[%add3A_394, %dma_start3A_429] : memref<40x128xi32, #tpu.memory_space<vmem>> -> memref<1x32xi32, #tpu.memory_space<vmem>>
        %dma_start3A_431 = tpu.memref_squeeze %dma_start3A_430 : memref<1x32xi32, #tpu.memory_space<vmem>> -> memref<32xi32, #tpu.memory_space<vmem>>
        %dma_start3A_432 = arith.constant 0 : i32
        %dma_start3A_433 = arith.constant 0 : i32
        %dma_start3A_434 = tpu.memref_slice %arg4[%dma_start3A_432, %dma_start3A_433] : memref<20480x128xf32, #tpu.memory_space<hbm>> -> memref<20480x128xf32, #tpu.memory_space<hbm>>
        %dma_start3A_435 = tpu.memref_slice %arg11[%dma_start3A_424] : memref<2x!tpu.dma_semaphore, #tpu.memory_space<semaphore_mem>> -> memref<1x!tpu.dma_semaphore, #tpu.memory_space<semaphore_mem>>
        %dma_start3A_436 = tpu.memref_squeeze %dma_start3A_435 : memref<1x!tpu.dma_semaphore, #tpu.memory_space<semaphore_mem>> -> memref<!tpu.dma_semaphore, #tpu.memory_space<semaphore_mem>>
        tpu.enqueue_indirect_dma source(%dma_start3A_434 : memref<20480x128xf32, #tpu.memory_space<hbm>>) target(%dma_start3A_428 : memref<32x128xf32, #tpu.memory_space<vmem>>) offsets(%dma_start3A_431 : memref<32xi32, #tpu.memory_space<vmem>>) semaphore(%dma_start3A_436 : memref<!tpu.dma_semaphore, #tpu.memory_space<semaphore_mem>>)
        %dma_start3A_437 = arith.constant 0 : i32
        %dma_start3A_438 = arith.constant 0 : i32
        %dma_start3A_439 = arith.constant 96 : i32
        %dma_start3A_440 = arith.constant 0 : i32
        %dma_start3A_441 = tpu.memref_slice %arg10[%dma_start3A_437, %dma_start3A_439, %dma_start3A_440] : memref<2x128x128xf32, #tpu.memory_space<vmem>> -> memref<1x32x128xf32, #tpu.memory_space<vmem>>
        %dma_start3A_442 = tpu.memref_squeeze %dma_start3A_441 : memref<1x32x128xf32, #tpu.memory_space<vmem>> -> memref<32x128xf32, #tpu.memory_space<vmem>>
        %dma_start3A_443 = arith.constant 96 : i32
        %dma_start3A_444 = tpu.memref_slice %arg8[%add3A_394, %dma_start3A_443] : memref<40x128xi32, #tpu.memory_space<vmem>> -> memref<1x32xi32, #tpu.memory_space<vmem>>
        %dma_start3A_445 = tpu.memref_squeeze %dma_start3A_444 : memref<1x32xi32, #tpu.memory_space<vmem>> -> memref<32xi32, #tpu.memory_space<vmem>>
        %dma_start3A_446 = arith.constant 0 : i32
        %dma_start3A_447 = arith.constant 0 : i32
        %dma_start3A_448 = tpu.memref_slice %arg4[%dma_start3A_446, %dma_start3A_447] : memref<20480x128xf32, #tpu.memory_space<hbm>> -> memref<20480x128xf32, #tpu.memory_space<hbm>>
        %dma_start3A_449 = tpu.memref_slice %arg11[%dma_start3A_438] : memref<2x!tpu.dma_semaphore, #tpu.memory_space<semaphore_mem>> -> memref<1x!tpu.dma_semaphore, #tpu.memory_space<semaphore_mem>>
        %dma_start3A_450 = tpu.memref_squeeze %dma_start3A_449 : memref<1x!tpu.dma_semaphore, #tpu.memory_space<semaphore_mem>> -> memref<!tpu.dma_semaphore, #tpu.memory_space<semaphore_mem>>
        tpu.enqueue_indirect_dma source(%dma_start3A_448 : memref<20480x128xf32, #tpu.memory_space<hbm>>) target(%dma_start3A_442 : memref<32x128xf32, #tpu.memory_space<vmem>>) offsets(%dma_start3A_445 : memref<32xi32, #tpu.memory_space<vmem>>) semaphore(%dma_start3A_450 : memref<!tpu.dma_semaphore, #tpu.memory_space<semaphore_mem>>)
      } else {
      }
      %mul3A_325 = arith.constant 2 : i32
      %mul3A_326 = arith.muli %scan3A_261, %mul3A_325 : i32
      %add3A_327 = arith.constant 1 : i32
      %add3A_328 = arith.addi %mul3A_326, %add3A_327 : i32
      %dma_wait3A_329 = arith.constant 1 : i32
      %dma_wait3A_330 = arith.constant 1 : i32
      %dma_wait3A_331 = arith.constant 0 : i32
      %dma_wait3A_332 = arith.constant 0 : i32
      %dma_wait3A_333 = tpu.memref_slice %arg10[%dma_wait3A_329, %dma_wait3A_331, %dma_wait3A_332] : memref<2x128x128xf32, #tpu.memory_space<vmem>> -> memref<1x32x128xf32, #tpu.memory_space<vmem>>
      %dma_wait3A_334 = tpu.memref_squeeze %dma_wait3A_333 : memref<1x32x128xf32, #tpu.memory_space<vmem>> -> memref<32x128xf32, #tpu.memory_space<vmem>>
      %dma_wait3A_335 = arith.constant 0 : i32
      %dma_wait3A_336 = tpu.memref_slice %arg8[%add3A_328, %dma_wait3A_335] : memref<40x128xi32, #tpu.memory_space<vmem>> -> memref<1x32xi32, #tpu.memory_space<vmem>>
      %dma_wait3A_337 = tpu.memref_squeeze %dma_wait3A_336 : memref<1x32xi32, #tpu.memory_space<vmem>> -> memref<32xi32, #tpu.memory_space<vmem>>
      %dma_wait3A_338 = arith.constant 0 : i32
      %dma_wait3A_339 = arith.constant 0 : i32
      %dma_wait3A_340 = tpu.memref_slice %arg4[%dma_wait3A_338, %dma_wait3A_339] : memref<20480x128xf32, #tpu.memory_space<hbm>> -> memref<20480x128xf32, #tpu.memory_space<hbm>>
      %dma_wait3A_341 = tpu.memref_slice %arg11[%dma_wait3A_330] : memref<2x!tpu.dma_semaphore, #tpu.memory_space<semaphore_mem>> -> memref<1x!tpu.dma_semaphore, #tpu.memory_space<semaphore_mem>>
      %dma_wait3A_342 = tpu.memref_squeeze %dma_wait3A_341 : memref<1x!tpu.dma_semaphore, #tpu.memory_space<semaphore_mem>> -> memref<!tpu.dma_semaphore, #tpu.memory_space<semaphore_mem>>
      tpu.wait_indirect_dma semaphore(%dma_wait3A_342 : memref<!tpu.dma_semaphore, #tpu.memory_space<semaphore_mem>>) src(%dma_wait3A_340 : memref<20480x128xf32, #tpu.memory_space<hbm>>) dst(%dma_wait3A_334 : memref<32x128xf32, #tpu.memory_space<vmem>>)
      %dma_wait3A_343 = arith.constant 1 : i32
      %dma_wait3A_344 = arith.constant 1 : i32
      %dma_wait3A_345 = arith.constant 32 : i32
      %dma_wait3A_346 = arith.constant 0 : i32
      %dma_wait3A_347 = tpu.memref_slice %arg10[%dma_wait3A_343, %dma_wait3A_345, %dma_wait3A_346] : memref<2x128x128xf32, #tpu.memory_space<vmem>> -> memref<1x32x128xf32, #tpu.memory_space<vmem>>
      %dma_wait3A_348 = tpu.memref_squeeze %dma_wait3A_347 : memref<1x32x128xf32, #tpu.memory_space<vmem>> -> memref<32x128xf32, #tpu.memory_space<vmem>>
      %dma_wait3A_349 = arith.constant 32 : i32
      %dma_wait3A_350 = tpu.memref_slice %arg8[%add3A_328, %dma_wait3A_349] : memref<40x128xi32, #tpu.memory_space<vmem>> -> memref<1x32xi32, #tpu.memory_space<vmem>>
      %dma_wait3A_351 = tpu.memref_squeeze %dma_wait3A_350 : memref<1x32xi32, #tpu.memory_space<vmem>> -> memref<32xi32, #tpu.memory_space<vmem>>
      %dma_wait3A_352 = arith.constant 0 : i32
      %dma_wait3A_353 = arith.constant 0 : i32
      %dma_wait3A_354 = tpu.memref_slice %arg4[%dma_wait3A_352, %dma_wait3A_353] : memref<20480x128xf32, #tpu.memory_space<hbm>> -> memref<20480x128xf32, #tpu.memory_space<hbm>>
      %dma_wait3A_355 = tpu.memref_slice %arg11[%dma_wait3A_344] : memref<2x!tpu.dma_semaphore, #tpu.memory_space<semaphore_mem>> -> memref<1x!tpu.dma_semaphore, #tpu.memory_space<semaphore_mem>>
      %dma_wait3A_356 = tpu.memref_squeeze %dma_wait3A_355 : memref<1x!tpu.dma_semaphore, #tpu.memory_space<semaphore_mem>> -> memref<!tpu.dma_semaphore, #tpu.memory_space<semaphore_mem>>
      tpu.wait_indirect_dma semaphore(%dma_wait3A_356 : memref<!tpu.dma_semaphore, #tpu.memory_space<semaphore_mem>>) src(%dma_wait3A_354 : memref<20480x128xf32, #tpu.memory_space<hbm>>) dst(%dma_wait3A_348 : memref<32x128xf32, #tpu.memory_space<vmem>>)
      %dma_wait3A_357 = arith.constant 1 : i32
      %dma_wait3A_358 = arith.constant 1 : i32
      %dma_wait3A_359 = arith.constant 64 : i32
      %dma_wait3A_360 = arith.constant 0 : i32
      %dma_wait3A_361 = tpu.memref_slice %arg10[%dma_wait3A_357, %dma_wait3A_359, %dma_wait3A_360] : memref<2x128x128xf32, #tpu.memory_space<vmem>> -> memref<1x32x128xf32, #tpu.memory_space<vmem>>
      %dma_wait3A_362 = tpu.memref_squeeze %dma_wait3A_361 : memref<1x32x128xf32, #tpu.memory_space<vmem>> -> memref<32x128xf32, #tpu.memory_space<vmem>>
      %dma_wait3A_363 = arith.constant 64 : i32
      %dma_wait3A_364 = tpu.memref_slice %arg8[%add3A_328, %dma_wait3A_363] : memref<40x128xi32, #tpu.memory_space<vmem>> -> memref<1x32xi32, #tpu.memory_space<vmem>>
      %dma_wait3A_365 = tpu.memref_squeeze %dma_wait3A_364 : memref<1x32xi32, #tpu.memory_space<vmem>> -> memref<32xi32, #tpu.memory_space<vmem>>
      %dma_wait3A_366 = arith.constant 0 : i32
      %dma_wait3A_367 = arith.constant 0 : i32
      %dma_wait3A_368 = tpu.memref_slice %arg4[%dma_wait3A_366, %dma_wait3A_367] : memref<20480x128xf32, #tpu.memory_space<hbm>> -> memref<20480x128xf32, #tpu.memory_space<hbm>>
      %dma_wait3A_369 = tpu.memref_slice %arg11[%dma_wait3A_358] : memref<2x!tpu.dma_semaphore, #tpu.memory_space<semaphore_mem>> -> memref<1x!tpu.dma_semaphore, #tpu.memory_space<semaphore_mem>>
      %dma_wait3A_370 = tpu.memref_squeeze %dma_wait3A_369 : memref<1x!tpu.dma_semaphore, #tpu.memory_space<semaphore_mem>> -> memref<!tpu.dma_semaphore, #tpu.memory_space<semaphore_mem>>
      tpu.wait_indirect_dma semaphore(%dma_wait3A_370 : memref<!tpu.dma_semaphore, #tpu.memory_space<semaphore_mem>>) src(%dma_wait3A_368 : memref<20480x128xf32, #tpu.memory_space<hbm>>) dst(%dma_wait3A_362 : memref<32x128xf32, #tpu.memory_space<vmem>>)
      %dma_wait3A_371 = arith.constant 1 : i32
      %dma_wait3A_372 = arith.constant 1 : i32
      %dma_wait3A_373 = arith.constant 96 : i32
      %dma_wait3A_374 = arith.constant 0 : i32
      %dma_wait3A_375 = tpu.memref_slice %arg10[%dma_wait3A_371, %dma_wait3A_373, %dma_wait3A_374] : memref<2x128x128xf32, #tpu.memory_space<vmem>> -> memref<1x32x128xf32, #tpu.memory_space<vmem>>
      %dma_wait3A_376 = tpu.memref_squeeze %dma_wait3A_375 : memref<1x32x128xf32, #tpu.memory_space<vmem>> -> memref<32x128xf32, #tpu.memory_space<vmem>>
      %dma_wait3A_377 = arith.constant 96 : i32
      %dma_wait3A_378 = tpu.memref_slice %arg8[%add3A_328, %dma_wait3A_377] : memref<40x128xi32, #tpu.memory_space<vmem>> -> memref<1x32xi32, #tpu.memory_space<vmem>>
      %dma_wait3A_379 = tpu.memref_squeeze %dma_wait3A_378 : memref<1x32xi32, #tpu.memory_space<vmem>> -> memref<32xi32, #tpu.memory_space<vmem>>
      %dma_wait3A_380 = arith.constant 0 : i32
      %dma_wait3A_381 = arith.constant 0 : i32
      %dma_wait3A_382 = tpu.memref_slice %arg4[%dma_wait3A_380, %dma_wait3A_381] : memref<20480x128xf32, #tpu.memory_space<hbm>> -> memref<20480x128xf32, #tpu.memory_space<hbm>>
      %dma_wait3A_383 = tpu.memref_slice %arg11[%dma_wait3A_372] : memref<2x!tpu.dma_semaphore, #tpu.memory_space<semaphore_mem>> -> memref<1x!tpu.dma_semaphore, #tpu.memory_space<semaphore_mem>>
      %dma_wait3A_384 = tpu.memref_squeeze %dma_wait3A_383 : memref<1x!tpu.dma_semaphore, #tpu.memory_space<semaphore_mem>> -> memref<!tpu.dma_semaphore, #tpu.memory_space<semaphore_mem>>
      tpu.wait_indirect_dma semaphore(%dma_wait3A_384 : memref<!tpu.dma_semaphore, #tpu.memory_space<semaphore_mem>>) src(%dma_wait3A_382 : memref<20480x128xf32, #tpu.memory_space<hbm>>) dst(%dma_wait3A_376 : memref<32x128xf32, #tpu.memory_space<vmem>>)
      %run_scoped3A_385 = arith.constant 1 : i32
      "tpu.region"() ({
        %run_scoped3A_393 = tpu.sem_alloc : memref<!tpu.dma_semaphore, #tpu.memory_space<semaphore_mem>>
        %dma_start3A_394 = arith.constant 0 : i32
        %dma_start3A_395 = arith.constant 0 : i32
        %dma_start3A_396 = tpu.memref_slice %arg10[%run_scoped3A_385, %dma_start3A_394, %dma_start3A_395] : memref<2x128x128xf32, #tpu.memory_space<vmem>> -> memref<1x128x128xf32, #tpu.memory_space<vmem>>
        %dma_start3A_397 = tpu.memref_squeeze %dma_start3A_396 : memref<1x128x128xf32, #tpu.memory_space<vmem>> -> memref<128x128xf32, #tpu.memory_space<vmem>>
        %dma_start3A_398 = arith.constant 0 : i32
        %dma_start3A_399 = tpu.memref_slice %arg9[%add3A_328, %dma_start3A_398] : memref<40x128xi32, #tpu.memory_space<vmem>> -> memref<1x128xi32, #tpu.memory_space<vmem>>
        %dma_start3A_400 = tpu.memref_squeeze %dma_start3A_399 : memref<1x128xi32, #tpu.memory_space<vmem>> -> memref<128xi32, #tpu.memory_space<vmem>>
        %dma_start3A_401 = arith.constant 0 : i32
        %dma_start3A_402 = arith.constant 0 : i32
        %dma_start3A_403 = tpu.memref_slice %arg7[%dma_start3A_401, %dma_start3A_402] : memref<10240x128xf32, #tpu.memory_space<vmem_shared>> -> memref<10240x128xf32, #tpu.memory_space<vmem_shared>>
        tpu.enqueue_indirect_dma source(%dma_start3A_397 : memref<128x128xf32, #tpu.memory_space<vmem>>) target(%dma_start3A_403 : memref<10240x128xf32, #tpu.memory_space<vmem_shared>>) offsets(%dma_start3A_400 : memref<128xi32, #tpu.memory_space<vmem>>) semaphore(%run_scoped3A_393 : memref<!tpu.dma_semaphore, #tpu.memory_space<semaphore_mem>>) {add = true}
        %dma_wait3A_404 = arith.constant 0 : i32
        %dma_wait3A_405 = arith.constant 0 : i32
        %dma_wait3A_406 = tpu.memref_slice %arg10[%run_scoped3A_385, %dma_wait3A_404, %dma_wait3A_405] : memref<2x128x128xf32, #tpu.memory_space<vmem>> -> memref<1x128x128xf32, #tpu.memory_space<vmem>>
        %dma_wait3A_407 = tpu.memref_squeeze %dma_wait3A_406 : memref<1x128x128xf32, #tpu.memory_space<vmem>> -> memref<128x128xf32, #tpu.memory_space<vmem>>
        %dma_wait3A_408 = arith.constant 0 : i32
        %dma_wait3A_409 = tpu.memref_slice %arg9[%add3A_328, %dma_wait3A_408] : memref<40x128xi32, #tpu.memory_space<vmem>> -> memref<1x128xi32, #tpu.memory_space<vmem>>
        %dma_wait3A_410 = tpu.memref_squeeze %dma_wait3A_409 : memref<1x128xi32, #tpu.memory_space<vmem>> -> memref<128xi32, #tpu.memory_space<vmem>>
        %dma_wait3A_411 = arith.constant 0 : i32
        %dma_wait3A_412 = arith.constant 0 : i32
        %dma_wait3A_413 = tpu.memref_slice %arg7[%dma_wait3A_411, %dma_wait3A_412] : memref<10240x128xf32, #tpu.memory_space<vmem_shared>> -> memref<10240x128xf32, #tpu.memory_space<vmem_shared>>
        tpu.wait_indirect_dma semaphore(%run_scoped3A_393 : memref<!tpu.dma_semaphore, #tpu.memory_space<semaphore_mem>>) src(%dma_wait3A_407 : memref<128x128xf32, #tpu.memory_space<vmem>>) dst(%dma_wait3A_413 : memref<10240x128xf32, #tpu.memory_space<vmem_shared>>)
        tpu.yield
      }) : () -> ()
      %add3A_386 = arith.constant 2 : i32
      %add3A_387 = arith.addi %add3A_328, %add3A_386 : i32
      %lt3A_388 = arith.constant 40 : i32
      %lt3A_389 = arith.cmpi slt, %add3A_387, %lt3A_388 : i32
      %convert_element_type3A_390 = arith.extui %lt3A_389 : i1 to i32
      %cond3A_391 = arith.constant 0 : i32
      %cond3A_392 = arith.cmpi ne, %convert_element_type3A_390, %cond3A_391 : i32
      scf.if %cond3A_392 {
        %add3A_393 = arith.constant 2 : i32
        %add3A_394 = arith.addi %add3A_328, %add3A_393 : i32
        %dma_start3A_395 = arith.constant 1 : i32
        %dma_start3A_396 = arith.constant 1 : i32
        %dma_start3A_397 = arith.constant 0 : i32
        %dma_start3A_398 = arith.constant 0 : i32
        %dma_start3A_399 = tpu.memref_slice %arg10[%dma_start3A_395, %dma_start3A_397, %dma_start3A_398] : memref<2x128x128xf32, #tpu.memory_space<vmem>> -> memref<1x32x128xf32, #tpu.memory_space<vmem>>
        %dma_start3A_400 = tpu.memref_squeeze %dma_start3A_399 : memref<1x32x128xf32, #tpu.memory_space<vmem>> -> memref<32x128xf32, #tpu.memory_space<vmem>>
        %dma_start3A_401 = arith.constant 0 : i32
        %dma_start3A_402 = tpu.memref_slice %arg8[%add3A_394, %dma_start3A_401] : memref<40x128xi32, #tpu.memory_space<vmem>> -> memref<1x32xi32, #tpu.memory_space<vmem>>
        %dma_start3A_403 = tpu.memref_squeeze %dma_start3A_402 : memref<1x32xi32, #tpu.memory_space<vmem>> -> memref<32xi32, #tpu.memory_space<vmem>>
        %dma_start3A_404 = arith.constant 0 : i32
        %dma_start3A_405 = arith.constant 0 : i32
        %dma_start3A_406 = tpu.memref_slice %arg4[%dma_start3A_404, %dma_start3A_405] : memref<20480x128xf32, #tpu.memory_space<hbm>> -> memref<20480x128xf32, #tpu.memory_space<hbm>>
        %dma_start3A_407 = tpu.memref_slice %arg11[%dma_start3A_396] : memref<2x!tpu.dma_semaphore, #tpu.memory_space<semaphore_mem>> -> memref<1x!tpu.dma_semaphore, #tpu.memory_space<semaphore_mem>>
        %dma_start3A_408 = tpu.memref_squeeze %dma_start3A_407 : memref<1x!tpu.dma_semaphore, #tpu.memory_space<semaphore_mem>> -> memref<!tpu.dma_semaphore, #tpu.memory_space<semaphore_mem>>
        tpu.enqueue_indirect_dma source(%dma_start3A_406 : memref<20480x128xf32, #tpu.memory_space<hbm>>) target(%dma_start3A_400 : memref<32x128xf32, #tpu.memory_space<vmem>>) offsets(%dma_start3A_403 : memref<32xi32, #tpu.memory_space<vmem>>) semaphore(%dma_start3A_408 : memref<!tpu.dma_semaphore, #tpu.memory_space<semaphore_mem>>)
        %dma_start3A_409 = arith.constant 1 : i32
        %dma_start3A_410 = arith.constant 1 : i32
        %dma_start3A_411 = arith.constant 32 : i32
        %dma_start3A_412 = arith.constant 0 : i32
        %dma_start3A_413 = tpu.memref_slice %arg10[%dma_start3A_409, %dma_start3A_411, %dma_start3A_412] : memref<2x128x128xf32, #tpu.memory_space<vmem>> -> memref<1x32x128xf32, #tpu.memory_space<vmem>>
        %dma_start3A_414 = tpu.memref_squeeze %dma_start3A_413 : memref<1x32x128xf32, #tpu.memory_space<vmem>> -> memref<32x128xf32, #tpu.memory_space<vmem>>
        %dma_start3A_415 = arith.constant 32 : i32
        %dma_start3A_416 = tpu.memref_slice %arg8[%add3A_394, %dma_start3A_415] : memref<40x128xi32, #tpu.memory_space<vmem>> -> memref<1x32xi32, #tpu.memory_space<vmem>>
        %dma_start3A_417 = tpu.memref_squeeze %dma_start3A_416 : memref<1x32xi32, #tpu.memory_space<vmem>> -> memref<32xi32, #tpu.memory_space<vmem>>
        %dma_start3A_418 = arith.constant 0 : i32
        %dma_start3A_419 = arith.constant 0 : i32
        %dma_start3A_420 = tpu.memref_slice %arg4[%dma_start3A_418, %dma_start3A_419] : memref<20480x128xf32, #tpu.memory_space<hbm>> -> memref<20480x128xf32, #tpu.memory_space<hbm>>
        %dma_start3A_421 = tpu.memref_slice %arg11[%dma_start3A_410] : memref<2x!tpu.dma_semaphore, #tpu.memory_space<semaphore_mem>> -> memref<1x!tpu.dma_semaphore, #tpu.memory_space<semaphore_mem>>
        %dma_start3A_422 = tpu.memref_squeeze %dma_start3A_421 : memref<1x!tpu.dma_semaphore, #tpu.memory_space<semaphore_mem>> -> memref<!tpu.dma_semaphore, #tpu.memory_space<semaphore_mem>>
        tpu.enqueue_indirect_dma source(%dma_start3A_420 : memref<20480x128xf32, #tpu.memory_space<hbm>>) target(%dma_start3A_414 : memref<32x128xf32, #tpu.memory_space<vmem>>) offsets(%dma_start3A_417 : memref<32xi32, #tpu.memory_space<vmem>>) semaphore(%dma_start3A_422 : memref<!tpu.dma_semaphore, #tpu.memory_space<semaphore_mem>>)
        %dma_start3A_423 = arith.constant 1 : i32
        %dma_start3A_424 = arith.constant 1 : i32
        %dma_start3A_425 = arith.constant 64 : i32
        %dma_start3A_426 = arith.constant 0 : i32
        %dma_start3A_427 = tpu.memref_slice %arg10[%dma_start3A_423, %dma_start3A_425, %dma_start3A_426] : memref<2x128x128xf32, #tpu.memory_space<vmem>> -> memref<1x32x128xf32, #tpu.memory_space<vmem>>
        %dma_start3A_428 = tpu.memref_squeeze %dma_start3A_427 : memref<1x32x128xf32, #tpu.memory_space<vmem>> -> memref<32x128xf32, #tpu.memory_space<vmem>>
        %dma_start3A_429 = arith.constant 64 : i32
        %dma_start3A_430 = tpu.memref_slice %arg8[%add3A_394, %dma_start3A_429] : memref<40x128xi32, #tpu.memory_space<vmem>> -> memref<1x32xi32, #tpu.memory_space<vmem>>
        %dma_start3A_431 = tpu.memref_squeeze %dma_start3A_430 : memref<1x32xi32, #tpu.memory_space<vmem>> -> memref<32xi32, #tpu.memory_space<vmem>>
        %dma_start3A_432 = arith.constant 0 : i32
        %dma_start3A_433 = arith.constant 0 : i32
        %dma_start3A_434 = tpu.memref_slice %arg4[%dma_start3A_432, %dma_start3A_433] : memref<20480x128xf32, #tpu.memory_space<hbm>> -> memref<20480x128xf32, #tpu.memory_space<hbm>>
        %dma_start3A_435 = tpu.memref_slice %arg11[%dma_start3A_424] : memref<2x!tpu.dma_semaphore, #tpu.memory_space<semaphore_mem>> -> memref<1x!tpu.dma_semaphore, #tpu.memory_space<semaphore_mem>>
        %dma_start3A_436 = tpu.memref_squeeze %dma_start3A_435 : memref<1x!tpu.dma_semaphore, #tpu.memory_space<semaphore_mem>> -> memref<!tpu.dma_semaphore, #tpu.memory_space<semaphore_mem>>
        tpu.enqueue_indirect_dma source(%dma_start3A_434 : memref<20480x128xf32, #tpu.memory_space<hbm>>) target(%dma_start3A_428 : memref<32x128xf32, #tpu.memory_space<vmem>>) offsets(%dma_start3A_431 : memref<32xi32, #tpu.memory_space<vmem>>) semaphore(%dma_start3A_436 : memref<!tpu.dma_semaphore, #tpu.memory_space<semaphore_mem>>)
        %dma_start3A_437 = arith.constant 1 : i32
        %dma_start3A_438 = arith.constant 1 : i32
        %dma_start3A_439 = arith.constant 96 : i32
        %dma_start3A_440 = arith.constant 0 : i32
        %dma_start3A_441 = tpu.memref_slice %arg10[%dma_start3A_437, %dma_start3A_439, %dma_start3A_440] : memref<2x128x128xf32, #tpu.memory_space<vmem>> -> memref<1x32x128xf32, #tpu.memory_space<vmem>>
        %dma_start3A_442 = tpu.memref_squeeze %dma_start3A_441 : memref<1x32x128xf32, #tpu.memory_space<vmem>> -> memref<32x128xf32, #tpu.memory_space<vmem>>
        %dma_start3A_443 = arith.constant 96 : i32
        %dma_start3A_444 = tpu.memref_slice %arg8[%add3A_394, %dma_start3A_443] : memref<40x128xi32, #tpu.memory_space<vmem>> -> memref<1x32xi32, #tpu.memory_space<vmem>>
        %dma_start3A_445 = tpu.memref_squeeze %dma_start3A_444 : memref<1x32xi32, #tpu.memory_space<vmem>> -> memref<32xi32, #tpu.memory_space<vmem>>
        %dma_start3A_446 = arith.constant 0 : i32
        %dma_start3A_447 = arith.constant 0 : i32
        %dma_start3A_448 = tpu.memref_slice %arg4[%dma_start3A_446, %dma_start3A_447] : memref<20480x128xf32, #tpu.memory_space<hbm>> -> memref<20480x128xf32, #tpu.memory_space<hbm>>
        %dma_start3A_449 = tpu.memref_slice %arg11[%dma_start3A_438] : memref<2x!tpu.dma_semaphore, #tpu.memory_space<semaphore_mem>> -> memref<1x!tpu.dma_semaphore, #tpu.memory_space<semaphore_mem>>
        %dma_start3A_450 = tpu.memref_squeeze %dma_start3A_449 : memref<1x!tpu.dma_semaphore, #tpu.memory_space<semaphore_mem>> -> memref<!tpu.dma_semaphore, #tpu.memory_space<semaphore_mem>>
        tpu.enqueue_indirect_dma source(%dma_start3A_448 : memref<20480x128xf32, #tpu.memory_space<hbm>>) target(%dma_start3A_442 : memref<32x128xf32, #tpu.memory_space<vmem>>) offsets(%dma_start3A_445 : memref<32xi32, #tpu.memory_space<vmem>>) semaphore(%dma_start3A_450 : memref<!tpu.dma_semaphore, #tpu.memory_space<semaphore_mem>>)
      } else {
      }
    }
    %scan3A_126 = arith.constant 20 : i32
    "tpu.region"() ({
      %run_scoped3A = tpu.sem_alloc : memref<!tpu.dma_semaphore, #tpu.memory_space<semaphore_mem>>
      %dma_start3A_261 = arith.constant 40 : i32
      %dma_start3A_262 = arith.constant 0 : i32
      %dma_start3A_263 = tpu.memref_slice %arg2[%add3A, %dma_start3A_261, %dma_start3A_262] : memref<32x80x128xi32, #tpu.memory_space<hbm>> -> memref<1x40x128xi32, #tpu.memory_space<hbm>>
      %dma_start3A_264 = tpu.memref_squeeze %dma_start3A_263 : memref<1x40x128xi32, #tpu.memory_space<hbm>> -> memref<40x128xi32, #tpu.memory_space<hbm>>
      %dma_start3A_265 = arith.constant 40 : i32
      %dma_start3A_266 = arith.constant 0 : i32
      %dma_start3A_267 = tpu.memref_slice %arg2[%add3A, %dma_start3A_265, %dma_start3A_266] : memref<32x80x128xi32, #tpu.memory_space<hbm>> -> memref<1x40x128xi32, #tpu.memory_space<hbm>>
      %dma_start3A_268 = tpu.memref_squeeze %dma_start3A_267 : memref<1x40x128xi32, #tpu.memory_space<hbm>> -> memref<40x128xi32, #tpu.memory_space<hbm>>
      tpu.enqueue_dma source(%dma_start3A_268 : memref<40x128xi32, #tpu.memory_space<hbm>>) target(%arg8 : memref<40x128xi32, #tpu.memory_space<vmem>>) target_semaphore(%run_scoped3A : memref<!tpu.dma_semaphore, #tpu.memory_space<semaphore_mem>>)
      %dma_wait3A = arith.constant 40 : i32
      %dma_wait3A_269 = arith.constant 0 : i32
      %dma_wait3A_270 = tpu.memref_slice %arg2[%add3A, %dma_wait3A, %dma_wait3A_269] : memref<32x80x128xi32, #tpu.memory_space<hbm>> -> memref<1x40x128xi32, #tpu.memory_space<hbm>>
      %dma_wait3A_271 = tpu.memref_squeeze %dma_wait3A_270 : memref<1x40x128xi32, #tpu.memory_space<hbm>> -> memref<40x128xi32, #tpu.memory_space<hbm>>
      %dma_wait3A_272 = arith.constant 40 : i32
      %dma_wait3A_273 = arith.constant 0 : i32
      %dma_wait3A_274 = tpu.memref_slice %arg2[%add3A, %dma_wait3A_272, %dma_wait3A_273] : memref<32x80x128xi32, #tpu.memory_space<hbm>> -> memref<1x40x128xi32, #tpu.memory_space<hbm>>
      %dma_wait3A_275 = tpu.memref_squeeze %dma_wait3A_274 : memref<1x40x128xi32, #tpu.memory_space<hbm>> -> memref<40x128xi32, #tpu.memory_space<hbm>>
      tpu.wait_dma2 semaphore(%run_scoped3A : memref<!tpu.dma_semaphore, #tpu.memory_space<semaphore_mem>>) src(%dma_wait3A_275 : memref<40x128xi32, #tpu.memory_space<hbm>>) dst(%arg8 : memref<40x128xi32, #tpu.memory_space<vmem>>)
      tpu.yield
    }) : () -> ()
    "tpu.region"() ({
      %run_scoped3A = tpu.sem_alloc : memref<!tpu.dma_semaphore, #tpu.memory_space<semaphore_mem>>
      %dma_start3A_261 = arith.constant 40 : i32
      %dma_start3A_262 = arith.constant 0 : i32
      %dma_start3A_263 = tpu.memref_slice %arg3[%arg1, %dma_start3A_261, %dma_start3A_262] : memref<16x80x128xi32, #tpu.memory_space<hbm>> -> memref<1x40x128xi32, #tpu.memory_space<hbm>>
      %dma_start3A_264 = tpu.memref_squeeze %dma_start3A_263 : memref<1x40x128xi32, #tpu.memory_space<hbm>> -> memref<40x128xi32, #tpu.memory_space<hbm>>
      %dma_start3A_265 = arith.constant 40 : i32
      %dma_start3A_266 = arith.constant 0 : i32
      %dma_start3A_267 = tpu.memref_slice %arg3[%arg1, %dma_start3A_265, %dma_start3A_266] : memref<16x80x128xi32, #tpu.memory_space<hbm>> -> memref<1x40x128xi32, #tpu.memory_space<hbm>>
      %dma_start3A_268 = tpu.memref_squeeze %dma_start3A_267 : memref<1x40x128xi32, #tpu.memory_space<hbm>> -> memref<40x128xi32, #tpu.memory_space<hbm>>
      tpu.enqueue_dma source(%dma_start3A_268 : memref<40x128xi32, #tpu.memory_space<hbm>>) target(%arg9 : memref<40x128xi32, #tpu.memory_space<vmem>>) target_semaphore(%run_scoped3A : memref<!tpu.dma_semaphore, #tpu.memory_space<semaphore_mem>>)
      %dma_wait3A = arith.constant 40 : i32
      %dma_wait3A_269 = arith.constant 0 : i32
      %dma_wait3A_270 = tpu.memref_slice %arg3[%arg1, %dma_wait3A, %dma_wait3A_269] : memref<16x80x128xi32, #tpu.memory_space<hbm>> -> memref<1x40x128xi32, #tpu.memory_space<hbm>>
      %dma_wait3A_271 = tpu.memref_squeeze %dma_wait3A_270 : memref<1x40x128xi32, #tpu.memory_space<hbm>> -> memref<40x128xi32, #tpu.memory_space<hbm>>
      %dma_wait3A_272 = arith.constant 40 : i32
      %dma_wait3A_273 = arith.constant 0 : i32
      %dma_wait3A_274 = tpu.memref_slice %arg3[%arg1, %dma_wait3A_272, %dma_wait3A_273] : memref<16x80x128xi32, #tpu.memory_space<hbm>> -> memref<1x40x128xi32, #tpu.memory_space<hbm>>
      %dma_wait3A_275 = tpu.memref_squeeze %dma_wait3A_274 : memref<1x40x128xi32, #tpu.memory_space<hbm>> -> memref<40x128xi32, #tpu.memory_space<hbm>>
      tpu.wait_dma2 semaphore(%run_scoped3A : memref<!tpu.dma_semaphore, #tpu.memory_space<semaphore_mem>>) src(%dma_wait3A_275 : memref<40x128xi32, #tpu.memory_space<hbm>>) dst(%arg9 : memref<40x128xi32, #tpu.memory_space<vmem>>)
      tpu.yield
    }) : () -> ()
    %dma_start3A_127 = arith.constant 0 : i32
    %dma_start3A_128 = arith.constant 0 : i32
    %dma_start3A_129 = arith.constant 0 : i32
    %dma_start3A_130 = arith.constant 0 : i32
    %dma_start3A_131 = arith.constant 0 : i32
    %dma_start3A_132 = tpu.memref_slice %arg10[%dma_start3A_128, %dma_start3A_130, %dma_start3A_131] : memref<2x128x128xf32, #tpu.memory_space<vmem>> -> memref<1x32x128xf32, #tpu.memory_space<vmem>>
    %dma_start3A_133 = tpu.memref_squeeze %dma_start3A_132 : memref<1x32x128xf32, #tpu.memory_space<vmem>> -> memref<32x128xf32, #tpu.memory_space<vmem>>
    %dma_start3A_134 = arith.constant 0 : i32
    %dma_start3A_135 = tpu.memref_slice %arg8[%dma_start3A_127, %dma_start3A_134] : memref<40x128xi32, #tpu.memory_space<vmem>> -> memref<1x32xi32, #tpu.memory_space<vmem>>
    %dma_start3A_136 = tpu.memref_squeeze %dma_start3A_135 : memref<1x32xi32, #tpu.memory_space<vmem>> -> memref<32xi32, #tpu.memory_space<vmem>>
    %dma_start3A_137 = arith.constant 0 : i32
    %dma_start3A_138 = arith.constant 0 : i32
    %dma_start3A_139 = tpu.memref_slice %arg4[%dma_start3A_137, %dma_start3A_138] : memref<20480x128xf32, #tpu.memory_space<hbm>> -> memref<20480x128xf32, #tpu.memory_space<hbm>>
    %dma_start3A_140 = tpu.memref_slice %arg11[%dma_start3A_129] : memref<2x!tpu.dma_semaphore, #tpu.memory_space<semaphore_mem>> -> memref<1x!tpu.dma_semaphore, #tpu.memory_space<semaphore_mem>>
    %dma_start3A_141 = tpu.memref_squeeze %dma_start3A_140 : memref<1x!tpu.dma_semaphore, #tpu.memory_space<semaphore_mem>> -> memref<!tpu.dma_semaphore, #tpu.memory_space<semaphore_mem>>
    tpu.enqueue_indirect_dma source(%dma_start3A_139 : memref<20480x128xf32, #tpu.memory_space<hbm>>) target(%dma_start3A_133 : memref<32x128xf32, #tpu.memory_space<vmem>>) offsets(%dma_start3A_136 : memref<32xi32, #tpu.memory_space<vmem>>) semaphore(%dma_start3A_141 : memref<!tpu.dma_semaphore, #tpu.memory_space<semaphore_mem>>)
    %dma_start3A_142 = arith.constant 0 : i32
    %dma_start3A_143 = arith.constant 0 : i32
    %dma_start3A_144 = arith.constant 0 : i32
    %dma_start3A_145 = arith.constant 32 : i32
    %dma_start3A_146 = arith.constant 0 : i32
    %dma_start3A_147 = tpu.memref_slice %arg10[%dma_start3A_143, %dma_start3A_145, %dma_start3A_146] : memref<2x128x128xf32, #tpu.memory_space<vmem>> -> memref<1x32x128xf32, #tpu.memory_space<vmem>>
    %dma_start3A_148 = tpu.memref_squeeze %dma_start3A_147 : memref<1x32x128xf32, #tpu.memory_space<vmem>> -> memref<32x128xf32, #tpu.memory_space<vmem>>
    %dma_start3A_149 = arith.constant 32 : i32
    %dma_start3A_150 = tpu.memref_slice %arg8[%dma_start3A_142, %dma_start3A_149] : memref<40x128xi32, #tpu.memory_space<vmem>> -> memref<1x32xi32, #tpu.memory_space<vmem>>
    %dma_start3A_151 = tpu.memref_squeeze %dma_start3A_150 : memref<1x32xi32, #tpu.memory_space<vmem>> -> memref<32xi32, #tpu.memory_space<vmem>>
    %dma_start3A_152 = arith.constant 0 : i32
    %dma_start3A_153 = arith.constant 0 : i32
    %dma_start3A_154 = tpu.memref_slice %arg4[%dma_start3A_152, %dma_start3A_153] : memref<20480x128xf32, #tpu.memory_space<hbm>> -> memref<20480x128xf32, #tpu.memory_space<hbm>>
    %dma_start3A_155 = tpu.memref_slice %arg11[%dma_start3A_144] : memref<2x!tpu.dma_semaphore, #tpu.memory_space<semaphore_mem>> -> memref<1x!tpu.dma_semaphore, #tpu.memory_space<semaphore_mem>>
    %dma_start3A_156 = tpu.memref_squeeze %dma_start3A_155 : memref<1x!tpu.dma_semaphore, #tpu.memory_space<semaphore_mem>> -> memref<!tpu.dma_semaphore, #tpu.memory_space<semaphore_mem>>
    tpu.enqueue_indirect_dma source(%dma_start3A_154 : memref<20480x128xf32, #tpu.memory_space<hbm>>) target(%dma_start3A_148 : memref<32x128xf32, #tpu.memory_space<vmem>>) offsets(%dma_start3A_151 : memref<32xi32, #tpu.memory_space<vmem>>) semaphore(%dma_start3A_156 : memref<!tpu.dma_semaphore, #tpu.memory_space<semaphore_mem>>)
    %dma_start3A_157 = arith.constant 0 : i32
    %dma_start3A_158 = arith.constant 0 : i32
    %dma_start3A_159 = arith.constant 0 : i32
    %dma_start3A_160 = arith.constant 64 : i32
    %dma_start3A_161 = arith.constant 0 : i32
    %dma_start3A_162 = tpu.memref_slice %arg10[%dma_start3A_158, %dma_start3A_160, %dma_start3A_161] : memref<2x128x128xf32, #tpu.memory_space<vmem>> -> memref<1x32x128xf32, #tpu.memory_space<vmem>>
    %dma_start3A_163 = tpu.memref_squeeze %dma_start3A_162 : memref<1x32x128xf32, #tpu.memory_space<vmem>> -> memref<32x128xf32, #tpu.memory_space<vmem>>
    %dma_start3A_164 = arith.constant 64 : i32
    %dma_start3A_165 = tpu.memref_slice %arg8[%dma_start3A_157, %dma_start3A_164] : memref<40x128xi32, #tpu.memory_space<vmem>> -> memref<1x32xi32, #tpu.memory_space<vmem>>
    %dma_start3A_166 = tpu.memref_squeeze %dma_start3A_165 : memref<1x32xi32, #tpu.memory_space<vmem>> -> memref<32xi32, #tpu.memory_space<vmem>>
    %dma_start3A_167 = arith.constant 0 : i32
    %dma_start3A_168 = arith.constant 0 : i32
    %dma_start3A_169 = tpu.memref_slice %arg4[%dma_start3A_167, %dma_start3A_168] : memref<20480x128xf32, #tpu.memory_space<hbm>> -> memref<20480x128xf32, #tpu.memory_space<hbm>>
    %dma_start3A_170 = tpu.memref_slice %arg11[%dma_start3A_159] : memref<2x!tpu.dma_semaphore, #tpu.memory_space<semaphore_mem>> -> memref<1x!tpu.dma_semaphore, #tpu.memory_space<semaphore_mem>>
    %dma_start3A_171 = tpu.memref_squeeze %dma_start3A_170 : memref<1x!tpu.dma_semaphore, #tpu.memory_space<semaphore_mem>> -> memref<!tpu.dma_semaphore, #tpu.memory_space<semaphore_mem>>
    tpu.enqueue_indirect_dma source(%dma_start3A_169 : memref<20480x128xf32, #tpu.memory_space<hbm>>) target(%dma_start3A_163 : memref<32x128xf32, #tpu.memory_space<vmem>>) offsets(%dma_start3A_166 : memref<32xi32, #tpu.memory_space<vmem>>) semaphore(%dma_start3A_171 : memref<!tpu.dma_semaphore, #tpu.memory_space<semaphore_mem>>)
    %dma_start3A_172 = arith.constant 0 : i32
    %dma_start3A_173 = arith.constant 0 : i32
    %dma_start3A_174 = arith.constant 0 : i32
    %dma_start3A_175 = arith.constant 96 : i32
    %dma_start3A_176 = arith.constant 0 : i32
    %dma_start3A_177 = tpu.memref_slice %arg10[%dma_start3A_173, %dma_start3A_175, %dma_start3A_176] : memref<2x128x128xf32, #tpu.memory_space<vmem>> -> memref<1x32x128xf32, #tpu.memory_space<vmem>>
    %dma_start3A_178 = tpu.memref_squeeze %dma_start3A_177 : memref<1x32x128xf32, #tpu.memory_space<vmem>> -> memref<32x128xf32, #tpu.memory_space<vmem>>
    %dma_start3A_179 = arith.constant 96 : i32
    %dma_start3A_180 = tpu.memref_slice %arg8[%dma_start3A_172, %dma_start3A_179] : memref<40x128xi32, #tpu.memory_space<vmem>> -> memref<1x32xi32, #tpu.memory_space<vmem>>
    %dma_start3A_181 = tpu.memref_squeeze %dma_start3A_180 : memref<1x32xi32, #tpu.memory_space<vmem>> -> memref<32xi32, #tpu.memory_space<vmem>>
    %dma_start3A_182 = arith.constant 0 : i32
    %dma_start3A_183 = arith.constant 0 : i32
    %dma_start3A_184 = tpu.memref_slice %arg4[%dma_start3A_182, %dma_start3A_183] : memref<20480x128xf32, #tpu.memory_space<hbm>> -> memref<20480x128xf32, #tpu.memory_space<hbm>>
    %dma_start3A_185 = tpu.memref_slice %arg11[%dma_start3A_174] : memref<2x!tpu.dma_semaphore, #tpu.memory_space<semaphore_mem>> -> memref<1x!tpu.dma_semaphore, #tpu.memory_space<semaphore_mem>>
    %dma_start3A_186 = tpu.memref_squeeze %dma_start3A_185 : memref<1x!tpu.dma_semaphore, #tpu.memory_space<semaphore_mem>> -> memref<!tpu.dma_semaphore, #tpu.memory_space<semaphore_mem>>
    tpu.enqueue_indirect_dma source(%dma_start3A_184 : memref<20480x128xf32, #tpu.memory_space<hbm>>) target(%dma_start3A_178 : memref<32x128xf32, #tpu.memory_space<vmem>>) offsets(%dma_start3A_181 : memref<32xi32, #tpu.memory_space<vmem>>) semaphore(%dma_start3A_186 : memref<!tpu.dma_semaphore, #tpu.memory_space<semaphore_mem>>)
    %dma_start3A_187 = arith.constant 1 : i32
    %dma_start3A_188 = arith.constant 1 : i32
    %dma_start3A_189 = arith.constant 1 : i32
    %dma_start3A_190 = arith.constant 0 : i32
    %dma_start3A_191 = arith.constant 0 : i32
    %dma_start3A_192 = tpu.memref_slice %arg10[%dma_start3A_188, %dma_start3A_190, %dma_start3A_191] : memref<2x128x128xf32, #tpu.memory_space<vmem>> -> memref<1x32x128xf32, #tpu.memory_space<vmem>>
    %dma_start3A_193 = tpu.memref_squeeze %dma_start3A_192 : memref<1x32x128xf32, #tpu.memory_space<vmem>> -> memref<32x128xf32, #tpu.memory_space<vmem>>
    %dma_start3A_194 = arith.constant 0 : i32
    %dma_start3A_195 = tpu.memref_slice %arg8[%dma_start3A_187, %dma_start3A_194] : memref<40x128xi32, #tpu.memory_space<vmem>> -> memref<1x32xi32, #tpu.memory_space<vmem>>
    %dma_start3A_196 = tpu.memref_squeeze %dma_start3A_195 : memref<1x32xi32, #tpu.memory_space<vmem>> -> memref<32xi32, #tpu.memory_space<vmem>>
    %dma_start3A_197 = arith.constant 0 : i32
    %dma_start3A_198 = arith.constant 0 : i32
    %dma_start3A_199 = tpu.memref_slice %arg4[%dma_start3A_197, %dma_start3A_198] : memref<20480x128xf32, #tpu.memory_space<hbm>> -> memref<20480x128xf32, #tpu.memory_space<hbm>>
    %dma_start3A_200 = tpu.memref_slice %arg11[%dma_start3A_189] : memref<2x!tpu.dma_semaphore, #tpu.memory_space<semaphore_mem>> -> memref<1x!tpu.dma_semaphore, #tpu.memory_space<semaphore_mem>>
    %dma_start3A_201 = tpu.memref_squeeze %dma_start3A_200 : memref<1x!tpu.dma_semaphore, #tpu.memory_space<semaphore_mem>> -> memref<!tpu.dma_semaphore, #tpu.memory_space<semaphore_mem>>
    tpu.enqueue_indirect_dma source(%dma_start3A_199 : memref<20480x128xf32, #tpu.memory_space<hbm>>) target(%dma_start3A_193 : memref<32x128xf32, #tpu.memory_space<vmem>>) offsets(%dma_start3A_196 : memref<32xi32, #tpu.memory_space<vmem>>) semaphore(%dma_start3A_201 : memref<!tpu.dma_semaphore, #tpu.memory_space<semaphore_mem>>)
    %dma_start3A_202 = arith.constant 1 : i32
    %dma_start3A_203 = arith.constant 1 : i32
    %dma_start3A_204 = arith.constant 1 : i32
    %dma_start3A_205 = arith.constant 32 : i32
    %dma_start3A_206 = arith.constant 0 : i32
    %dma_start3A_207 = tpu.memref_slice %arg10[%dma_start3A_203, %dma_start3A_205, %dma_start3A_206] : memref<2x128x128xf32, #tpu.memory_space<vmem>> -> memref<1x32x128xf32, #tpu.memory_space<vmem>>
    %dma_start3A_208 = tpu.memref_squeeze %dma_start3A_207 : memref<1x32x128xf32, #tpu.memory_space<vmem>> -> memref<32x128xf32, #tpu.memory_space<vmem>>
    %dma_start3A_209 = arith.constant 32 : i32
    %dma_start3A_210 = tpu.memref_slice %arg8[%dma_start3A_202, %dma_start3A_209] : memref<40x128xi32, #tpu.memory_space<vmem>> -> memref<1x32xi32, #tpu.memory_space<vmem>>
    %dma_start3A_211 = tpu.memref_squeeze %dma_start3A_210 : memref<1x32xi32, #tpu.memory_space<vmem>> -> memref<32xi32, #tpu.memory_space<vmem>>
    %dma_start3A_212 = arith.constant 0 : i32
    %dma_start3A_213 = arith.constant 0 : i32
    %dma_start3A_214 = tpu.memref_slice %arg4[%dma_start3A_212, %dma_start3A_213] : memref<20480x128xf32, #tpu.memory_space<hbm>> -> memref<20480x128xf32, #tpu.memory_space<hbm>>
    %dma_start3A_215 = tpu.memref_slice %arg11[%dma_start3A_204] : memref<2x!tpu.dma_semaphore, #tpu.memory_space<semaphore_mem>> -> memref<1x!tpu.dma_semaphore, #tpu.memory_space<semaphore_mem>>
    %dma_start3A_216 = tpu.memref_squeeze %dma_start3A_215 : memref<1x!tpu.dma_semaphore, #tpu.memory_space<semaphore_mem>> -> memref<!tpu.dma_semaphore, #tpu.memory_space<semaphore_mem>>
    tpu.enqueue_indirect_dma source(%dma_start3A_214 : memref<20480x128xf32, #tpu.memory_space<hbm>>) target(%dma_start3A_208 : memref<32x128xf32, #tpu.memory_space<vmem>>) offsets(%dma_start3A_211 : memref<32xi32, #tpu.memory_space<vmem>>) semaphore(%dma_start3A_216 : memref<!tpu.dma_semaphore, #tpu.memory_space<semaphore_mem>>)
    %dma_start3A_217 = arith.constant 1 : i32
    %dma_start3A_218 = arith.constant 1 : i32
    %dma_start3A_219 = arith.constant 1 : i32
    %dma_start3A_220 = arith.constant 64 : i32
    %dma_start3A_221 = arith.constant 0 : i32
    %dma_start3A_222 = tpu.memref_slice %arg10[%dma_start3A_218, %dma_start3A_220, %dma_start3A_221] : memref<2x128x128xf32, #tpu.memory_space<vmem>> -> memref<1x32x128xf32, #tpu.memory_space<vmem>>
    %dma_start3A_223 = tpu.memref_squeeze %dma_start3A_222 : memref<1x32x128xf32, #tpu.memory_space<vmem>> -> memref<32x128xf32, #tpu.memory_space<vmem>>
    %dma_start3A_224 = arith.constant 64 : i32
    %dma_start3A_225 = tpu.memref_slice %arg8[%dma_start3A_217, %dma_start3A_224] : memref<40x128xi32, #tpu.memory_space<vmem>> -> memref<1x32xi32, #tpu.memory_space<vmem>>
    %dma_start3A_226 = tpu.memref_squeeze %dma_start3A_225 : memref<1x32xi32, #tpu.memory_space<vmem>> -> memref<32xi32, #tpu.memory_space<vmem>>
    %dma_start3A_227 = arith.constant 0 : i32
    %dma_start3A_228 = arith.constant 0 : i32
    %dma_start3A_229 = tpu.memref_slice %arg4[%dma_start3A_227, %dma_start3A_228] : memref<20480x128xf32, #tpu.memory_space<hbm>> -> memref<20480x128xf32, #tpu.memory_space<hbm>>
    %dma_start3A_230 = tpu.memref_slice %arg11[%dma_start3A_219] : memref<2x!tpu.dma_semaphore, #tpu.memory_space<semaphore_mem>> -> memref<1x!tpu.dma_semaphore, #tpu.memory_space<semaphore_mem>>
    %dma_start3A_231 = tpu.memref_squeeze %dma_start3A_230 : memref<1x!tpu.dma_semaphore, #tpu.memory_space<semaphore_mem>> -> memref<!tpu.dma_semaphore, #tpu.memory_space<semaphore_mem>>
    tpu.enqueue_indirect_dma source(%dma_start3A_229 : memref<20480x128xf32, #tpu.memory_space<hbm>>) target(%dma_start3A_223 : memref<32x128xf32, #tpu.memory_space<vmem>>) offsets(%dma_start3A_226 : memref<32xi32, #tpu.memory_space<vmem>>) semaphore(%dma_start3A_231 : memref<!tpu.dma_semaphore, #tpu.memory_space<semaphore_mem>>)
    %dma_start3A_232 = arith.constant 1 : i32
    %dma_start3A_233 = arith.constant 1 : i32
    %dma_start3A_234 = arith.constant 1 : i32
    %dma_start3A_235 = arith.constant 96 : i32
    %dma_start3A_236 = arith.constant 0 : i32
    %dma_start3A_237 = tpu.memref_slice %arg10[%dma_start3A_233, %dma_start3A_235, %dma_start3A_236] : memref<2x128x128xf32, #tpu.memory_space<vmem>> -> memref<1x32x128xf32, #tpu.memory_space<vmem>>
    %dma_start3A_238 = tpu.memref_squeeze %dma_start3A_237 : memref<1x32x128xf32, #tpu.memory_space<vmem>> -> memref<32x128xf32, #tpu.memory_space<vmem>>
    %dma_start3A_239 = arith.constant 96 : i32
    %dma_start3A_240 = tpu.memref_slice %arg8[%dma_start3A_232, %dma_start3A_239] : memref<40x128xi32, #tpu.memory_space<vmem>> -> memref<1x32xi32, #tpu.memory_space<vmem>>
    %dma_start3A_241 = tpu.memref_squeeze %dma_start3A_240 : memref<1x32xi32, #tpu.memory_space<vmem>> -> memref<32xi32, #tpu.memory_space<vmem>>
    %dma_start3A_242 = arith.constant 0 : i32
    %dma_start3A_243 = arith.constant 0 : i32
    %dma_start3A_244 = tpu.memref_slice %arg4[%dma_start3A_242, %dma_start3A_243] : memref<20480x128xf32, #tpu.memory_space<hbm>> -> memref<20480x128xf32, #tpu.memory_space<hbm>>
    %dma_start3A_245 = tpu.memref_slice %arg11[%dma_start3A_234] : memref<2x!tpu.dma_semaphore, #tpu.memory_space<semaphore_mem>> -> memref<1x!tpu.dma_semaphore, #tpu.memory_space<semaphore_mem>>
    %dma_start3A_246 = tpu.memref_squeeze %dma_start3A_245 : memref<1x!tpu.dma_semaphore, #tpu.memory_space<semaphore_mem>> -> memref<!tpu.dma_semaphore, #tpu.memory_space<semaphore_mem>>
    tpu.enqueue_indirect_dma source(%dma_start3A_244 : memref<20480x128xf32, #tpu.memory_space<hbm>>) target(%dma_start3A_238 : memref<32x128xf32, #tpu.memory_space<vmem>>) offsets(%dma_start3A_241 : memref<32xi32, #tpu.memory_space<vmem>>) semaphore(%dma_start3A_246 : memref<!tpu.dma_semaphore, #tpu.memory_space<semaphore_mem>>)
    %scan3A_247 = arith.constant 0 : i32
    %scan3A_248 = arith.constant 0 : i32
    %scan3A_249 = arith.constant 20 : i32
    %scan3A_250 = arith.addi %scan3A_248, %scan3A_249 : i32
    %scan3A_251 = arith.constant 1 : i32
    scf.for %scan3A_261 = %scan3A_248 to %scan3A_250 step %scan3A_251  : i32 {
      %mul3A_262 = arith.constant 2 : i32
      %mul3A_263 = arith.muli %scan3A_261, %mul3A_262 : i32
      %add3A_264 = arith.constant 0 : i32
      %add3A_265 = arith.addi %mul3A_263, %add3A_264 : i32
      %dma_wait3A = arith.constant 0 : i32
      %dma_wait3A_266 = arith.constant 0 : i32
      %dma_wait3A_267 = arith.constant 0 : i32
      %dma_wait3A_268 = arith.constant 0 : i32
      %dma_wait3A_269 = tpu.memref_slice %arg10[%dma_wait3A, %dma_wait3A_267, %dma_wait3A_268] : memref<2x128x128xf32, #tpu.memory_space<vmem>> -> memref<1x32x128xf32, #tpu.memory_space<vmem>>
      %dma_wait3A_270 = tpu.memref_squeeze %dma_wait3A_269 : memref<1x32x128xf32, #tpu.memory_space<vmem>> -> memref<32x128xf32, #tpu.memory_space<vmem>>
      %dma_wait3A_271 = arith.constant 0 : i32
      %dma_wait3A_272 = tpu.memref_slice %arg8[%add3A_265, %dma_wait3A_271] : memref<40x128xi32, #tpu.memory_space<vmem>> -> memref<1x32xi32, #tpu.memory_space<vmem>>
      %dma_wait3A_273 = tpu.memref_squeeze %dma_wait3A_272 : memref<1x32xi32, #tpu.memory_space<vmem>> -> memref<32xi32, #tpu.memory_space<vmem>>
      %dma_wait3A_274 = arith.constant 0 : i32
      %dma_wait3A_275 = arith.constant 0 : i32
      %dma_wait3A_276 = tpu.memref_slice %arg4[%dma_wait3A_274, %dma_wait3A_275] : memref<20480x128xf32, #tpu.memory_space<hbm>> -> memref<20480x128xf32, #tpu.memory_space<hbm>>
      %dma_wait3A_277 = tpu.memref_slice %arg11[%dma_wait3A_266] : memref<2x!tpu.dma_semaphore, #tpu.memory_space<semaphore_mem>> -> memref<1x!tpu.dma_semaphore, #tpu.memory_space<semaphore_mem>>
      %dma_wait3A_278 = tpu.memref_squeeze %dma_wait3A_277 : memref<1x!tpu.dma_semaphore, #tpu.memory_space<semaphore_mem>> -> memref<!tpu.dma_semaphore, #tpu.memory_space<semaphore_mem>>
      tpu.wait_indirect_dma semaphore(%dma_wait3A_278 : memref<!tpu.dma_semaphore, #tpu.memory_space<semaphore_mem>>) src(%dma_wait3A_276 : memref<20480x128xf32, #tpu.memory_space<hbm>>) dst(%dma_wait3A_270 : memref<32x128xf32, #tpu.memory_space<vmem>>)
      %dma_wait3A_279 = arith.constant 0 : i32
      %dma_wait3A_280 = arith.constant 0 : i32
      %dma_wait3A_281 = arith.constant 32 : i32
      %dma_wait3A_282 = arith.constant 0 : i32
      %dma_wait3A_283 = tpu.memref_slice %arg10[%dma_wait3A_279, %dma_wait3A_281, %dma_wait3A_282] : memref<2x128x128xf32, #tpu.memory_space<vmem>> -> memref<1x32x128xf32, #tpu.memory_space<vmem>>
      %dma_wait3A_284 = tpu.memref_squeeze %dma_wait3A_283 : memref<1x32x128xf32, #tpu.memory_space<vmem>> -> memref<32x128xf32, #tpu.memory_space<vmem>>
      %dma_wait3A_285 = arith.constant 32 : i32
      %dma_wait3A_286 = tpu.memref_slice %arg8[%add3A_265, %dma_wait3A_285] : memref<40x128xi32, #tpu.memory_space<vmem>> -> memref<1x32xi32, #tpu.memory_space<vmem>>
      %dma_wait3A_287 = tpu.memref_squeeze %dma_wait3A_286 : memref<1x32xi32, #tpu.memory_space<vmem>> -> memref<32xi32, #tpu.memory_space<vmem>>
      %dma_wait3A_288 = arith.constant 0 : i32
      %dma_wait3A_289 = arith.constant 0 : i32
      %dma_wait3A_290 = tpu.memref_slice %arg4[%dma_wait3A_288, %dma_wait3A_289] : memref<20480x128xf32, #tpu.memory_space<hbm>> -> memref<20480x128xf32, #tpu.memory_space<hbm>>
      %dma_wait3A_291 = tpu.memref_slice %arg11[%dma_wait3A_280] : memref<2x!tpu.dma_semaphore, #tpu.memory_space<semaphore_mem>> -> memref<1x!tpu.dma_semaphore, #tpu.memory_space<semaphore_mem>>
      %dma_wait3A_292 = tpu.memref_squeeze %dma_wait3A_291 : memref<1x!tpu.dma_semaphore, #tpu.memory_space<semaphore_mem>> -> memref<!tpu.dma_semaphore, #tpu.memory_space<semaphore_mem>>
      tpu.wait_indirect_dma semaphore(%dma_wait3A_292 : memref<!tpu.dma_semaphore, #tpu.memory_space<semaphore_mem>>) src(%dma_wait3A_290 : memref<20480x128xf32, #tpu.memory_space<hbm>>) dst(%dma_wait3A_284 : memref<32x128xf32, #tpu.memory_space<vmem>>)
      %dma_wait3A_293 = arith.constant 0 : i32
      %dma_wait3A_294 = arith.constant 0 : i32
      %dma_wait3A_295 = arith.constant 64 : i32
      %dma_wait3A_296 = arith.constant 0 : i32
      %dma_wait3A_297 = tpu.memref_slice %arg10[%dma_wait3A_293, %dma_wait3A_295, %dma_wait3A_296] : memref<2x128x128xf32, #tpu.memory_space<vmem>> -> memref<1x32x128xf32, #tpu.memory_space<vmem>>
      %dma_wait3A_298 = tpu.memref_squeeze %dma_wait3A_297 : memref<1x32x128xf32, #tpu.memory_space<vmem>> -> memref<32x128xf32, #tpu.memory_space<vmem>>
      %dma_wait3A_299 = arith.constant 64 : i32
      %dma_wait3A_300 = tpu.memref_slice %arg8[%add3A_265, %dma_wait3A_299] : memref<40x128xi32, #tpu.memory_space<vmem>> -> memref<1x32xi32, #tpu.memory_space<vmem>>
      %dma_wait3A_301 = tpu.memref_squeeze %dma_wait3A_300 : memref<1x32xi32, #tpu.memory_space<vmem>> -> memref<32xi32, #tpu.memory_space<vmem>>
      %dma_wait3A_302 = arith.constant 0 : i32
      %dma_wait3A_303 = arith.constant 0 : i32
      %dma_wait3A_304 = tpu.memref_slice %arg4[%dma_wait3A_302, %dma_wait3A_303] : memref<20480x128xf32, #tpu.memory_space<hbm>> -> memref<20480x128xf32, #tpu.memory_space<hbm>>
      %dma_wait3A_305 = tpu.memref_slice %arg11[%dma_wait3A_294] : memref<2x!tpu.dma_semaphore, #tpu.memory_space<semaphore_mem>> -> memref<1x!tpu.dma_semaphore, #tpu.memory_space<semaphore_mem>>
      %dma_wait3A_306 = tpu.memref_squeeze %dma_wait3A_305 : memref<1x!tpu.dma_semaphore, #tpu.memory_space<semaphore_mem>> -> memref<!tpu.dma_semaphore, #tpu.memory_space<semaphore_mem>>
      tpu.wait_indirect_dma semaphore(%dma_wait3A_306 : memref<!tpu.dma_semaphore, #tpu.memory_space<semaphore_mem>>) src(%dma_wait3A_304 : memref<20480x128xf32, #tpu.memory_space<hbm>>) dst(%dma_wait3A_298 : memref<32x128xf32, #tpu.memory_space<vmem>>)
      %dma_wait3A_307 = arith.constant 0 : i32
      %dma_wait3A_308 = arith.constant 0 : i32
      %dma_wait3A_309 = arith.constant 96 : i32
      %dma_wait3A_310 = arith.constant 0 : i32
      %dma_wait3A_311 = tpu.memref_slice %arg10[%dma_wait3A_307, %dma_wait3A_309, %dma_wait3A_310] : memref<2x128x128xf32, #tpu.memory_space<vmem>> -> memref<1x32x128xf32, #tpu.memory_space<vmem>>
      %dma_wait3A_312 = tpu.memref_squeeze %dma_wait3A_311 : memref<1x32x128xf32, #tpu.memory_space<vmem>> -> memref<32x128xf32, #tpu.memory_space<vmem>>
      %dma_wait3A_313 = arith.constant 96 : i32
      %dma_wait3A_314 = tpu.memref_slice %arg8[%add3A_265, %dma_wait3A_313] : memref<40x128xi32, #tpu.memory_space<vmem>> -> memref<1x32xi32, #tpu.memory_space<vmem>>
      %dma_wait3A_315 = tpu.memref_squeeze %dma_wait3A_314 : memref<1x32xi32, #tpu.memory_space<vmem>> -> memref<32xi32, #tpu.memory_space<vmem>>
      %dma_wait3A_316 = arith.constant 0 : i32
      %dma_wait3A_317 = arith.constant 0 : i32
      %dma_wait3A_318 = tpu.memref_slice %arg4[%dma_wait3A_316, %dma_wait3A_317] : memref<20480x128xf32, #tpu.memory_space<hbm>> -> memref<20480x128xf32, #tpu.memory_space<hbm>>
      %dma_wait3A_319 = tpu.memref_slice %arg11[%dma_wait3A_308] : memref<2x!tpu.dma_semaphore, #tpu.memory_space<semaphore_mem>> -> memref<1x!tpu.dma_semaphore, #tpu.memory_space<semaphore_mem>>
      %dma_wait3A_320 = tpu.memref_squeeze %dma_wait3A_319 : memref<1x!tpu.dma_semaphore, #tpu.memory_space<semaphore_mem>> -> memref<!tpu.dma_semaphore, #tpu.memory_space<semaphore_mem>>
      tpu.wait_indirect_dma semaphore(%dma_wait3A_320 : memref<!tpu.dma_semaphore, #tpu.memory_space<semaphore_mem>>) src(%dma_wait3A_318 : memref<20480x128xf32, #tpu.memory_space<hbm>>) dst(%dma_wait3A_312 : memref<32x128xf32, #tpu.memory_space<vmem>>)
      %run_scoped3A = arith.constant 0 : i32
      "tpu.region"() ({
        %run_scoped3A_393 = tpu.sem_alloc : memref<!tpu.dma_semaphore, #tpu.memory_space<semaphore_mem>>
        %dma_start3A_394 = arith.constant 0 : i32
        %dma_start3A_395 = arith.constant 0 : i32
        %dma_start3A_396 = tpu.memref_slice %arg10[%run_scoped3A, %dma_start3A_394, %dma_start3A_395] : memref<2x128x128xf32, #tpu.memory_space<vmem>> -> memref<1x128x128xf32, #tpu.memory_space<vmem>>
        %dma_start3A_397 = tpu.memref_squeeze %dma_start3A_396 : memref<1x128x128xf32, #tpu.memory_space<vmem>> -> memref<128x128xf32, #tpu.memory_space<vmem>>
        %dma_start3A_398 = arith.constant 0 : i32
        %dma_start3A_399 = tpu.memref_slice %arg9[%add3A_265, %dma_start3A_398] : memref<40x128xi32, #tpu.memory_space<vmem>> -> memref<1x128xi32, #tpu.memory_space<vmem>>
        %dma_start3A_400 = tpu.memref_squeeze %dma_start3A_399 : memref<1x128xi32, #tpu.memory_space<vmem>> -> memref<128xi32, #tpu.memory_space<vmem>>
        %dma_start3A_401 = arith.constant 0 : i32
        %dma_start3A_402 = arith.constant 0 : i32
        %dma_start3A_403 = tpu.memref_slice %arg7[%dma_start3A_401, %dma_start3A_402] : memref<10240x128xf32, #tpu.memory_space<vmem_shared>> -> memref<10240x128xf32, #tpu.memory_space<vmem_shared>>
        tpu.enqueue_indirect_dma source(%dma_start3A_397 : memref<128x128xf32, #tpu.memory_space<vmem>>) target(%dma_start3A_403 : memref<10240x128xf32, #tpu.memory_space<vmem_shared>>) offsets(%dma_start3A_400 : memref<128xi32, #tpu.memory_space<vmem>>) semaphore(%run_scoped3A_393 : memref<!tpu.dma_semaphore, #tpu.memory_space<semaphore_mem>>) {add = true}
        %dma_wait3A_404 = arith.constant 0 : i32
        %dma_wait3A_405 = arith.constant 0 : i32
        %dma_wait3A_406 = tpu.memref_slice %arg10[%run_scoped3A, %dma_wait3A_404, %dma_wait3A_405] : memref<2x128x128xf32, #tpu.memory_space<vmem>> -> memref<1x128x128xf32, #tpu.memory_space<vmem>>
        %dma_wait3A_407 = tpu.memref_squeeze %dma_wait3A_406 : memref<1x128x128xf32, #tpu.memory_space<vmem>> -> memref<128x128xf32, #tpu.memory_space<vmem>>
        %dma_wait3A_408 = arith.constant 0 : i32
        %dma_wait3A_409 = tpu.memref_slice %arg9[%add3A_265, %dma_wait3A_408] : memref<40x128xi32, #tpu.memory_space<vmem>> -> memref<1x128xi32, #tpu.memory_space<vmem>>
        %dma_wait3A_410 = tpu.memref_squeeze %dma_wait3A_409 : memref<1x128xi32, #tpu.memory_space<vmem>> -> memref<128xi32, #tpu.memory_space<vmem>>
        %dma_wait3A_411 = arith.constant 0 : i32
        %dma_wait3A_412 = arith.constant 0 : i32
        %dma_wait3A_413 = tpu.memref_slice %arg7[%dma_wait3A_411, %dma_wait3A_412] : memref<10240x128xf32, #tpu.memory_space<vmem_shared>> -> memref<10240x128xf32, #tpu.memory_space<vmem_shared>>
        tpu.wait_indirect_dma semaphore(%run_scoped3A_393 : memref<!tpu.dma_semaphore, #tpu.memory_space<semaphore_mem>>) src(%dma_wait3A_407 : memref<128x128xf32, #tpu.memory_space<vmem>>) dst(%dma_wait3A_413 : memref<10240x128xf32, #tpu.memory_space<vmem_shared>>)
        tpu.yield
      }) : () -> ()
      %add3A_321 = arith.constant 2 : i32
      %add3A_322 = arith.addi %add3A_265, %add3A_321 : i32
      %lt3A = arith.constant 40 : i32
      %lt3A_323 = arith.cmpi slt, %add3A_322, %lt3A : i32
      %convert_element_type3A = arith.extui %lt3A_323 : i1 to i32
      %cond3A = arith.constant 0 : i32
      %cond3A_324 = arith.cmpi ne, %convert_element_type3A, %cond3A : i32
      scf.if %cond3A_324 {
        %add3A_393 = arith.constant 2 : i32
        %add3A_394 = arith.addi %add3A_265, %add3A_393 : i32
        %dma_start3A_395 = arith.constant 0 : i32
        %dma_start3A_396 = arith.constant 0 : i32
        %dma_start3A_397 = arith.constant 0 : i32
        %dma_start3A_398 = arith.constant 0 : i32
        %dma_start3A_399 = tpu.memref_slice %arg10[%dma_start3A_395, %dma_start3A_397, %dma_start3A_398] : memref<2x128x128xf32, #tpu.memory_space<vmem>> -> memref<1x32x128xf32, #tpu.memory_space<vmem>>
        %dma_start3A_400 = tpu.memref_squeeze %dma_start3A_399 : memref<1x32x128xf32, #tpu.memory_space<vmem>> -> memref<32x128xf32, #tpu.memory_space<vmem>>
        %dma_start3A_401 = arith.constant 0 : i32
        %dma_start3A_402 = tpu.memref_slice %arg8[%add3A_394, %dma_start3A_401] : memref<40x128xi32, #tpu.memory_space<vmem>> -> memref<1x32xi32, #tpu.memory_space<vmem>>
        %dma_start3A_403 = tpu.memref_squeeze %dma_start3A_402 : memref<1x32xi32, #tpu.memory_space<vmem>> -> memref<32xi32, #tpu.memory_space<vmem>>
        %dma_start3A_404 = arith.constant 0 : i32
        %dma_start3A_405 = arith.constant 0 : i32
        %dma_start3A_406 = tpu.memref_slice %arg4[%dma_start3A_404, %dma_start3A_405] : memref<20480x128xf32, #tpu.memory_space<hbm>> -> memref<20480x128xf32, #tpu.memory_space<hbm>>
        %dma_start3A_407 = tpu.memref_slice %arg11[%dma_start3A_396] : memref<2x!tpu.dma_semaphore, #tpu.memory_space<semaphore_mem>> -> memref<1x!tpu.dma_semaphore, #tpu.memory_space<semaphore_mem>>
        %dma_start3A_408 = tpu.memref_squeeze %dma_start3A_407 : memref<1x!tpu.dma_semaphore, #tpu.memory_space<semaphore_mem>> -> memref<!tpu.dma_semaphore, #tpu.memory_space<semaphore_mem>>
        tpu.enqueue_indirect_dma source(%dma_start3A_406 : memref<20480x128xf32, #tpu.memory_space<hbm>>) target(%dma_start3A_400 : memref<32x128xf32, #tpu.memory_space<vmem>>) offsets(%dma_start3A_403 : memref<32xi32, #tpu.memory_space<vmem>>) semaphore(%dma_start3A_408 : memref<!tpu.dma_semaphore, #tpu.memory_space<semaphore_mem>>)
        %dma_start3A_409 = arith.constant 0 : i32
        %dma_start3A_410 = arith.constant 0 : i32
        %dma_start3A_411 = arith.constant 32 : i32
        %dma_start3A_412 = arith.constant 0 : i32
        %dma_start3A_413 = tpu.memref_slice %arg10[%dma_start3A_409, %dma_start3A_411, %dma_start3A_412] : memref<2x128x128xf32, #tpu.memory_space<vmem>> -> memref<1x32x128xf32, #tpu.memory_space<vmem>>
        %dma_start3A_414 = tpu.memref_squeeze %dma_start3A_413 : memref<1x32x128xf32, #tpu.memory_space<vmem>> -> memref<32x128xf32, #tpu.memory_space<vmem>>
        %dma_start3A_415 = arith.constant 32 : i32
        %dma_start3A_416 = tpu.memref_slice %arg8[%add3A_394, %dma_start3A_415] : memref<40x128xi32, #tpu.memory_space<vmem>> -> memref<1x32xi32, #tpu.memory_space<vmem>>
        %dma_start3A_417 = tpu.memref_squeeze %dma_start3A_416 : memref<1x32xi32, #tpu.memory_space<vmem>> -> memref<32xi32, #tpu.memory_space<vmem>>
        %dma_start3A_418 = arith.constant 0 : i32
        %dma_start3A_419 = arith.constant 0 : i32
        %dma_start3A_420 = tpu.memref_slice %arg4[%dma_start3A_418, %dma_start3A_419] : memref<20480x128xf32, #tpu.memory_space<hbm>> -> memref<20480x128xf32, #tpu.memory_space<hbm>>
        %dma_start3A_421 = tpu.memref_slice %arg11[%dma_start3A_410] : memref<2x!tpu.dma_semaphore, #tpu.memory_space<semaphore_mem>> -> memref<1x!tpu.dma_semaphore, #tpu.memory_space<semaphore_mem>>
        %dma_start3A_422 = tpu.memref_squeeze %dma_start3A_421 : memref<1x!tpu.dma_semaphore, #tpu.memory_space<semaphore_mem>> -> memref<!tpu.dma_semaphore, #tpu.memory_space<semaphore_mem>>
        tpu.enqueue_indirect_dma source(%dma_start3A_420 : memref<20480x128xf32, #tpu.memory_space<hbm>>) target(%dma_start3A_414 : memref<32x128xf32, #tpu.memory_space<vmem>>) offsets(%dma_start3A_417 : memref<32xi32, #tpu.memory_space<vmem>>) semaphore(%dma_start3A_422 : memref<!tpu.dma_semaphore, #tpu.memory_space<semaphore_mem>>)
        %dma_start3A_423 = arith.constant 0 : i32
        %dma_start3A_424 = arith.constant 0 : i32
        %dma_start3A_425 = arith.constant 64 : i32
        %dma_start3A_426 = arith.constant 0 : i32
        %dma_start3A_427 = tpu.memref_slice %arg10[%dma_start3A_423, %dma_start3A_425, %dma_start3A_426] : memref<2x128x128xf32, #tpu.memory_space<vmem>> -> memref<1x32x128xf32, #tpu.memory_space<vmem>>
        %dma_start3A_428 = tpu.memref_squeeze %dma_start3A_427 : memref<1x32x128xf32, #tpu.memory_space<vmem>> -> memref<32x128xf32, #tpu.memory_space<vmem>>
        %dma_start3A_429 = arith.constant 64 : i32
        %dma_start3A_430 = tpu.memref_slice %arg8[%add3A_394, %dma_start3A_429] : memref<40x128xi32, #tpu.memory_space<vmem>> -> memref<1x32xi32, #tpu.memory_space<vmem>>
        %dma_start3A_431 = tpu.memref_squeeze %dma_start3A_430 : memref<1x32xi32, #tpu.memory_space<vmem>> -> memref<32xi32, #tpu.memory_space<vmem>>
        %dma_start3A_432 = arith.constant 0 : i32
        %dma_start3A_433 = arith.constant 0 : i32
        %dma_start3A_434 = tpu.memref_slice %arg4[%dma_start3A_432, %dma_start3A_433] : memref<20480x128xf32, #tpu.memory_space<hbm>> -> memref<20480x128xf32, #tpu.memory_space<hbm>>
        %dma_start3A_435 = tpu.memref_slice %arg11[%dma_start3A_424] : memref<2x!tpu.dma_semaphore, #tpu.memory_space<semaphore_mem>> -> memref<1x!tpu.dma_semaphore, #tpu.memory_space<semaphore_mem>>
        %dma_start3A_436 = tpu.memref_squeeze %dma_start3A_435 : memref<1x!tpu.dma_semaphore, #tpu.memory_space<semaphore_mem>> -> memref<!tpu.dma_semaphore, #tpu.memory_space<semaphore_mem>>
        tpu.enqueue_indirect_dma source(%dma_start3A_434 : memref<20480x128xf32, #tpu.memory_space<hbm>>) target(%dma_start3A_428 : memref<32x128xf32, #tpu.memory_space<vmem>>) offsets(%dma_start3A_431 : memref<32xi32, #tpu.memory_space<vmem>>) semaphore(%dma_start3A_436 : memref<!tpu.dma_semaphore, #tpu.memory_space<semaphore_mem>>)
        %dma_start3A_437 = arith.constant 0 : i32
        %dma_start3A_438 = arith.constant 0 : i32
        %dma_start3A_439 = arith.constant 96 : i32
        %dma_start3A_440 = arith.constant 0 : i32
        %dma_start3A_441 = tpu.memref_slice %arg10[%dma_start3A_437, %dma_start3A_439, %dma_start3A_440] : memref<2x128x128xf32, #tpu.memory_space<vmem>> -> memref<1x32x128xf32, #tpu.memory_space<vmem>>
        %dma_start3A_442 = tpu.memref_squeeze %dma_start3A_441 : memref<1x32x128xf32, #tpu.memory_space<vmem>> -> memref<32x128xf32, #tpu.memory_space<vmem>>
        %dma_start3A_443 = arith.constant 96 : i32
        %dma_start3A_444 = tpu.memref_slice %arg8[%add3A_394, %dma_start3A_443] : memref<40x128xi32, #tpu.memory_space<vmem>> -> memref<1x32xi32, #tpu.memory_space<vmem>>
        %dma_start3A_445 = tpu.memref_squeeze %dma_start3A_444 : memref<1x32xi32, #tpu.memory_space<vmem>> -> memref<32xi32, #tpu.memory_space<vmem>>
        %dma_start3A_446 = arith.constant 0 : i32
        %dma_start3A_447 = arith.constant 0 : i32
        %dma_start3A_448 = tpu.memref_slice %arg4[%dma_start3A_446, %dma_start3A_447] : memref<20480x128xf32, #tpu.memory_space<hbm>> -> memref<20480x128xf32, #tpu.memory_space<hbm>>
        %dma_start3A_449 = tpu.memref_slice %arg11[%dma_start3A_438] : memref<2x!tpu.dma_semaphore, #tpu.memory_space<semaphore_mem>> -> memref<1x!tpu.dma_semaphore, #tpu.memory_space<semaphore_mem>>
        %dma_start3A_450 = tpu.memref_squeeze %dma_start3A_449 : memref<1x!tpu.dma_semaphore, #tpu.memory_space<semaphore_mem>> -> memref<!tpu.dma_semaphore, #tpu.memory_space<semaphore_mem>>
        tpu.enqueue_indirect_dma source(%dma_start3A_448 : memref<20480x128xf32, #tpu.memory_space<hbm>>) target(%dma_start3A_442 : memref<32x128xf32, #tpu.memory_space<vmem>>) offsets(%dma_start3A_445 : memref<32xi32, #tpu.memory_space<vmem>>) semaphore(%dma_start3A_450 : memref<!tpu.dma_semaphore, #tpu.memory_space<semaphore_mem>>)
      } else {
      }
      %mul3A_325 = arith.constant 2 : i32
      %mul3A_326 = arith.muli %scan3A_261, %mul3A_325 : i32
      %add3A_327 = arith.constant 1 : i32
      %add3A_328 = arith.addi %mul3A_326, %add3A_327 : i32
      %dma_wait3A_329 = arith.constant 1 : i32
      %dma_wait3A_330 = arith.constant 1 : i32
      %dma_wait3A_331 = arith.constant 0 : i32
      %dma_wait3A_332 = arith.constant 0 : i32
      %dma_wait3A_333 = tpu.memref_slice %arg10[%dma_wait3A_329, %dma_wait3A_331, %dma_wait3A_332] : memref<2x128x128xf32, #tpu.memory_space<vmem>> -> memref<1x32x128xf32, #tpu.memory_space<vmem>>
      %dma_wait3A_334 = tpu.memref_squeeze %dma_wait3A_333 : memref<1x32x128xf32, #tpu.memory_space<vmem>> -> memref<32x128xf32, #tpu.memory_space<vmem>>
      %dma_wait3A_335 = arith.constant 0 : i32
      %dma_wait3A_336 = tpu.memref_slice %arg8[%add3A_328, %dma_wait3A_335] : memref<40x128xi32, #tpu.memory_space<vmem>> -> memref<1x32xi32, #tpu.memory_space<vmem>>
      %dma_wait3A_337 = tpu.memref_squeeze %dma_wait3A_336 : memref<1x32xi32, #tpu.memory_space<vmem>> -> memref<32xi32, #tpu.memory_space<vmem>>
      %dma_wait3A_338 = arith.constant 0 : i32
      %dma_wait3A_339 = arith.constant 0 : i32
      %dma_wait3A_340 = tpu.memref_slice %arg4[%dma_wait3A_338, %dma_wait3A_339] : memref<20480x128xf32, #tpu.memory_space<hbm>> -> memref<20480x128xf32, #tpu.memory_space<hbm>>
      %dma_wait3A_341 = tpu.memref_slice %arg11[%dma_wait3A_330] : memref<2x!tpu.dma_semaphore, #tpu.memory_space<semaphore_mem>> -> memref<1x!tpu.dma_semaphore, #tpu.memory_space<semaphore_mem>>
      %dma_wait3A_342 = tpu.memref_squeeze %dma_wait3A_341 : memref<1x!tpu.dma_semaphore, #tpu.memory_space<semaphore_mem>> -> memref<!tpu.dma_semaphore, #tpu.memory_space<semaphore_mem>>
      tpu.wait_indirect_dma semaphore(%dma_wait3A_342 : memref<!tpu.dma_semaphore, #tpu.memory_space<semaphore_mem>>) src(%dma_wait3A_340 : memref<20480x128xf32, #tpu.memory_space<hbm>>) dst(%dma_wait3A_334 : memref<32x128xf32, #tpu.memory_space<vmem>>)
      %dma_wait3A_343 = arith.constant 1 : i32
      %dma_wait3A_344 = arith.constant 1 : i32
      %dma_wait3A_345 = arith.constant 32 : i32
      %dma_wait3A_346 = arith.constant 0 : i32
      %dma_wait3A_347 = tpu.memref_slice %arg10[%dma_wait3A_343, %dma_wait3A_345, %dma_wait3A_346] : memref<2x128x128xf32, #tpu.memory_space<vmem>> -> memref<1x32x128xf32, #tpu.memory_space<vmem>>
      %dma_wait3A_348 = tpu.memref_squeeze %dma_wait3A_347 : memref<1x32x128xf32, #tpu.memory_space<vmem>> -> memref<32x128xf32, #tpu.memory_space<vmem>>
      %dma_wait3A_349 = arith.constant 32 : i32
      %dma_wait3A_350 = tpu.memref_slice %arg8[%add3A_328, %dma_wait3A_349] : memref<40x128xi32, #tpu.memory_space<vmem>> -> memref<1x32xi32, #tpu.memory_space<vmem>>
      %dma_wait3A_351 = tpu.memref_squeeze %dma_wait3A_350 : memref<1x32xi32, #tpu.memory_space<vmem>> -> memref<32xi32, #tpu.memory_space<vmem>>
      %dma_wait3A_352 = arith.constant 0 : i32
      %dma_wait3A_353 = arith.constant 0 : i32
      %dma_wait3A_354 = tpu.memref_slice %arg4[%dma_wait3A_352, %dma_wait3A_353] : memref<20480x128xf32, #tpu.memory_space<hbm>> -> memref<20480x128xf32, #tpu.memory_space<hbm>>
      %dma_wait3A_355 = tpu.memref_slice %arg11[%dma_wait3A_344] : memref<2x!tpu.dma_semaphore, #tpu.memory_space<semaphore_mem>> -> memref<1x!tpu.dma_semaphore, #tpu.memory_space<semaphore_mem>>
      %dma_wait3A_356 = tpu.memref_squeeze %dma_wait3A_355 : memref<1x!tpu.dma_semaphore, #tpu.memory_space<semaphore_mem>> -> memref<!tpu.dma_semaphore, #tpu.memory_space<semaphore_mem>>
      tpu.wait_indirect_dma semaphore(%dma_wait3A_356 : memref<!tpu.dma_semaphore, #tpu.memory_space<semaphore_mem>>) src(%dma_wait3A_354 : memref<20480x128xf32, #tpu.memory_space<hbm>>) dst(%dma_wait3A_348 : memref<32x128xf32, #tpu.memory_space<vmem>>)
      %dma_wait3A_357 = arith.constant 1 : i32
      %dma_wait3A_358 = arith.constant 1 : i32
      %dma_wait3A_359 = arith.constant 64 : i32
      %dma_wait3A_360 = arith.constant 0 : i32
      %dma_wait3A_361 = tpu.memref_slice %arg10[%dma_wait3A_357, %dma_wait3A_359, %dma_wait3A_360] : memref<2x128x128xf32, #tpu.memory_space<vmem>> -> memref<1x32x128xf32, #tpu.memory_space<vmem>>
      %dma_wait3A_362 = tpu.memref_squeeze %dma_wait3A_361 : memref<1x32x128xf32, #tpu.memory_space<vmem>> -> memref<32x128xf32, #tpu.memory_space<vmem>>
      %dma_wait3A_363 = arith.constant 64 : i32
      %dma_wait3A_364 = tpu.memref_slice %arg8[%add3A_328, %dma_wait3A_363] : memref<40x128xi32, #tpu.memory_space<vmem>> -> memref<1x32xi32, #tpu.memory_space<vmem>>
      %dma_wait3A_365 = tpu.memref_squeeze %dma_wait3A_364 : memref<1x32xi32, #tpu.memory_space<vmem>> -> memref<32xi32, #tpu.memory_space<vmem>>
      %dma_wait3A_366 = arith.constant 0 : i32
      %dma_wait3A_367 = arith.constant 0 : i32
      %dma_wait3A_368 = tpu.memref_slice %arg4[%dma_wait3A_366, %dma_wait3A_367] : memref<20480x128xf32, #tpu.memory_space<hbm>> -> memref<20480x128xf32, #tpu.memory_space<hbm>>
      %dma_wait3A_369 = tpu.memref_slice %arg11[%dma_wait3A_358] : memref<2x!tpu.dma_semaphore, #tpu.memory_space<semaphore_mem>> -> memref<1x!tpu.dma_semaphore, #tpu.memory_space<semaphore_mem>>
      %dma_wait3A_370 = tpu.memref_squeeze %dma_wait3A_369 : memref<1x!tpu.dma_semaphore, #tpu.memory_space<semaphore_mem>> -> memref<!tpu.dma_semaphore, #tpu.memory_space<semaphore_mem>>
      tpu.wait_indirect_dma semaphore(%dma_wait3A_370 : memref<!tpu.dma_semaphore, #tpu.memory_space<semaphore_mem>>) src(%dma_wait3A_368 : memref<20480x128xf32, #tpu.memory_space<hbm>>) dst(%dma_wait3A_362 : memref<32x128xf32, #tpu.memory_space<vmem>>)
      %dma_wait3A_371 = arith.constant 1 : i32
      %dma_wait3A_372 = arith.constant 1 : i32
      %dma_wait3A_373 = arith.constant 96 : i32
      %dma_wait3A_374 = arith.constant 0 : i32
      %dma_wait3A_375 = tpu.memref_slice %arg10[%dma_wait3A_371, %dma_wait3A_373, %dma_wait3A_374] : memref<2x128x128xf32, #tpu.memory_space<vmem>> -> memref<1x32x128xf32, #tpu.memory_space<vmem>>
      %dma_wait3A_376 = tpu.memref_squeeze %dma_wait3A_375 : memref<1x32x128xf32, #tpu.memory_space<vmem>> -> memref<32x128xf32, #tpu.memory_space<vmem>>
      %dma_wait3A_377 = arith.constant 96 : i32
      %dma_wait3A_378 = tpu.memref_slice %arg8[%add3A_328, %dma_wait3A_377] : memref<40x128xi32, #tpu.memory_space<vmem>> -> memref<1x32xi32, #tpu.memory_space<vmem>>
      %dma_wait3A_379 = tpu.memref_squeeze %dma_wait3A_378 : memref<1x32xi32, #tpu.memory_space<vmem>> -> memref<32xi32, #tpu.memory_space<vmem>>
      %dma_wait3A_380 = arith.constant 0 : i32
      %dma_wait3A_381 = arith.constant 0 : i32
      %dma_wait3A_382 = tpu.memref_slice %arg4[%dma_wait3A_380, %dma_wait3A_381] : memref<20480x128xf32, #tpu.memory_space<hbm>> -> memref<20480x128xf32, #tpu.memory_space<hbm>>
      %dma_wait3A_383 = tpu.memref_slice %arg11[%dma_wait3A_372] : memref<2x!tpu.dma_semaphore, #tpu.memory_space<semaphore_mem>> -> memref<1x!tpu.dma_semaphore, #tpu.memory_space<semaphore_mem>>
      %dma_wait3A_384 = tpu.memref_squeeze %dma_wait3A_383 : memref<1x!tpu.dma_semaphore, #tpu.memory_space<semaphore_mem>> -> memref<!tpu.dma_semaphore, #tpu.memory_space<semaphore_mem>>
      tpu.wait_indirect_dma semaphore(%dma_wait3A_384 : memref<!tpu.dma_semaphore, #tpu.memory_space<semaphore_mem>>) src(%dma_wait3A_382 : memref<20480x128xf32, #tpu.memory_space<hbm>>) dst(%dma_wait3A_376 : memref<32x128xf32, #tpu.memory_space<vmem>>)
      %run_scoped3A_385 = arith.constant 1 : i32
      "tpu.region"() ({
        %run_scoped3A_393 = tpu.sem_alloc : memref<!tpu.dma_semaphore, #tpu.memory_space<semaphore_mem>>
        %dma_start3A_394 = arith.constant 0 : i32
        %dma_start3A_395 = arith.constant 0 : i32
        %dma_start3A_396 = tpu.memref_slice %arg10[%run_scoped3A_385, %dma_start3A_394, %dma_start3A_395] : memref<2x128x128xf32, #tpu.memory_space<vmem>> -> memref<1x128x128xf32, #tpu.memory_space<vmem>>
        %dma_start3A_397 = tpu.memref_squeeze %dma_start3A_396 : memref<1x128x128xf32, #tpu.memory_space<vmem>> -> memref<128x128xf32, #tpu.memory_space<vmem>>
        %dma_start3A_398 = arith.constant 0 : i32
        %dma_start3A_399 = tpu.memref_slice %arg9[%add3A_328, %dma_start3A_398] : memref<40x128xi32, #tpu.memory_space<vmem>> -> memref<1x128xi32, #tpu.memory_space<vmem>>
        %dma_start3A_400 = tpu.memref_squeeze %dma_start3A_399 : memref<1x128xi32, #tpu.memory_space<vmem>> -> memref<128xi32, #tpu.memory_space<vmem>>
        %dma_start3A_401 = arith.constant 0 : i32
        %dma_start3A_402 = arith.constant 0 : i32
        %dma_start3A_403 = tpu.memref_slice %arg7[%dma_start3A_401, %dma_start3A_402] : memref<10240x128xf32, #tpu.memory_space<vmem_shared>> -> memref<10240x128xf32, #tpu.memory_space<vmem_shared>>
        tpu.enqueue_indirect_dma source(%dma_start3A_397 : memref<128x128xf32, #tpu.memory_space<vmem>>) target(%dma_start3A_403 : memref<10240x128xf32, #tpu.memory_space<vmem_shared>>) offsets(%dma_start3A_400 : memref<128xi32, #tpu.memory_space<vmem>>) semaphore(%run_scoped3A_393 : memref<!tpu.dma_semaphore, #tpu.memory_space<semaphore_mem>>) {add = true}
        %dma_wait3A_404 = arith.constant 0 : i32
        %dma_wait3A_405 = arith.constant 0 : i32
        %dma_wait3A_406 = tpu.memref_slice %arg10[%run_scoped3A_385, %dma_wait3A_404, %dma_wait3A_405] : memref<2x128x128xf32, #tpu.memory_space<vmem>> -> memref<1x128x128xf32, #tpu.memory_space<vmem>>
        %dma_wait3A_407 = tpu.memref_squeeze %dma_wait3A_406 : memref<1x128x128xf32, #tpu.memory_space<vmem>> -> memref<128x128xf32, #tpu.memory_space<vmem>>
        %dma_wait3A_408 = arith.constant 0 : i32
        %dma_wait3A_409 = tpu.memref_slice %arg9[%add3A_328, %dma_wait3A_408] : memref<40x128xi32, #tpu.memory_space<vmem>> -> memref<1x128xi32, #tpu.memory_space<vmem>>
        %dma_wait3A_410 = tpu.memref_squeeze %dma_wait3A_409 : memref<1x128xi32, #tpu.memory_space<vmem>> -> memref<128xi32, #tpu.memory_space<vmem>>
        %dma_wait3A_411 = arith.constant 0 : i32
        %dma_wait3A_412 = arith.constant 0 : i32
        %dma_wait3A_413 = tpu.memref_slice %arg7[%dma_wait3A_411, %dma_wait3A_412] : memref<10240x128xf32, #tpu.memory_space<vmem_shared>> -> memref<10240x128xf32, #tpu.memory_space<vmem_shared>>
        tpu.wait_indirect_dma semaphore(%run_scoped3A_393 : memref<!tpu.dma_semaphore, #tpu.memory_space<semaphore_mem>>) src(%dma_wait3A_407 : memref<128x128xf32, #tpu.memory_space<vmem>>) dst(%dma_wait3A_413 : memref<10240x128xf32, #tpu.memory_space<vmem_shared>>)
        tpu.yield
      }) : () -> ()
      %add3A_386 = arith.constant 2 : i32
      %add3A_387 = arith.addi %add3A_328, %add3A_386 : i32
      %lt3A_388 = arith.constant 40 : i32
      %lt3A_389 = arith.cmpi slt, %add3A_387, %lt3A_388 : i32
      %convert_element_type3A_390 = arith.extui %lt3A_389 : i1 to i32
      %cond3A_391 = arith.constant 0 : i32
      %cond3A_392 = arith.cmpi ne, %convert_element_type3A_390, %cond3A_391 : i32
      scf.if %cond3A_392 {
        %add3A_393 = arith.constant 2 : i32
        %add3A_394 = arith.addi %add3A_328, %add3A_393 : i32
        %dma_start3A_395 = arith.constant 1 : i32
        %dma_start3A_396 = arith.constant 1 : i32
        %dma_start3A_397 = arith.constant 0 : i32
        %dma_start3A_398 = arith.constant 0 : i32
        %dma_start3A_399 = tpu.memref_slice %arg10[%dma_start3A_395, %dma_start3A_397, %dma_start3A_398] : memref<2x128x128xf32, #tpu.memory_space<vmem>> -> memref<1x32x128xf32, #tpu.memory_space<vmem>>
        %dma_start3A_400 = tpu.memref_squeeze %dma_start3A_399 : memref<1x32x128xf32, #tpu.memory_space<vmem>> -> memref<32x128xf32, #tpu.memory_space<vmem>>
        %dma_start3A_401 = arith.constant 0 : i32
        %dma_start3A_402 = tpu.memref_slice %arg8[%add3A_394, %dma_start3A_401] : memref<40x128xi32, #tpu.memory_space<vmem>> -> memref<1x32xi32, #tpu.memory_space<vmem>>
        %dma_start3A_403 = tpu.memref_squeeze %dma_start3A_402 : memref<1x32xi32, #tpu.memory_space<vmem>> -> memref<32xi32, #tpu.memory_space<vmem>>
        %dma_start3A_404 = arith.constant 0 : i32
        %dma_start3A_405 = arith.constant 0 : i32
        %dma_start3A_406 = tpu.memref_slice %arg4[%dma_start3A_404, %dma_start3A_405] : memref<20480x128xf32, #tpu.memory_space<hbm>> -> memref<20480x128xf32, #tpu.memory_space<hbm>>
        %dma_start3A_407 = tpu.memref_slice %arg11[%dma_start3A_396] : memref<2x!tpu.dma_semaphore, #tpu.memory_space<semaphore_mem>> -> memref<1x!tpu.dma_semaphore, #tpu.memory_space<semaphore_mem>>
        %dma_start3A_408 = tpu.memref_squeeze %dma_start3A_407 : memref<1x!tpu.dma_semaphore, #tpu.memory_space<semaphore_mem>> -> memref<!tpu.dma_semaphore, #tpu.memory_space<semaphore_mem>>
        tpu.enqueue_indirect_dma source(%dma_start3A_406 : memref<20480x128xf32, #tpu.memory_space<hbm>>) target(%dma_start3A_400 : memref<32x128xf32, #tpu.memory_space<vmem>>) offsets(%dma_start3A_403 : memref<32xi32, #tpu.memory_space<vmem>>) semaphore(%dma_start3A_408 : memref<!tpu.dma_semaphore, #tpu.memory_space<semaphore_mem>>)
        %dma_start3A_409 = arith.constant 1 : i32
        %dma_start3A_410 = arith.constant 1 : i32
        %dma_start3A_411 = arith.constant 32 : i32
        %dma_start3A_412 = arith.constant 0 : i32
        %dma_start3A_413 = tpu.memref_slice %arg10[%dma_start3A_409, %dma_start3A_411, %dma_start3A_412] : memref<2x128x128xf32, #tpu.memory_space<vmem>> -> memref<1x32x128xf32, #tpu.memory_space<vmem>>
        %dma_start3A_414 = tpu.memref_squeeze %dma_start3A_413 : memref<1x32x128xf32, #tpu.memory_space<vmem>> -> memref<32x128xf32, #tpu.memory_space<vmem>>
        %dma_start3A_415 = arith.constant 32 : i32
        %dma_start3A_416 = tpu.memref_slice %arg8[%add3A_394, %dma_start3A_415] : memref<40x128xi32, #tpu.memory_space<vmem>> -> memref<1x32xi32, #tpu.memory_space<vmem>>
        %dma_start3A_417 = tpu.memref_squeeze %dma_start3A_416 : memref<1x32xi32, #tpu.memory_space<vmem>> -> memref<32xi32, #tpu.memory_space<vmem>>
        %dma_start3A_418 = arith.constant 0 : i32
        %dma_start3A_419 = arith.constant 0 : i32
        %dma_start3A_420 = tpu.memref_slice %arg4[%dma_start3A_418, %dma_start3A_419] : memref<20480x128xf32, #tpu.memory_space<hbm>> -> memref<20480x128xf32, #tpu.memory_space<hbm>>
        %dma_start3A_421 = tpu.memref_slice %arg11[%dma_start3A_410] : memref<2x!tpu.dma_semaphore, #tpu.memory_space<semaphore_mem>> -> memref<1x!tpu.dma_semaphore, #tpu.memory_space<semaphore_mem>>
        %dma_start3A_422 = tpu.memref_squeeze %dma_start3A_421 : memref<1x!tpu.dma_semaphore, #tpu.memory_space<semaphore_mem>> -> memref<!tpu.dma_semaphore, #tpu.memory_space<semaphore_mem>>
        tpu.enqueue_indirect_dma source(%dma_start3A_420 : memref<20480x128xf32, #tpu.memory_space<hbm>>) target(%dma_start3A_414 : memref<32x128xf32, #tpu.memory_space<vmem>>) offsets(%dma_start3A_417 : memref<32xi32, #tpu.memory_space<vmem>>) semaphore(%dma_start3A_422 : memref<!tpu.dma_semaphore, #tpu.memory_space<semaphore_mem>>)
        %dma_start3A_423 = arith.constant 1 : i32
        %dma_start3A_424 = arith.constant 1 : i32
        %dma_start3A_425 = arith.constant 64 : i32
        %dma_start3A_426 = arith.constant 0 : i32
        %dma_start3A_427 = tpu.memref_slice %arg10[%dma_start3A_423, %dma_start3A_425, %dma_start3A_426] : memref<2x128x128xf32, #tpu.memory_space<vmem>> -> memref<1x32x128xf32, #tpu.memory_space<vmem>>
        %dma_start3A_428 = tpu.memref_squeeze %dma_start3A_427 : memref<1x32x128xf32, #tpu.memory_space<vmem>> -> memref<32x128xf32, #tpu.memory_space<vmem>>
        %dma_start3A_429 = arith.constant 64 : i32
        %dma_start3A_430 = tpu.memref_slice %arg8[%add3A_394, %dma_start3A_429] : memref<40x128xi32, #tpu.memory_space<vmem>> -> memref<1x32xi32, #tpu.memory_space<vmem>>
        %dma_start3A_431 = tpu.memref_squeeze %dma_start3A_430 : memref<1x32xi32, #tpu.memory_space<vmem>> -> memref<32xi32, #tpu.memory_space<vmem>>
        %dma_start3A_432 = arith.constant 0 : i32
        %dma_start3A_433 = arith.constant 0 : i32
        %dma_start3A_434 = tpu.memref_slice %arg4[%dma_start3A_432, %dma_start3A_433] : memref<20480x128xf32, #tpu.memory_space<hbm>> -> memref<20480x128xf32, #tpu.memory_space<hbm>>
        %dma_start3A_435 = tpu.memref_slice %arg11[%dma_start3A_424] : memref<2x!tpu.dma_semaphore, #tpu.memory_space<semaphore_mem>> -> memref<1x!tpu.dma_semaphore, #tpu.memory_space<semaphore_mem>>
        %dma_start3A_436 = tpu.memref_squeeze %dma_start3A_435 : memref<1x!tpu.dma_semaphore, #tpu.memory_space<semaphore_mem>> -> memref<!tpu.dma_semaphore, #tpu.memory_space<semaphore_mem>>
        tpu.enqueue_indirect_dma source(%dma_start3A_434 : memref<20480x128xf32, #tpu.memory_space<hbm>>) target(%dma_start3A_428 : memref<32x128xf32, #tpu.memory_space<vmem>>) offsets(%dma_start3A_431 : memref<32xi32, #tpu.memory_space<vmem>>) semaphore(%dma_start3A_436 : memref<!tpu.dma_semaphore, #tpu.memory_space<semaphore_mem>>)
        %dma_start3A_437 = arith.constant 1 : i32
        %dma_start3A_438 = arith.constant 1 : i32
        %dma_start3A_439 = arith.constant 96 : i32
        %dma_start3A_440 = arith.constant 0 : i32
        %dma_start3A_441 = tpu.memref_slice %arg10[%dma_start3A_437, %dma_start3A_439, %dma_start3A_440] : memref<2x128x128xf32, #tpu.memory_space<vmem>> -> memref<1x32x128xf32, #tpu.memory_space<vmem>>
        %dma_start3A_442 = tpu.memref_squeeze %dma_start3A_441 : memref<1x32x128xf32, #tpu.memory_space<vmem>> -> memref<32x128xf32, #tpu.memory_space<vmem>>
        %dma_start3A_443 = arith.constant 96 : i32
        %dma_start3A_444 = tpu.memref_slice %arg8[%add3A_394, %dma_start3A_443] : memref<40x128xi32, #tpu.memory_space<vmem>> -> memref<1x32xi32, #tpu.memory_space<vmem>>
        %dma_start3A_445 = tpu.memref_squeeze %dma_start3A_444 : memref<1x32xi32, #tpu.memory_space<vmem>> -> memref<32xi32, #tpu.memory_space<vmem>>
        %dma_start3A_446 = arith.constant 0 : i32
        %dma_start3A_447 = arith.constant 0 : i32
        %dma_start3A_448 = tpu.memref_slice %arg4[%dma_start3A_446, %dma_start3A_447] : memref<20480x128xf32, #tpu.memory_space<hbm>> -> memref<20480x128xf32, #tpu.memory_space<hbm>>
        %dma_start3A_449 = tpu.memref_slice %arg11[%dma_start3A_438] : memref<2x!tpu.dma_semaphore, #tpu.memory_space<semaphore_mem>> -> memref<1x!tpu.dma_semaphore, #tpu.memory_space<semaphore_mem>>
        %dma_start3A_450 = tpu.memref_squeeze %dma_start3A_449 : memref<1x!tpu.dma_semaphore, #tpu.memory_space<semaphore_mem>> -> memref<!tpu.dma_semaphore, #tpu.memory_space<semaphore_mem>>
        tpu.enqueue_indirect_dma source(%dma_start3A_448 : memref<20480x128xf32, #tpu.memory_space<hbm>>) target(%dma_start3A_442 : memref<32x128xf32, #tpu.memory_space<vmem>>) offsets(%dma_start3A_445 : memref<32xi32, #tpu.memory_space<vmem>>) semaphore(%dma_start3A_450 : memref<!tpu.dma_semaphore, #tpu.memory_space<semaphore_mem>>)
      } else {
      }
    }
    %scan3A_252 = arith.constant 20 : i32
    %barrier3A_253 = arith.constant 0 : index
    tpu.barrier barrier_id(%barrier3A_253)
    %mul3A_254 = arith.constant 640 : i32
    %mul3A_255 = arith.muli %arg1, %mul3A_254 : i32
    %mul3A_256 = arith.constant 10240 : i32
    %mul3A_257 = arith.muli %arg0, %mul3A_256 : i32
    %mul3A_258 = arith.constant 640 : i32
    %mul3A_259 = arith.muli %arg1, %mul3A_258 : i32
    %add3A_260 = arith.addi %mul3A_257, %mul3A_259 : i32
    "tpu.region"() ({
      %run_scoped3A = tpu.sem_alloc : memref<!tpu.dma_semaphore, #tpu.memory_space<semaphore_mem>>
      %dma_start3A_261 = arith.constant 0 : i32
      %dma_start3A_262 = tpu.memref_slice %arg6[%add3A_260, %dma_start3A_261] : memref<20480x128xf32, #tpu.memory_space<hbm>> -> memref<640x128xf32, #tpu.memory_space<hbm>>
      %dma_start3A_263 = arith.constant 0 : i32
      %dma_start3A_264 = tpu.memref_slice %arg7[%mul3A_255, %dma_start3A_263] : memref<10240x128xf32, #tpu.memory_space<vmem_shared>> -> memref<640x128xf32, #tpu.memory_space<vmem_shared>>
      tpu.enqueue_dma source(%dma_start3A_264 : memref<640x128xf32, #tpu.memory_space<vmem_shared>>) target(%dma_start3A_262 : memref<640x128xf32, #tpu.memory_space<hbm>>) target_semaphore(%run_scoped3A : memref<!tpu.dma_semaphore, #tpu.memory_space<semaphore_mem>>)
      %dma_wait3A = arith.constant 0 : i32
      %dma_wait3A_265 = tpu.memref_slice %arg6[%add3A_260, %dma_wait3A] : memref<20480x128xf32, #tpu.memory_space<hbm>> -> memref<640x128xf32, #tpu.memory_space<hbm>>
      %dma_wait3A_266 = arith.constant 0 : i32
      %dma_wait3A_267 = tpu.memref_slice %arg7[%mul3A_255, %dma_wait3A_266] : memref<10240x128xf32, #tpu.memory_space<vmem_shared>> -> memref<640x128xf32, #tpu.memory_space<vmem_shared>>
      tpu.wait_dma2 semaphore(%run_scoped3A : memref<!tpu.dma_semaphore, #tpu.memory_space<semaphore_mem>>) src(%dma_wait3A_267 : memref<640x128xf32, #tpu.memory_space<vmem_shared>>) dst(%dma_wait3A_265 : memref<640x128xf32, #tpu.memory_space<hbm>>)
      tpu.yield
    }) : () -> ()
    return
  }
}

module attributes {stable_mosaic.version = 14 : i64} {
  func.func @_mm_body(%arg0: i32, %arg1: i32, %arg2: memref<5000x256xf32, #tpu.memory_space<vmem>>, %arg3: memref<128x256xf32, #tpu.memory_space<vmem>>, %arg4: memref<128x256xf32, #tpu.memory_space<vmem>>, %arg5: memref<1x5000x128xf32, #tpu.memory_space<vmem>>, %arg6: memref<5000x128xf32, #tpu.memory_space<vmem>>) attributes {dimension_semantics = [#tpu.dimension_semantics<arbitrary>, #tpu.dimension_semantics<arbitrary>], iteration_bounds = array<i64: 2, 2>, scalar_prefetch = 0 : i64, scratch_operands = 0 : i64, tpu.core_type = #tpu.core_type<tc>, window_params = [{transform_indices = @transform_0, window_bounds = array<i64: 5000, 256>}, {transform_indices = @transform_1, window_bounds = array<i64: 128, 256>}, {transform_indices = @transform_2, window_bounds = array<i64: 128, 256>}, {transform_indices = @transform_3, window_bounds = array<i64: 1, 5000, 128>}, {transform_indices = @transform_4, window_bounds = array<i64: 5000, 128>}]} {
    %get3A = arith.constant 0 : index
    %get3A_0 = arith.constant 0 : index
    %get3A_1 = vector.load %arg2[%get3A, %get3A_0] : memref<5000x256xf32, #tpu.memory_space<vmem>>, vector<5000x256xf32>
    %get3A_2 = arith.constant 0 : index
    %get3A_3 = arith.constant 0 : index
    %get3A_4 = vector.load %arg3[%get3A_2, %get3A_3] : memref<128x256xf32, #tpu.memory_space<vmem>>, vector<128x256xf32>
    %dot_general3A = arith.constant dense<0.000000e+00> : vector<5000x128xf32>
    %dot_general3A_5 = tpu.matmul %get3A_1, %get3A_4, %dot_general3A {dimension_numbers = #tpu.dot_dimension_numbers<[1], [1], [0], [0], [0, 0, 1, 0], [], []>, transpose_lhs_hint = false} : vector<5000x256xf32>, vector<128x256xf32>, vector<5000x128xf32> -> vector<5000x128xf32>
    %swap3A = arith.constant 0 : index
    %swap3A_6 = arith.constant 0 : index
    %swap3A_7 = arith.constant 0 : index
    %swap3A_8 = vector.load %arg5[%swap3A, %swap3A_6, %swap3A_7] : memref<1x5000x128xf32, #tpu.memory_space<vmem>>, vector<1x5000x128xf32>
    %swap3A_9 = vector.shape_cast %swap3A_8 : vector<1x5000x128xf32> to vector<5000x128xf32>
    %swap3A_10 = vector.shape_cast %dot_general3A_5 : vector<5000x128xf32> to vector<1x5000x128xf32>
    tpu.vector_store %arg5[%swap3A, %swap3A_6, %swap3A_7], %swap3A_10 {strides = array<i32>} : memref<1x5000x128xf32, #tpu.memory_space<vmem>>, vector<1x5000x128xf32>,
    %get3A_11 = arith.constant 0 : index
    %get3A_12 = arith.constant 0 : index
    %get3A_13 = vector.load %arg2[%get3A_11, %get3A_12] : memref<5000x256xf32, #tpu.memory_space<vmem>>, vector<5000x256xf32>
    %get3A_14 = arith.constant 0 : index
    %get3A_15 = arith.constant 0 : index
    %get3A_16 = vector.load %arg4[%get3A_14, %get3A_15] : memref<128x256xf32, #tpu.memory_space<vmem>>, vector<128x256xf32>
    %dot_general3A_17 = arith.constant dense<0.000000e+00> : vector<5000x128xf32>
    %dot_general3A_18 = tpu.matmul %get3A_13, %get3A_16, %dot_general3A_17 {dimension_numbers = #tpu.dot_dimension_numbers<[1], [1], [0], [0], [0, 0, 1, 0], [], []>, transpose_lhs_hint = false} : vector<5000x256xf32>, vector<128x256xf32>, vector<5000x128xf32> -> vector<5000x128xf32>
    %swap3A_19 = arith.constant 0 : index
    %swap3A_20 = arith.constant 0 : index
    %swap3A_21 = vector.load %arg6[%swap3A_19, %swap3A_20] : memref<5000x128xf32, #tpu.memory_space<vmem>>, vector<5000x128xf32>
    tpu.vector_store %arg6[%swap3A_19, %swap3A_20], %dot_general3A_18 {strides = array<i32>} : memref<5000x128xf32, #tpu.memory_space<vmem>>, vector<5000x128xf32>,
    return
  }
  func.func @transform_0(%arg0: i32, %arg1: i32) -> (i32, i32) {
    %c0_i32 = arith.constant 0 : i32
    %c0_i32_0 = arith.constant 0 : i32
    return %arg0, %c0_i32 : i32, i32
  }
  func.func @transform_1(%arg0: i32, %arg1: i32) -> (i32, i32) {
    %c0_i32 = arith.constant 0 : i32
    %c0_i32_0 = arith.constant 0 : i32
    return %arg1, %c0_i32 : i32, i32
  }
  func.func @transform_2(%arg0: i32, %arg1: i32) -> (i32, i32) {
    %c0_i32 = arith.constant 0 : i32
    %c0_i32_0 = arith.constant 0 : i32
    return %arg1, %c0_i32 : i32, i32
  }
  func.func @transform_3(%arg0: i32, %arg1: i32) -> (i32, i32, i32) {
    %c0_i32 = arith.constant 0 : i32
    %c0_i32_0 = arith.constant 0 : i32
    return %arg1, %arg0, %c0_i32 : i32, i32, i32
  }
  func.func @transform_4(%arg0: i32, %arg1: i32) -> (i32, i32) {
    %c0_i32 = arith.constant 0 : i32
    return %arg0, %arg1 : i32, i32
  }
}

module attributes {stable_mosaic.version = 14 : i64} {
  func.func @_scale_body(%arg0: i32, %arg1: i32, %arg2: memref<1x5000x128xf32, #tpu.memory_space<vmem>>, %arg3: memref<1x5000x128xf32, #tpu.memory_space<vmem>>, %arg4: memref<1x5000x128xf32, #tpu.memory_space<vmem>>, %arg5: memref<1x5000x128xf32, #tpu.memory_space<vmem>>) attributes {dimension_semantics = [#tpu.dimension_semantics<arbitrary>, #tpu.dimension_semantics<arbitrary>], iteration_bounds = array<i64: 2, 2>, scalar_prefetch = 0 : i64, scratch_operands = 0 : i64, tpu.core_type = #tpu.core_type<tc>, window_params = [{transform_indices = @transform_0, window_bounds = array<i64: 1, 5000, 128>}, {transform_indices = @transform_1, window_bounds = array<i64: 1, 5000, 128>}, {transform_indices = @transform_2, window_bounds = array<i64: 1, 5000, 128>}, {transform_indices = @transform_3, window_bounds = array<i64: 1, 5000, 128>}]} {
    %get3A = arith.constant 0 : index
    %get3A_0 = arith.constant 0 : index
    %get3A_1 = arith.constant 0 : index
    %get3A_2 = vector.load %arg3[%get3A, %get3A_0, %get3A_1] : memref<1x5000x128xf32, #tpu.memory_space<vmem>>, vector<1x5000x1xf32>
    %get3A_3 = vector.shape_cast %get3A_2 : vector<1x5000x1xf32> to vector<5000x1xf32>
    %get3A_4 = arith.constant 0 : index
    %get3A_5 = arith.constant 0 : index
    %get3A_6 = arith.constant 0 : index
    %get3A_7 = vector.load %arg4[%get3A_4, %get3A_5, %get3A_6] : memref<1x5000x128xf32, #tpu.memory_space<vmem>>, vector<1x5000x1xf32>
    %get3A_8 = vector.shape_cast %get3A_7 : vector<1x5000x1xf32> to vector<5000x1xf32>
    %add3A = arith.addf %get3A_3, %get3A_8 : vector<5000x1xf32>
    %add3A_9 = arith.constant 1.000000e+00 : f32
    %add3A_10 = vector.broadcast %add3A_9 : f32 to vector<5000x1xf32>
    %add3A_11 = arith.addf %add3A, %add3A_10 : vector<5000x1xf32>
    %max3A = arith.constant 9.99999996E-13 : f32
    %max3A_12 = vector.broadcast %max3A : f32 to vector<5000x1xf32>
    %max3A_13 = arith.maximumf %add3A_11, %max3A_12 : vector<5000x1xf32>
    %rsqrt3A = math.rsqrt %max3A_13 : vector<5000x1xf32>
    %get3A_14 = arith.constant 0 : index
    %get3A_15 = arith.constant 0 : index
    %get3A_16 = arith.constant 0 : index
    %get3A_17 = vector.load %arg2[%get3A_14, %get3A_15, %get3A_16] : memref<1x5000x128xf32, #tpu.memory_space<vmem>>, vector<1x5000x128xf32>
    %get3A_18 = vector.shape_cast %get3A_17 : vector<1x5000x128xf32> to vector<5000x128xf32>
    %mul3A = vector.broadcast %rsqrt3A : vector<5000x1xf32> to vector<5000x128xf32>
    %mul3A_19 = arith.mulf %mul3A, %get3A_18 : vector<5000x128xf32>
    %swap3A = arith.constant 0 : index
    %swap3A_20 = arith.constant 0 : index
    %swap3A_21 = arith.constant 0 : index
    %swap3A_22 = vector.load %arg5[%swap3A, %swap3A_20, %swap3A_21] : memref<1x5000x128xf32, #tpu.memory_space<vmem>>, vector<1x5000x128xf32>
    %swap3A_23 = vector.shape_cast %swap3A_22 : vector<1x5000x128xf32> to vector<5000x128xf32>
    %swap3A_24 = vector.shape_cast %mul3A_19 : vector<5000x128xf32> to vector<1x5000x128xf32>
    tpu.vector_store %arg5[%swap3A, %swap3A_20, %swap3A_21], %swap3A_24 {strides = array<i32>} : memref<1x5000x128xf32, #tpu.memory_space<vmem>>, vector<1x5000x128xf32>,
    return
  }
  func.func @transform_0(%arg0: i32, %arg1: i32) -> (i32, i32, i32) {
    %c0_i32 = arith.constant 0 : i32
    %c0_i32_0 = arith.constant 0 : i32
    return %arg1, %arg0, %c0_i32 : i32, i32, i32
  }
  func.func @transform_1(%arg0: i32, %arg1: i32) -> (i32, i32, i32) {
    %c0_i32 = arith.constant 0 : i32
    %c0_i32_0 = arith.constant 0 : i32
    %c0_i32_1 = arith.constant 0 : i32
    return %c0_i32, %arg0, %c0_i32_0 : i32, i32, i32
  }
  func.func @transform_2(%arg0: i32, %arg1: i32) -> (i32, i32, i32) {
    %c1_i32 = arith.constant 1 : i32
    %c0_i32 = arith.constant 0 : i32
    %c0_i32_0 = arith.constant 0 : i32
    return %c1_i32, %arg0, %c0_i32 : i32, i32, i32
  }
  func.func @transform_3(%arg0: i32, %arg1: i32) -> (i32, i32, i32) {
    %c0_i32 = arith.constant 0 : i32
    %c0_i32_0 = arith.constant 0 : i32
    return %arg1, %arg0, %c0_i32 : i32, i32, i32
  }
}

module attributes {stable_mosaic.version = 14 : i64} {
  func.func @_final_body(%arg0: i32, %arg1: i32, %arg2: memref<5000x128xf32, #tpu.memory_space<vmem>>, %arg3: memref<128xf32, #tpu.memory_space<vmem>>, %arg4: memref<1x5000x128xf32, #tpu.memory_space<vmem>>, %arg5: memref<1x5000x128xf32, #tpu.memory_space<vmem>>, %arg6: memref<1x5000x128xf32, #tpu.memory_space<vmem>>, %arg7: memref<1x5000x128xf32, #tpu.memory_space<vmem>>, %arg8: memref<5000x128xf32, #tpu.memory_space<vmem>>) attributes {dimension_semantics = [#tpu.dimension_semantics<arbitrary>, #tpu.dimension_semantics<arbitrary>], iteration_bounds = array<i64: 2, 2>, scalar_prefetch = 0 : i64, scratch_operands = 0 : i64, tpu.core_type = #tpu.core_type<tc>, window_params = [{transform_indices = @transform_0, window_bounds = array<i64: 5000, 128>}, {transform_indices = @transform_1, window_bounds = array<i64: 128>}, {transform_indices = @transform_2, window_bounds = array<i64: 1, 5000, 128>}, {transform_indices = @transform_3, window_bounds = array<i64: 1, 5000, 128>}, {transform_indices = @transform_4, window_bounds = array<i64: 1, 5000, 128>}, {transform_indices = @transform_5, window_bounds = array<i64: 1, 5000, 128>}, {transform_indices = @transform_6, window_bounds = array<i64: 5000, 128>}]} {
    %get3A = arith.constant 0 : index
    %get3A_0 = arith.constant 0 : index
    %get3A_1 = arith.constant 0 : index
    %get3A_2 = vector.load %arg6[%get3A, %get3A_0, %get3A_1] : memref<1x5000x128xf32, #tpu.memory_space<vmem>>, vector<1x5000x1xf32>
    %get3A_3 = vector.shape_cast %get3A_2 : vector<1x5000x1xf32> to vector<5000x1xf32>
    %get3A_4 = arith.constant 0 : index
    %get3A_5 = arith.constant 0 : index
    %get3A_6 = arith.constant 0 : index
    %get3A_7 = vector.load %arg7[%get3A_4, %get3A_5, %get3A_6] : memref<1x5000x128xf32, #tpu.memory_space<vmem>>, vector<1x5000x1xf32>
    %get3A_8 = vector.shape_cast %get3A_7 : vector<1x5000x1xf32> to vector<5000x1xf32>
    %add3A = arith.addf %get3A_3, %get3A_8 : vector<5000x1xf32>
    %add3A_9 = arith.constant 1.000000e+00 : f32
    %add3A_10 = vector.broadcast %add3A_9 : f32 to vector<5000x1xf32>
    %add3A_11 = arith.addf %add3A, %add3A_10 : vector<5000x1xf32>
    %max3A = arith.constant 9.99999996E-13 : f32
    %max3A_12 = vector.broadcast %max3A : f32 to vector<5000x1xf32>
    %max3A_13 = arith.maximumf %add3A_11, %max3A_12 : vector<5000x1xf32>
    %rsqrt3A = math.rsqrt %max3A_13 : vector<5000x1xf32>
    %get3A_14 = arith.constant 0 : index
    %get3A_15 = arith.constant 0 : index
    %get3A_16 = arith.constant 0 : index
    %get3A_17 = vector.load %arg4[%get3A_14, %get3A_15, %get3A_16] : memref<1x5000x128xf32, #tpu.memory_space<vmem>>, vector<1x5000x128xf32>
    %get3A_18 = vector.shape_cast %get3A_17 : vector<1x5000x128xf32> to vector<5000x128xf32>
    %get3A_19 = arith.constant 0 : index
    %get3A_20 = arith.constant 0 : index
    %get3A_21 = arith.constant 0 : index
    %get3A_22 = vector.load %arg5[%get3A_19, %get3A_20, %get3A_21] : memref<1x5000x128xf32, #tpu.memory_space<vmem>>, vector<1x5000x128xf32>
    %get3A_23 = vector.shape_cast %get3A_22 : vector<1x5000x128xf32> to vector<5000x128xf32>
    %add3A_24 = arith.addf %get3A_18, %get3A_23 : vector<5000x128xf32>
    %mul3A = vector.broadcast %rsqrt3A : vector<5000x1xf32> to vector<5000x128xf32>
    %mul3A_25 = arith.mulf %mul3A, %add3A_24 : vector<5000x128xf32>
    %get3A_26 = arith.constant 0 : index
    %get3A_27 = vector.load %arg3[%get3A_26] : memref<128xf32, #tpu.memory_space<vmem>>, vector<128xf32>
    %broadcast_in_dim3A = vector.shape_cast %get3A_27 : vector<128xf32> to vector<1x128xf32>
    %add3A_28 = vector.broadcast %broadcast_in_dim3A : vector<1x128xf32> to vector<5000x128xf32>
    %add3A_29 = arith.addf %mul3A_25, %add3A_28 : vector<5000x128xf32>
    %max3A_30 = arith.constant 0.000000e+00 : f32
    %max3A_31 = vector.broadcast %max3A_30 : f32 to vector<5000x128xf32>
    %max3A_32 = arith.maximumf %add3A_29, %max3A_31 : vector<5000x128xf32>
    %get3A_33 = arith.constant 0 : index
    %get3A_34 = arith.constant 0 : index
    %get3A_35 = vector.load %arg2[%get3A_33, %get3A_34] : memref<5000x128xf32, #tpu.memory_space<vmem>>, vector<5000x128xf32>
    %add3A_36 = arith.addf %max3A_32, %get3A_35 : vector<5000x128xf32>
    %swap3A = arith.constant 0 : index
    %swap3A_37 = arith.constant 0 : index
    %swap3A_38 = vector.load %arg8[%swap3A, %swap3A_37] : memref<5000x128xf32, #tpu.memory_space<vmem>>, vector<5000x128xf32>
    tpu.vector_store %arg8[%swap3A, %swap3A_37], %add3A_36 {strides = array<i32>} : memref<5000x128xf32, #tpu.memory_space<vmem>>, vector<5000x128xf32>,
    return
  }
  func.func @transform_0(%arg0: i32, %arg1: i32) -> (i32, i32) {
    %c0_i32 = arith.constant 0 : i32
    return %arg0, %arg1 : i32, i32
  }
  func.func @transform_1(%arg0: i32, %arg1: i32) -> i32 {
    %c0_i32 = arith.constant 0 : i32
    return %arg1 : i32
  }
  func.func @transform_2(%arg0: i32, %arg1: i32) -> (i32, i32, i32) {
    %c0_i32 = arith.constant 0 : i32
    %c0_i32_0 = arith.constant 0 : i32
    return %arg1, %arg0, %c0_i32 : i32, i32, i32
  }
  func.func @transform_3(%arg0: i32, %arg1: i32) -> (i32, i32, i32) {
    %c0_i32 = arith.constant 0 : i32
    %c0_i32_0 = arith.constant 0 : i32
    return %arg1, %arg0, %c0_i32 : i32, i32, i32
  }
  func.func @transform_4(%arg0: i32, %arg1: i32) -> (i32, i32, i32) {
    %c0_i32 = arith.constant 0 : i32
    %c0_i32_0 = arith.constant 0 : i32
    %c0_i32_1 = arith.constant 0 : i32
    return %c0_i32, %arg0, %c0_i32_0 : i32, i32, i32
  }
  func.func @transform_5(%arg0: i32, %arg1: i32) -> (i32, i32, i32) {
    %c1_i32 = arith.constant 1 : i32
    %c0_i32 = arith.constant 0 : i32
    %c0_i32_0 = arith.constant 0 : i32
    return %c1_i32, %arg0, %c0_i32 : i32, i32, i32
  }
  func.func @transform_6(%arg0: i32, %arg1: i32) -> (i32, i32) {
    %c0_i32 = arith.constant 0 : i32
    return %arg0, %arg1 : i32, i32
  }
}

</mosaic_0001>

<sc_bundles>
// kernel: kernel.10.cloned.1.call-start
scs
__scs_entry_jumppad:
0x0: {  	(pc) =	sbr.rel $0x88, $3  }
0x1: {  	(tag) =	ssettag $0x0;
	lr =	simm.s32 $0x1  }
0x2: {  	[smem:$0x3F9C] =	sst lr;
	_ =	strace $0xD0000000  }
0x3: {  	_ = 	snop  }
0x4: {  	_ = 	snop  }
0x5: {  	_ = 	snop  }
0x6: {  	_ = 	snop  }
0x7: {  	_ = 	snop  }
__scs_overlays_trampoline_lowered:
0x8: {  	[smem:$0x3FAB] =	sst s0  }
0x9: {  	[smem:$0x3FAC] =	sst s1  }
0xa: {  	[smem:$0x3FAD] =	sst s2  }
0xb: {  	[smem:$0x3FAE] =	sst s3  }
0xc: {  	[smem:$0x3FAF] =	sst s4  }
0xd: {  	[smem:$0x3FB0] =	sst s5  }
0xe: {  	[smem:$0x3FB1] =	sst s6  }
0xf: {  	[smem:$0x3FB2] =	sst s7  }
0x10: {  	[smem:$0x3FB3] =	sst s8  }
0x11: {  	[smem:$0x3FB4] =	sst s9;
	s0 =	simm.s32 @!p0 $0x0  }
0x12: {  	s1 =	sld [smem:$0x3F9A];
	s0 =	simm.s32 @p0 $0x1  }
0x13: {  	[smem:$0x3FB5] =	sst s0;
	s0 =	simm.s32 @!p1 $0x0  }
0x14: {  	s2 =	sld [smem:$0x3F99];
	s0 =	simm.s32 @p1 $0x1  }
0x15: {  	[smem:$0x3FB6] =	sst s0;
	s0 =	simm.s32 @!p2 $0x0  }
0x16: {  	s3 =	sld [smem:$0x3FDB];
	s0 =	simm.s32 @p2 $0x1  }
0x17: {  	s4 =	simm.s32 $0x1BF5;
	[smem:$0x3FB8] =	sst s0  }
0x18: {  	s0 =	sld [smem:$0x3F9B];
	_ =	swait.ge [sflag:s4], $0x0  }
0x19: {  	s7 =	sld [smem:$0x3F9C]  }
0x1a: {  	s8 =	sadd.s32 $0xFFFFE003, lr  }
0x1b: {  	s9 =	sadd.s32 $0xFFFFFEF7, lr;
	s5 =	simm.s32 $0xFFFFFFFF;
	p2 =	slt.u32 s8, $0xFFFFF086  }
0x1c: {  	p1 =	slt.u32 s9, $0xF7A;
	s5 =	simm.s32 @!p2 $0x0  }
0x1d: {  	s5 =	simm.s32 @p1 $0x1;
	p0 =	seq.s32 s7, s2  }
0x1e: {  	s7 =	smul.u32 @!p0 $0xF7A, s2;
	p2 =	seq.s32 @!p0 s5, $0x0  }
0x1f: {  	s9 =	smul.u32 $0xF7A, s1;
	s8 =	simm.s32 @!p0 $0x1BF5;
	p2 =	por !p2, p0  }
0x20: {  	[sflag:s8] =	ssyncset.s32 @!p0 $0xFFFFF086;
	s6 =	sadd.s32 @!p0 s3, s7;
	s7 =	simm.s32 @!p0 $0x108  }
0x21: {  	s3 =	sadd.s32 s3, s9;
	s6 =	sadd.s32 @!p0 $0x88, s6;
	s7 =	simm.s32 @p2 $0x1082  }
0x22: {  	[simem:s7], [sflag:s8] =	dma.local @!p0 [hbm:s6], $0xF7A  }
0x23: {  	s9 =	sor.u32 $0xD0000000, s2;
	s6 =	simm.s32 $0x108;
	_ =	swait.ge @!p0 [sflag:s8], $0x0  }
0x24: {  	s3 =	sadd.s32 $0x88, s3;
	s6 =	simm.s32 @!p1 $0x1082;
	[sflag:s4] =	ssyncset.s32 $0xFFFFF086  }
0x25: {  	[simem:s6], [sflag:s4] =	dma.local [hbm:s3], $0xF7A  }
0x26: {  	[smem:$0x3F9C] =	sst s1;
	(tag) =	ssettag s2;
	_ =	strace s9  }
0x27: {  	s1 =	sld [smem:$0x3FAC]  }
0x28: {  	s2 =	sld [smem:$0x3FAD]  }
0x29: {  	s4 =	sld [smem:$0x3FAF]  }
0x2a: {  	p0 =	seq.s32 s5, $0x0;
	s5 =	sld [smem:$0x3FB0]  }
0x2b: {  	s6 =	sld [smem:$0x3FB1]  }
0x2c: {  	s7 =	sld [smem:$0x3FB2]  }
0x2d: {  	s3 =	simm.s32 $0x108;
	s8 =	sld [smem:$0x3FB3]  }
0x2e: {  	s3 =	simm.s32 @!p0 $0x1082;
	s9 =	sld [smem:$0x3FB4]  }
0x2f: {  	lr =	sadd.s32 s0, s3;
	s0 =	sld [smem:$0x3FAB]  }
0x30: {  	s3 =	sld [smem:$0x3FAE]  }
0x31: {  	[smem:$0x3FB7] =	sst s10  }
0x32: {  	s10 =	sld [smem:$0x3FB5];
	_ =	sdelay $0x3  }
0x33: {  	p0 =	seq.s32 s10, $0x1;
	s10 =	sld [smem:$0x3FB7];
	_ =	sdelay $0x3  }
0x34: {  	[smem:$0x3FB7] =	sst s10  }
0x35: {  	s10 =	sld [smem:$0x3FB6];
	_ =	sdelay $0x3  }
0x36: {  	p1 =	seq.s32 s10, $0x1;
	s10 =	sld [smem:$0x3FB7];
	_ =	sdelay $0x3  }
0x37: {  	[smem:$0x3FB7] =	sst s10  }
0x38: {  	s10 =	sld [smem:$0x3FB8]  }
0x39: {  	_ = 	snop;
	(pc) =	sbr.ind lr, $3  }
0x3a: {  	_ = 	snop  }
0x3b: {  	_ = 	snop  }
0x3c: {  	p2 =	seq.s32 s10, $0x1;
	s10 =	sld [smem:$0x3FB7]  }
0x3d: {  	_ =	shalt  }
0x3e: {  	_ =	shalt  }
0x3f: {  	_ =	shalt  }
0x40: {  	_ =	shalt  }
0x41: {  	_ =	shalt  }
0x42: {  	_ =	shalt  }
0x43: {  	_ =	shalt  }
0x44: {  	_ =	shalt  }
0x45: {  	_ =	shalt  }
0x46: {  	_ =	shalt  }
0x47: {  	_ =	shalt  }
0x48: {  	_ =	shalt  }
0x49: {  	_ =	shalt  }
0x4a: {  	_ =	shalt  }
0x4b: {  	_ =	shalt  }
0x4c: {  	_ =	shalt  }
0x4d: {  	_ =	shalt  }
0x4e: {  	_ =	shalt  }
0x4f: {  	_ =	shalt  }
0x50: {  	_ =	shalt  }
0x51: {  	_ =	shalt  }
0x52: {  	_ =	shalt  }
0x53: {  	_ =	shalt  }
0x54: {  	_ =	shalt  }
0x55: {  	_ =	shalt  }
0x56: {  	_ =	shalt  }
0x57: {  	_ =	shalt  }
0x58: {  	_ =	shalt  }
0x59: {  	_ =	shalt  }
0x5a: {  	_ =	shalt  }
0x5b: {  	_ =	shalt  }
0x5c: {  	_ =	shalt  }
0x5d: {  	_ =	shalt  }
0x5e: {  	_ =	shalt  }
0x5f: {  	_ =	shalt  }
0x60: {  	_ =	shalt  }
0x61: {  	_ =	shalt  }
0x62: {  	_ =	shalt  }
0x63: {  	_ =	shalt  }
0x64: {  	_ =	shalt  }
0x65: {  	_ =	shalt  }
0x66: {  	_ =	shalt  }
0x67: {  	_ =	shalt  }
0x68: {  	_ =	shalt  }
0x69: {  	_ =	shalt  }
0x6a: {  	_ =	shalt  }
0x6b: {  	_ =	shalt  }
0x6c: {  	_ =	shalt  }
0x6d: {  	_ =	shalt  }
0x6e: {  	_ =	shalt  }
0x6f: {  	_ =	shalt  }
0x70: {  	_ =	shalt  }
0x71: {  	_ =	shalt  }
0x72: {  	_ =	shalt  }
0x73: {  	_ =	shalt  }
0x74: {  	_ =	shalt  }
0x75: {  	_ =	shalt  }
0x76: {  	_ =	shalt  }
0x77: {  	_ =	shalt  }
0x78: {  	_ =	shalt  }
0x79: {  	_ =	shalt  }
0x7a: {  	_ =	shalt  }
0x7b: {  	_ =	shalt  }
0x7c: {  	_ =	shalt  }
0x7d: {  	_ =	shalt  }
0x7e: {  	_ =	shalt  }
0x7f: {  	_ =	shalt  }
0x80: {  	_ =	shalt  }
0x81: {  	_ =	shalt  }
0x82: {  	_ =	shalt  }
0x83: {  	_ =	shalt  }
0x84: {  	_ =	shalt  }
0x85: {  	_ =	shalt  }
0x86: {  	_ =	shalt  }
0x87: {  	_ =	shalt  }
.Lfunc_end0:
.L_simem_size_0:
called_computation.1_lowered:
.L_overlay_start_0:
0x88: {  	s2 =	sld [smem:$0x3FD9]  }
0x89: {  	s3 =	sld [smem:$0x3FFE];
	_ =	sdelay $0x1  }
0x8a: {  	s1 =	srdreg.scid  }
0x8b: {  	s0 =	sand.u32 $0x1, s1  }
0x8c: {  	s17 =	sshll.u32 s0, $0xA;
	s2 =	sadd.s32 s3, s2  }
0x8d: {  	s2 =	sadd.s32 s2, s17  }
0x8e: {  	[smem:$0x3FC3] =	sst s2  }
0x8f: {  	_ = 	snop  }
0x90: {  	s2 =	sld [smem:$0x3FD0];
	(tm) =	ssettm $0x1  }
0x91: {  	s18 =	sld [smem:$0x3FFB];
	_ =	sdelay $0x3  }
0x92: {  	_ =	strace s18  }
0x93: {  	s3 =	sld [smem:$0x3FFC];
	_ =	sdelay $0x3  }
0x94: {  	_ =	strace s3  }
0x95: {  	s3 =	sld [smem:$0x3FFD];
	_ =	sdelay $0x3  }
0x96: {  	_ =	strace s3  }
0x97: {  	_ =	strace $0x8FFFFFFF  }
0x98: {  	s19 =	sld [smem:$0x3FDB];
	_ =	sdelay $0x1  }
0x99: {  	s4 =	simm.s32 $_scs_section_size  }
0x9a: {  	s5 =	simm.s32 $_size__tile_overlayer_lowered;
	s6 =	simm.s32 $_tile_overlayer_lowered  }
0x9b: {  	s22 =	simm.s32 $0x1BFF;
	s21 =	sshll.u32 s6, $0x1;
	s3 =	sadd.s32 s4, s19  }
0x9c: {  	s7 =	simm.s32 $0x0;
	s20 =	sshll.u32 s5, $0x1;
	s5 =	sadd.s32 s21, s3  }
0x9d: {  	[timem:s7], [sflag:s22] =	dma.local [hbm:s5], s20  }
0x9e: {  	_ =	swait.ge [sflag:s22], s20  }
0x9f: {  	s4 =	ssub.s32 $0x0, s20;
	[sflag:s22] =	ssyncset.done $0x0  }
0xa0: {  	[sflag:s22] =	ssyncadd.s32 s4;
	_ =	sdelay $0x1  }
0xa1: {  	s23 =	simm.s32 $0x1B8B  }
0xa2: {  	_ =	swait.ge [sflag:s23], $0x1  }
0xa3: {  	[sflag:s23] =	ssyncset.done $0x0  }
0xa4: {  	s25 =	simm.s32 $0x1B8E;
	s24 =	sld [smem:$0x3FFE];
	[sflag:s23] =	ssyncadd.s32 $0xFFFFFFFF  }
0xa5: {  	s26 =	simm.s32 $execute0_lowered;
	[smem:$0x3FD2] =	sst s25  }
0xa6: {  	s5 =	sshll.u32 s26, $0x1;
	_ =	strace $0x80000049;
	[dreg:$0x1] =	wrdreg $0xFFFFFFFF  }
0xa7: {  	s28 =	simm.s32 $_size_execute0_lowered;
	s3 =	sadd.s32 s3, s5;
	[dreg:$0x0] =	wrdreg $0x0  }
0xa8: {  	s5 =	sshll.u32 s28, $0x1;
	[dreg:$0x2] =	wrdreg s3  }
0xa9: {  	[dreg:$0x3] =	wrdreg s5  }
0xaa: {  	[dreg:$0x4] =	wrdreg $0xC0  }
0xab: {  	_ =	task [dreg:s7], $0x5FFFF  }
0xac: {  	[dreg:$0x1] =	wrdreg $0xFFFFFFFF  }
0xad: {  	[dreg:$0x0] =	wrdreg $0x60  }
0xae: {  	[dreg:$0x2] =	wrdreg s2  }
0xaf: {  	[dreg:$0x3] =	wrdreg s24  }
0xb0: {  	[dreg:$0x4] =	wrdreg $0x0  }
0xb1: {  	[dreg:$0x5] =	wrdreg $0x9  }
0xb2: {  	_ =	task.clear_ibuf [dreg:s7], $0x6FFFF;
	_ =	strace $0x90000049  }
0xb3: {  	s29 =	simm.s32 $0x9;
	_ =	strace $0x8000004B  }
0xb4: {  	_ =	swait.ge [sflag:s29], $0x1  }
0xb5: {  	[sflag:s29] =	ssyncadd.s32 $0xFFFFFFFF  }
0xb6: {  	_ =	strace $0x9000004B  }
0xb7: {  	_ =	sfence  }
0xb8: {  	s30 =	sld [smem:$0x0];
	_ =	sdelay $0x2  }
0xb9: {  	s31 =	sshll.u32 s1, $0xD;
	s1 =	sshrl.u32 s1, $0x2  }
0xba: {  	s3 =	sand.u32 $0x4000, s31;
	s1 =	sadd.s32 s1, s30  }
0xbb: {  	s0 =	sor.u32 s3, s0;
	s1 =	sshll.u32 s1, $0x11  }
0xbc: {  	s0 =	sor.u32 s1, s0  }
0xbd: {  	s0 =	sadd.s32 $0x8F2B, s0  }
0xbe: {  	[sflag:s0] =	ssyncadd.remote.s32 $0x1  }
0xbf: {  	_ =	sfence.sel $0xFFFF  }
0xc0: {  	[dreg:$0x0] =	wrdreg $0xFFFFFFFF;
	(pc) =	sbr.abs _section_cstart, $3  }
0xc1: {  	[dreg:$0x1] =	wrdreg $0xFFFFFFFF  }
0xc2: {  	_ =	task.clear_ibuf [dreg:s7], $0x2FFFF;
	_ =	strace $0x9FFFFFFF  }
0xc3: {  	(tm) =	ssettm $0x7FFFFFFF  }
tec
execute0_lowered:
.L_overlay_start_1:
0x0: {  	(tag) =	ssettag $0x1  }
0x1: {  	s0 =	rddreg [dreg:$0x0]  }
0x2: {  	s1 =	rddreg [dreg:$0x1]  }
0x3: {  	s2 =	rddreg [dreg:$0x2];
	s10 =	stileid.u32;
	s4 =	simm.s32 $0x0  }
0x4: {  	s5 =	srdreg.scid;
	s14 =	simm.s32 $0x3;
	s15 =	simm.s32 $0x14000  }
0x5: {  	s28 =	simm.s32 $0x140A0;
	s29 =	simm.s32 $0x1B800;
	s30 =	simm.s32 $0x140C0  }
0x6: {  	s31 =	simm.s32 $0x1C800;
	s3 =	smul.u32 $0x2800, s10;
	[smem:$0x7FF] =	sst s4  }
0x7: {  	s4 =	sadd.s32 $0x59A00, s1;
	s5 =	sand.u32 $0x1, s5;
	s6 =	sadd.s32 $0x7200, s1  }
0x8: {  	s9 =	smul.u32 $0x50000, s10;
	s21 =	sshll.u32 s10, $0x6;
	_ =	strace $0x8000004A  }
0x9: {  	[dreg:$0x4] =	wrdreg s6;
	s17 =	smul.u32 $0x28000, s5;
	s7 =	sshll.u32 s5, $0x4  }
0xa: {  	s5 =	ssub.s32 $0x2, s5;
	s6 =	sor.u32 $0x1C03, s21;
	s21 =	simm.s32 $0x14040  }
0xb: {  	s16 =	sshrl.u32 s3, $0x3;
	s7 =	sor.u32 s10, s7;
	s18 =	sshrl.u32 s5, $0x1  }
0xc: {  	s20 =	sshrl.u32 s9, $0x2;
	s9 =	simm.s32 $0x16780;
	s10 =	simm.s32 $0x0  }
0xd: {  	s8 =	sadd.s32 s16, s1;
	s3 =	sadd.s32 s3, s17;
	s7 =	smul.u32 $0x2800, s7  }
0xe: {  	s19 =	ssub.s32 s5, s18;
	s5 =	sadd.s32 s20, s2;
	s17 =	simm.s32 $0x20  }
0xf: {  	s18 =	simm.s32 $0x16800;
	s20 =	simm.s32 $0x17800;
	s16 =	simm.s32 $0x16700  }
0x10: {  	s1 =	sadd.s32 s3, s1;
	s22 =	sadd.s32 $0x1A00, s8;
	s24 =	sadd.s32 $0x1C80, s8  }
0x11: {  	s26 =	smax.u32 s19, $0x1;
	s13 =	sshrl.u32 s5, $0x3;
	s3 =	simm.s32 $0x1  }
0x12: {  	s5 =	simm.s32 $0x80;
	s8 =	simm.s32 $0x2;
	[dreg:$0x5] =	wrdreg s22  }
0x13: {  	s7 =	sshrl.u32 s7, $0x3;
	[dreg:$0x7] =	wrdreg s24;
	s25 =	sadd.s32 $0xA9A00, s1  }
0x14: {  	[dreg:$0x9] =	wrdreg s26;
	s22 =	simm.s32 $0x18800;
	s24 =	simm.s32 $0x19800  }
0x15: {  	s26 =	simm.s32 $0x1A800;
	s1 =	simm.s32 $0x1D800;
	s7 =	sadd.s32 s0, s7  }
0x16: {  	[dreg:$0x8] =	wrdreg s25;
	s25 =	simm.s32 $0x14080;
	s23 =	sadd.s32 $0x280, s7  }
0x17: {  	s0 =	simm.s32 $0x140E0;
	[dreg:$0x6] =	wrdreg s23;
	s23 =	simm.s32 $0x14060  }
.LBB2_1:
0x18: {  	s11 =	rddreg [dreg:$0x4]  }
0x19: {  	[spmem:s13], [sflag:s6] =	dma.local [hbm:s11], $0x2800  }
0x1a: {  	_ =	swait.ge [sflag:s14], $0x2800  }
0x1b: {  	[sflag:s14] =	ssyncset.done $0x0  }
0x1c: {  	[sflag:s14] =	ssyncadd.s32 $0xFFFFD800  }
0x1d: {  	s11 =	simm.s32 $0x0;
	[bflag:$0x0] =	sbarrier.arrive $0xFFFF  }
0x1e: {  	[tilespmem:s15], [sflag:$0x3] =	stream.linear.gather [hbm4b:s7+s11], $0x1400, $0x38;
	[tilespmem:$0x1E800] =	vst v63  }
0x1f: {  	_ =	swait.ge [sflag:s14], $0x1400  }
0x20: {  	[sflag:s14] =	ssyncset.done $0x0  }
0x21: {  	s19 =	simm.s32 $0x15400;
	s12 =	rddreg [dreg:$0x5];
	[sflag:s14] =	ssyncadd.s32 $0xFFFFEC00  }
0x22: {  	[tilespmem:s19], [sflag:$0x3] =	stream.linear.gather [hbm4b:s12+s11], $0x1400, $0x38;
	[tilespmem:$0x1E800] =	vst v63  }
0x23: {  	_ =	swait.ge [sflag:s14], $0x1400  }
0x24: {  	[sflag:s14] =	ssyncset.done $0x0  }
0x25: {  	[sflag:s14] =	ssyncadd.s32 $0xFFFFEC00  }
0x26: {  	[tilespmem:s18], [sflag:$0x1] =	stream.indirect.gather [hbm4b:s4+s17], $0x80, s15, s17, $0xb8;
	[tilespmem:$0x1E800] =	vst v63  }
0x27: {  	s12 =	simm.s32 $0x14020  }
0x28: {  	[tilespmem:s20], [sflag:$0x1] =	stream.indirect.gather [hbm4b:s4+s17], $0x80, s12, s17, $0xb8;
	[tilespmem:$0x1E800] =	vst v63  }
0x29: {  	_ = 	snop  }
0x2a: {  	[tilespmem:s22], [sflag:$0x1] =	stream.indirect.gather [hbm4b:s4+s17], $0x80, s21, s17, $0xb8;
	[tilespmem:$0x1E800] =	vst v63  }
0x2b: {  	_ = 	snop  }
0x2c: {  	[tilespmem:s24], [sflag:$0x1] =	stream.indirect.gather [hbm4b:s4+s17], $0x80, s23, s17, $0xb8;
	[tilespmem:$0x1E800] =	vst v63  }
0x2d: {  	_ = 	snop  }
0x2e: {  	[tilespmem:s26], [sflag:$0x2] =	stream.indirect.gather [hbm4b:s4+s17], $0x80, s25, s17, $0xb8;
	[tilespmem:$0x1E800] =	vst v63  }
0x2f: {  	_ = 	snop  }
0x30: {  	[tilespmem:s29], [sflag:$0x2] =	stream.indirect.gather [hbm4b:s4+s17], $0x80, s28, s17, $0xb8;
	[tilespmem:$0x1E800] =	vst v63  }
0x31: {  	_ = 	snop  }
0x32: {  	[tilespmem:s31], [sflag:$0x2] =	stream.indirect.gather [hbm4b:s4+s17], $0x80, s30, s17, $0xb8;
	[tilespmem:$0x1E800] =	vst v63  }
0x33: {  	_ = 	snop  }
0x34: {  	[tilespmem:s1], [sflag:$0x2] =	stream.indirect.gather [hbm4b:s4+s17], $0x80, s0, s17, $0xb8;
	[tilespmem:$0x1E800] =	vst v63  }
0x35: {  	_ =	swait.ge [sflag:s3], $0x1000  }
0x36: {  	[sflag:s3] =	ssyncset.done $0x0  }
0x37: {  	[sflag:s3] =	ssyncadd.s32 $0xFFFFF000  }
0x38: {  	_ =	swait.ge [sflag:s3], $0x1000  }
0x39: {  	[sflag:s3] =	ssyncset.done $0x0  }
0x3a: {  	[sflag:s3] =	ssyncadd.s32 $0xFFFFF000  }
0x3b: {  	_ =	swait.ge [sflag:s3], $0x1000  }
0x3c: {  	[sflag:s3] =	ssyncset.done $0x0  }
0x3d: {  	[sflag:s3] =	ssyncadd.s32 $0xFFFFF000  }
0x3e: {  	_ =	swait.ge [sflag:s3], $0x1000  }
0x3f: {  	[sflag:s3] =	ssyncset.done $0x0  }
0x40: {  	s19 =	simm.s32 $0x15400;
	[sflag:s3] =	ssyncadd.s32 $0xFFFFF000  }
0x41: {  	[spmem:s2] =	stream.indirect.scatter.add.f32 [tilespmem:s18], [sflag:$0x3], $0x80, s19, s5, $0xb8;
	[tilespmem:$0x1E800] =	vst v63  }
0x42: {  	_ =	swait.ge [sflag:s14], $0x4000  }
0x43: {  	[sflag:s14] =	ssyncset.done $0x0  }
0x44: {  	s12 =	simm.s32 $0x14100;
	[sflag:s14] =	ssyncadd.s32 $0xFFFFC000  }
0x45: {  	[tilespmem:s18], [sflag:$0x1] =	stream.indirect.gather [hbm4b:s4+s17], $0x80, s12, s17, $0xb8;
	[tilespmem:$0x1E800] =	vst v63  }
0x46: {  	s19 =	simm.s32 $0x14120  }
0x47: {  	[tilespmem:s20], [sflag:$0x1] =	stream.indirect.gather [hbm4b:s4+s17], $0x80, s19, s17, $0xb8;
	[tilespmem:$0x1E800] =	vst v63  }
0x48: {  	s12 =	simm.s32 $0x14140  }
0x49: {  	[tilespmem:s22], [sflag:$0x1] =	stream.indirect.gather [hbm4b:s4+s17], $0x80, s12, s17, $0xb8;
	[tilespmem:$0x1E800] =	vst v63  }
0x4a: {  	s19 =	simm.s32 $0x14160  }
0x4b: {  	[tilespmem:s24], [sflag:$0x1] =	stream.indirect.gather [hbm4b:s4+s17], $0x80, s19, s17, $0xb8;
	[tilespmem:$0x1E800] =	vst v63  }
0x4c: {  	_ =	swait.ge [sflag:s8], $0x1000  }
0x4d: {  	[sflag:s8] =	ssyncset.done $0x0  }
0x4e: {  	[sflag:s8] =	ssyncadd.s32 $0xFFFFF000  }
0x4f: {  	_ =	swait.ge [sflag:s8], $0x1000  }
0x50: {  	[sflag:s8] =	ssyncset.done $0x0  }
0x51: {  	[sflag:s8] =	ssyncadd.s32 $0xFFFFF000  }
0x52: {  	_ =	swait.ge [sflag:s8], $0x1000  }
0x53: {  	[sflag:s8] =	ssyncset.done $0x0  }
0x54: {  	[sflag:s8] =	ssyncadd.s32 $0xFFFFF000  }
0x55: {  	_ =	swait.ge [sflag:s8], $0x1000  }
0x56: {  	[sflag:s8] =	ssyncset.done $0x0  }
0x57: {  	s12 =	simm.s32 $0x15480;
	[sflag:s8] =	ssyncadd.s32 $0xFFFFF000  }
0x58: {  	[spmem:s2] =	stream.indirect.scatter.add.f32 [tilespmem:s26], [sflag:$0x3], $0x80, s12, s5, $0xb8;
	[tilespmem:$0x1E800] =	vst v63  }
0x59: {  	_ =	swait.ge [sflag:s14], $0x4000  }
0x5a: {  	[sflag:s14] =	ssyncset.done $0x0  }
0x5b: {  	s19 =	simm.s32 $0x14180;
	[sflag:s14] =	ssyncadd.s32 $0xFFFFC000  }
0x5c: {  	[tilespmem:s26], [sflag:$0x2] =	stream.indirect.gather [hbm4b:s4+s17], $0x80, s19, s17, $0xb8;
	[tilespmem:$0x1E800] =	vst v63  }
0x5d: {  	s12 =	simm.s32 $0x141A0  }
0x5e: {  	[tilespmem:s29], [sflag:$0x2] =	stream.indirect.gather [hbm4b:s4+s17], $0x80, s12, s17, $0xb8;
	[tilespmem:$0x1E800] =	vst v63  }
0x5f: {  	s19 =	simm.s32 $0x141C0  }
0x60: {  	[tilespmem:s31], [sflag:$0x2] =	stream.indirect.gather [hbm4b:s4+s17], $0x80, s19, s17, $0xb8;
	[tilespmem:$0x1E800] =	vst v63  }
0x61: {  	s11 =	simm.s32 $0x400;
	s19 =	simm.s32 $0x141E0  }
.LBB2_2:
0x62: {  	[tilespmem:s1], [sflag:$0x2] =	stream.indirect.gather [hbm4b:s4+s17], $0x80, s19, s17, $0xb8;
	[tilespmem:$0x1E800] =	vst v63  }
0x63: {  	s19 =	smov.u32 s11  }
0x64: {  	p0 =	sne.s32 s11, $0x4800;
	s11 =	sadd.s32 $0x400, s11;
	_ =	swait.ge [sflag:s3], $0x1000  }
0x65: {  	[sflag:s3] =	ssyncset.done $0x0  }
0x66: {  	[sflag:s3] =	ssyncadd.s32 $0xFFFFF000  }
0x67: {  	_ =	swait.ge [sflag:s3], $0x1000  }
0x68: {  	[sflag:s3] =	ssyncset.done $0x0  }
0x69: {  	[sflag:s3] =	ssyncadd.s32 $0xFFFFF000  }
0x6a: {  	_ =	swait.ge [sflag:s3], $0x1000  }
0x6b: {  	[sflag:s3] =	ssyncset.done $0x0  }
0x6c: {  	[sflag:s3] =	ssyncadd.s32 $0xFFFFF000  }
0x6d: {  	_ =	swait.ge [sflag:s3], $0x1000  }
0x6e: {  	s19 =	sshra.s32 s19, $0x2;
	[sflag:s3] =	ssyncset.done $0x0  }
0x6f: {  	s12 =	sadd.s32 $0x15400, s19;
	[sflag:s3] =	ssyncadd.s32 $0xFFFFF000  }
0x70: {  	[spmem:s2] =	stream.indirect.scatter.add.f32 [tilespmem:s18], [sflag:$0x3], $0x80, s12, s5, $0xb8;
	[tilespmem:$0x1E800] =	vst v63  }
0x71: {  	_ =	swait.ge [sflag:s14], $0x4000  }
0x72: {  	[sflag:s14] =	ssyncset.done $0x0  }
0x73: {  	s12 =	sadd.s32 $0x14100, s19;
	[sflag:s14] =	ssyncadd.s32 $0xFFFFC000  }
0x74: {  	[tilespmem:s18], [sflag:$0x1] =	stream.indirect.gather [hbm4b:s4+s17], $0x80, s12, s17, $0xb8;
	[tilespmem:$0x1E800] =	vst v63  }
0x75: {  	s12 =	sadd.s32 $0x14120, s19  }
0x76: {  	[tilespmem:s20], [sflag:$0x1] =	stream.indirect.gather [hbm4b:s4+s17], $0x80, s12, s17, $0xb8;
	[tilespmem:$0x1E800] =	vst v63  }
0x77: {  	s12 =	sadd.s32 $0x14140, s19  }
0x78: {  	[tilespmem:s22], [sflag:$0x1] =	stream.indirect.gather [hbm4b:s4+s17], $0x80, s12, s17, $0xb8;
	[tilespmem:$0x1E800] =	vst v63  }
0x79: {  	s12 =	sadd.s32 $0x14160, s19  }
0x7a: {  	[tilespmem:s24], [sflag:$0x1] =	stream.indirect.gather [hbm4b:s4+s17], $0x80, s12, s17, $0xb8;
	[tilespmem:$0x1E800] =	vst v63  }
0x7b: {  	_ =	swait.ge [sflag:s8], $0x1000  }
0x7c: {  	[sflag:s8] =	ssyncset.done $0x0  }
0x7d: {  	[sflag:s8] =	ssyncadd.s32 $0xFFFFF000  }
0x7e: {  	_ =	swait.ge [sflag:s8], $0x1000  }
0x7f: {  	[sflag:s8] =	ssyncset.done $0x0  }
0x80: {  	[sflag:s8] =	ssyncadd.s32 $0xFFFFF000  }
0x81: {  	_ =	swait.ge [sflag:s8], $0x1000  }
0x82: {  	[sflag:s8] =	ssyncset.done $0x0  }
0x83: {  	[sflag:s8] =	ssyncadd.s32 $0xFFFFF000  }
0x84: {  	_ =	swait.ge [sflag:s8], $0x1000  }
0x85: {  	[sflag:s8] =	ssyncset.done $0x0  }
0x86: {  	s12 =	sadd.s32 $0x15480, s19;
	[sflag:s8] =	ssyncadd.s32 $0xFFFFF000  }
0x87: {  	[spmem:s2] =	stream.indirect.scatter.add.f32 [tilespmem:s26], [sflag:$0x3], $0x80, s12, s5, $0xb8;
	[tilespmem:$0x1E800] =	vst v63  }
0x88: {  	_ =	swait.ge [sflag:s14], $0x4000  }
0x89: {  	[sflag:s14] =	ssyncset.done $0x0  }
0x8a: {  	s12 =	sadd.s32 $0x14180, s19;
	[sflag:s14] =	ssyncadd.s32 $0xFFFFC000  }
0x8b: {  	[tilespmem:s26], [sflag:$0x2] =	stream.indirect.gather [hbm4b:s4+s17], $0x80, s12, s17, $0xb8;
	[tilespmem:$0x1E800] =	vst v63  }
.Ltmp0:
0x8c: {  	s12 =	sadd.s32 $0x141A0, s19;
	(pc) =	sbr.rel @p0 .LBB2_2-.Ltmp0, $4  }
0x8d: {  	[tilespmem:s29], [sflag:$0x2] =	stream.indirect.gather [hbm4b:s4+s17], $0x80, s12, s17, $0xb8;
	[tilespmem:$0x1E800] =	vst v63  }
0x8e: {  	s12 =	sadd.s32 $0x141C0, s19  }
0x8f: {  	[tilespmem:s31], [sflag:$0x2] =	stream.indirect.gather [hbm4b:s4+s17], $0x80, s12, s17, $0xb8;
	[tilespmem:$0x1E800] =	vst v63  }
0x90: {  	s19 =	sadd.s32 $0x141E0, s19  }
0x91: {  	[tilespmem:s1], [sflag:$0x2] =	stream.indirect.gather [hbm4b:s4+s17], $0x80, s19, s17, $0xb8;
	[tilespmem:$0x1E800] =	vst v63  }
0x92: {  	_ =	swait.ge [sflag:s3], $0x1000  }
0x93: {  	[sflag:s3] =	ssyncset.done $0x0  }
0x94: {  	[sflag:s3] =	ssyncadd.s32 $0xFFFFF000  }
0x95: {  	_ =	swait.ge [sflag:s3], $0x1000  }
0x96: {  	[sflag:s3] =	ssyncset.done $0x0  }
0x97: {  	[sflag:s3] =	ssyncadd.s32 $0xFFFFF000  }
0x98: {  	_ =	swait.ge [sflag:s3], $0x1000  }
0x99: {  	[sflag:s3] =	ssyncset.done $0x0  }
0x9a: {  	[sflag:s3] =	ssyncadd.s32 $0xFFFFF000  }
0x9b: {  	_ =	swait.ge [sflag:s3], $0x1000  }
0x9c: {  	[sflag:s3] =	ssyncset.done $0x0  }
0x9d: {  	[sflag:s3] =	ssyncadd.s32 $0xFFFFF000  }
0x9e: {  	[spmem:s2] =	stream.indirect.scatter.add.f32 [tilespmem:s18], [sflag:$0x3], $0x80, s16, s5, $0xb8;
	[tilespmem:$0x1E800] =	vst v63  }
0x9f: {  	_ =	swait.ge [sflag:s14], $0x4000  }
0xa0: {  	[sflag:s14] =	ssyncset.done $0x0  }
0xa1: {  	[sflag:s14] =	ssyncadd.s32 $0xFFFFC000  }
0xa2: {  	_ =	swait.ge [sflag:s8], $0x1000  }
0xa3: {  	[sflag:s8] =	ssyncset.done $0x0  }
0xa4: {  	[sflag:s8] =	ssyncadd.s32 $0xFFFFF000  }
0xa5: {  	_ =	swait.ge [sflag:s8], $0x1000  }
0xa6: {  	[sflag:s8] =	ssyncset.done $0x0  }
0xa7: {  	[sflag:s8] =	ssyncadd.s32 $0xFFFFF000  }
0xa8: {  	_ =	swait.ge [sflag:s8], $0x1000  }
0xa9: {  	[sflag:s8] =	ssyncset.done $0x0  }
0xaa: {  	[sflag:s8] =	ssyncadd.s32 $0xFFFFF000  }
0xab: {  	_ =	swait.ge [sflag:s8], $0x1000  }
0xac: {  	[sflag:s8] =	ssyncset.done $0x0  }
0xad: {  	[sflag:s8] =	ssyncadd.s32 $0xFFFFF000  }
0xae: {  	[spmem:s2] =	stream.indirect.scatter.add.f32 [tilespmem:s26], [sflag:$0x3], $0x80, s9, s5, $0xb8;
	[tilespmem:$0x1E800] =	vst v63  }
0xaf: {  	_ =	swait.ge [sflag:s14], $0x4000  }
0xb0: {  	[sflag:s14] =	ssyncset.done $0x0  }
0xb1: {  	s11 =	simm.s32 $0x0;
	s12 =	rddreg [dreg:$0x6];
	[sflag:s14] =	ssyncadd.s32 $0xFFFFC000  }
0xb2: {  	[tilespmem:s15], [sflag:$0x3] =	stream.linear.gather [hbm4b:s12+s11], $0x1400, $0x38;
	[tilespmem:$0x1E800] =	vst v63  }
0xb3: {  	_ =	swait.ge [sflag:s14], $0x1400  }
0xb4: {  	[sflag:s14] =	ssyncset.done $0x0  }
0xb5: {  	s19 =	simm.s32 $0x15400;
	s12 =	rddreg [dreg:$0x7];
	[sflag:s14] =	ssyncadd.s32 $0xFFFFEC00  }
0xb6: {  	[tilespmem:s19], [sflag:$0x3] =	stream.linear.gather [hbm4b:s12+s11], $0x1400, $0x38;
	[tilespmem:$0x1E800] =	vst v63  }
0xb7: {  	_ =	swait.ge [sflag:s14], $0x1400  }
0xb8: {  	[sflag:s14] =	ssyncset.done $0x0  }
0xb9: {  	[sflag:s14] =	ssyncadd.s32 $0xFFFFEC00  }
0xba: {  	[tilespmem:s18], [sflag:$0x1] =	stream.indirect.gather [hbm4b:s4+s17], $0x80, s15, s17, $0xb8;
	[tilespmem:$0x1E800] =	vst v63  }
0xbb: {  	s12 =	simm.s32 $0x14020  }
0xbc: {  	[tilespmem:s20], [sflag:$0x1] =	stream.indirect.gather [hbm4b:s4+s17], $0x80, s12, s17, $0xb8;
	[tilespmem:$0x1E800] =	vst v63  }
0xbd: {  	_ = 	snop  }
0xbe: {  	[tilespmem:s22], [sflag:$0x1] =	stream.indirect.gather [hbm4b:s4+s17], $0x80, s21, s17, $0xb8;
	[tilespmem:$0x1E800] =	vst v63  }
0xbf: {  	_ = 	snop  }
0xc0: {  	[tilespmem:s24], [sflag:$0x1] =	stream.indirect.gather [hbm4b:s4+s17], $0x80, s23, s17, $0xb8;
	[tilespmem:$0x1E800] =	vst v63  }
0xc1: {  	_ = 	snop  }
0xc2: {  	[tilespmem:s26], [sflag:$0x2] =	stream.indirect.gather [hbm4b:s4+s17], $0x80, s25, s17, $0xb8;
	[tilespmem:$0x1E800] =	vst v63  }
0xc3: {  	_ = 	snop  }
0xc4: {  	[tilespmem:s29], [sflag:$0x2] =	stream.indirect.gather [hbm4b:s4+s17], $0x80, s28, s17, $0xb8;
	[tilespmem:$0x1E800] =	vst v63  }
0xc5: {  	_ = 	snop  }
0xc6: {  	[tilespmem:s31], [sflag:$0x2] =	stream.indirect.gather [hbm4b:s4+s17], $0x80, s30, s17, $0xb8;
	[tilespmem:$0x1E800] =	vst v63  }
0xc7: {  	_ = 	snop  }
0xc8: {  	[tilespmem:s1], [sflag:$0x2] =	stream.indirect.gather [hbm4b:s4+s17], $0x80, s0, s17, $0xb8;
	[tilespmem:$0x1E800] =	vst v63  }
0xc9: {  	_ =	swait.ge [sflag:s3], $0x1000  }
0xca: {  	[sflag:s3] =	ssyncset.done $0x0  }
0xcb: {  	[sflag:s3] =	ssyncadd.s32 $0xFFFFF000  }
0xcc: {  	_ =	swait.ge [sflag:s3], $0x1000  }
0xcd: {  	[sflag:s3] =	ssyncset.done $0x0  }
0xce: {  	[sflag:s3] =	ssyncadd.s32 $0xFFFFF000  }
0xcf: {  	_ =	swait.ge [sflag:s3], $0x1000  }
0xd0: {  	[sflag:s3] =	ssyncset.done $0x0  }
0xd1: {  	[sflag:s3] =	ssyncadd.s32 $0xFFFFF000  }
0xd2: {  	_ =	swait.ge [sflag:s3], $0x1000  }
0xd3: {  	[sflag:s3] =	ssyncset.done $0x0  }
0xd4: {  	s19 =	simm.s32 $0x15400;
	[sflag:s3] =	ssyncadd.s32 $0xFFFFF000  }
0xd5: {  	[spmem:s2] =	stream.indirect.scatter.add.f32 [tilespmem:s18], [sflag:$0x3], $0x80, s19, s5, $0xb8;
	[tilespmem:$0x1E800] =	vst v63  }
0xd6: {  	_ =	swait.ge [sflag:s14], $0x4000  }
0xd7: {  	[sflag:s14] =	ssyncset.done $0x0  }
0xd8: {  	s12 =	simm.s32 $0x14100;
	[sflag:s14] =	ssyncadd.s32 $0xFFFFC000  }
0xd9: {  	[tilespmem:s18], [sflag:$0x1] =	stream.indirect.gather [hbm4b:s4+s17], $0x80, s12, s17, $0xb8;
	[tilespmem:$0x1E800] =	vst v63  }
0xda: {  	s19 =	simm.s32 $0x14120  }
0xdb: {  	[tilespmem:s20], [sflag:$0x1] =	stream.indirect.gather [hbm4b:s4+s17], $0x80, s19, s17, $0xb8;
	[tilespmem:$0x1E800] =	vst v63  }
0xdc: {  	s12 =	simm.s32 $0x14140  }
0xdd: {  	[tilespmem:s22], [sflag:$0x1] =	stream.indirect.gather [hbm4b:s4+s17], $0x80, s12, s17, $0xb8;
	[tilespmem:$0x1E800] =	vst v63  }
0xde: {  	s19 =	simm.s32 $0x14160  }
0xdf: {  	[tilespmem:s24], [sflag:$0x1] =	stream.indirect.gather [hbm4b:s4+s17], $0x80, s19, s17, $0xb8;
	[tilespmem:$0x1E800] =	vst v63  }
0xe0: {  	_ =	swait.ge [sflag:s8], $0x1000  }
0xe1: {  	[sflag:s8] =	ssyncset.done $0x0  }
0xe2: {  	[sflag:s8] =	ssyncadd.s32 $0xFFFFF000  }
0xe3: {  	_ =	swait.ge [sflag:s8], $0x1000  }
0xe4: {  	[sflag:s8] =	ssyncset.done $0x0  }
0xe5: {  	[sflag:s8] =	ssyncadd.s32 $0xFFFFF000  }
0xe6: {  	_ =	swait.ge [sflag:s8], $0x1000  }
0xe7: {  	[sflag:s8] =	ssyncset.done $0x0  }
0xe8: {  	[sflag:s8] =	ssyncadd.s32 $0xFFFFF000  }
0xe9: {  	_ =	swait.ge [sflag:s8], $0x1000  }
0xea: {  	[sflag:s8] =	ssyncset.done $0x0  }
0xeb: {  	s12 =	simm.s32 $0x15480;
	[sflag:s8] =	ssyncadd.s32 $0xFFFFF000  }
0xec: {  	[spmem:s2] =	stream.indirect.scatter.add.f32 [tilespmem:s26], [sflag:$0x3], $0x80, s12, s5, $0xb8;
	[tilespmem:$0x1E800] =	vst v63  }
0xed: {  	_ =	swait.ge [sflag:s14], $0x4000  }
0xee: {  	[sflag:s14] =	ssyncset.done $0x0  }
0xef: {  	s19 =	simm.s32 $0x14180;
	[sflag:s14] =	ssyncadd.s32 $0xFFFFC000  }
0xf0: {  	[tilespmem:s26], [sflag:$0x2] =	stream.indirect.gather [hbm4b:s4+s17], $0x80, s19, s17, $0xb8;
	[tilespmem:$0x1E800] =	vst v63  }
0xf1: {  	s12 =	simm.s32 $0x141A0  }
0xf2: {  	[tilespmem:s29], [sflag:$0x2] =	stream.indirect.gather [hbm4b:s4+s17], $0x80, s12, s17, $0xb8;
	[tilespmem:$0x1E800] =	vst v63  }
0xf3: {  	s19 =	simm.s32 $0x141C0  }
0xf4: {  	[tilespmem:s31], [sflag:$0x2] =	stream.indirect.gather [hbm4b:s4+s17], $0x80, s19, s17, $0xb8;
	[tilespmem:$0x1E800] =	vst v63  }
0xf5: {  	s11 =	simm.s32 $0x400;
	s19 =	simm.s32 $0x141E0  }
.LBB2_4:
0xf6: {  	[tilespmem:s1], [sflag:$0x2] =	stream.indirect.gather [hbm4b:s4+s17], $0x80, s19, s17, $0xb8;
	[tilespmem:$0x1E800] =	vst v63  }
0xf7: {  	s12 =	smov.u32 s11  }
0xf8: {  	p0 =	sne.s32 s11, $0x4800;
	s11 =	sadd.s32 $0x400, s11;
	_ =	swait.ge [sflag:s3], $0x1000  }
0xf9: {  	[sflag:s3] =	ssyncset.done $0x0  }
0xfa: {  	[sflag:s3] =	ssyncadd.s32 $0xFFFFF000  }
0xfb: {  	_ =	swait.ge [sflag:s3], $0x1000  }
0xfc: {  	[sflag:s3] =	ssyncset.done $0x0  }
0xfd: {  	[sflag:s3] =	ssyncadd.s32 $0xFFFFF000  }
0xfe: {  	_ =	swait.ge [sflag:s3], $0x1000  }
0xff: {  	[sflag:s3] =	ssyncset.done $0x0  }
0x100: {  	[sflag:s3] =	ssyncadd.s32 $0xFFFFF000  }
0x101: {  	_ =	swait.ge [sflag:s3], $0x1000  }
0x102: {  	s19 =	sshra.s32 s12, $0x2;
	[sflag:s3] =	ssyncset.done $0x0  }
0x103: {  	s12 =	sadd.s32 $0x15400, s19;
	[sflag:s3] =	ssyncadd.s32 $0xFFFFF000  }
0x104: {  	[spmem:s2] =	stream.indirect.scatter.add.f32 [tilespmem:s18], [sflag:$0x3], $0x80, s12, s5, $0xb8;
	[tilespmem:$0x1E800] =	vst v63  }
0x105: {  	_ =	swait.ge [sflag:s14], $0x4000  }
0x106: {  	[sflag:s14] =	ssyncset.done $0x0  }
0x107: {  	s12 =	sadd.s32 $0x14100, s19;
	[sflag:s14] =	ssyncadd.s32 $0xFFFFC000  }
0x108: {  	[tilespmem:s18], [sflag:$0x1] =	stream.indirect.gather [hbm4b:s4+s17], $0x80, s12, s17, $0xb8;
	[tilespmem:$0x1E800] =	vst v63  }
0x109: {  	s12 =	sadd.s32 $0x14120, s19  }
0x10a: {  	[tilespmem:s20], [sflag:$0x1] =	stream.indirect.gather [hbm4b:s4+s17], $0x80, s12, s17, $0xb8;
	[tilespmem:$0x1E800] =	vst v63  }
0x10b: {  	s12 =	sadd.s32 $0x14140, s19  }
0x10c: {  	[tilespmem:s22], [sflag:$0x1] =	stream.indirect.gather [hbm4b:s4+s17], $0x80, s12, s17, $0xb8;
	[tilespmem:$0x1E800] =	vst v63  }
0x10d: {  	s12 =	sadd.s32 $0x14160, s19  }
0x10e: {  	[tilespmem:s24], [sflag:$0x1] =	stream.indirect.gather [hbm4b:s4+s17], $0x80, s12, s17, $0xb8;
	[tilespmem:$0x1E800] =	vst v63  }
0x10f: {  	_ =	swait.ge [sflag:s8], $0x1000  }
0x110: {  	[sflag:s8] =	ssyncset.done $0x0  }
0x111: {  	[sflag:s8] =	ssyncadd.s32 $0xFFFFF000  }
0x112: {  	_ =	swait.ge [sflag:s8], $0x1000  }
0x113: {  	[sflag:s8] =	ssyncset.done $0x0  }
0x114: {  	[sflag:s8] =	ssyncadd.s32 $0xFFFFF000  }
0x115: {  	_ =	swait.ge [sflag:s8], $0x1000  }
0x116: {  	[sflag:s8] =	ssyncset.done $0x0  }
0x117: {  	[sflag:s8] =	ssyncadd.s32 $0xFFFFF000  }
0x118: {  	_ =	swait.ge [sflag:s8], $0x1000  }
0x119: {  	[sflag:s8] =	ssyncset.done $0x0  }
0x11a: {  	s12 =	sadd.s32 $0x15480, s19;
	[sflag:s8] =	ssyncadd.s32 $0xFFFFF000  }
0x11b: {  	[spmem:s2] =	stream.indirect.scatter.add.f32 [tilespmem:s26], [sflag:$0x3], $0x80, s12, s5, $0xb8;
	[tilespmem:$0x1E800] =	vst v63  }
0x11c: {  	_ =	swait.ge [sflag:s14], $0x4000  }
0x11d: {  	[sflag:s14] =	ssyncset.done $0x0  }
0x11e: {  	s12 =	sadd.s32 $0x14180, s19;
	[sflag:s14] =	ssyncadd.s32 $0xFFFFC000  }
0x11f: {  	[tilespmem:s26], [sflag:$0x2] =	stream.indirect.gather [hbm4b:s4+s17], $0x80, s12, s17, $0xb8;
	[tilespmem:$0x1E800] =	vst v63  }
.Ltmp1:
0x120: {  	s12 =	sadd.s32 $0x141A0, s19;
	(pc) =	sbr.rel @p0 .LBB2_4-.Ltmp1, $4  }
0x121: {  	[tilespmem:s29], [sflag:$0x2] =	stream.indirect.gather [hbm4b:s4+s17], $0x80, s12, s17, $0xb8;
	[tilespmem:$0x1E800] =	vst v63  }
0x122: {  	s12 =	sadd.s32 $0x141C0, s19  }
0x123: {  	[tilespmem:s31], [sflag:$0x2] =	stream.indirect.gather [hbm4b:s4+s17], $0x80, s12, s17, $0xb8;
	[tilespmem:$0x1E800] =	vst v63  }
0x124: {  	s19 =	sadd.s32 $0x141E0, s19  }
0x125: {  	[tilespmem:s1], [sflag:$0x2] =	stream.indirect.gather [hbm4b:s4+s17], $0x80, s19, s17, $0xb8;
	[tilespmem:$0x1E800] =	vst v63  }
0x126: {  	_ =	swait.ge [sflag:s3], $0x1000  }
0x127: {  	[sflag:s3] =	ssyncset.done $0x0  }
0x128: {  	[sflag:s3] =	ssyncadd.s32 $0xFFFFF000  }
0x129: {  	_ =	swait.ge [sflag:s3], $0x1000  }
0x12a: {  	[sflag:s3] =	ssyncset.done $0x0  }
0x12b: {  	[sflag:s3] =	ssyncadd.s32 $0xFFFFF000  }
0x12c: {  	_ =	swait.ge [sflag:s3], $0x1000  }
0x12d: {  	[sflag:s3] =	ssyncset.done $0x0  }
0x12e: {  	[sflag:s3] =	ssyncadd.s32 $0xFFFFF000  }
0x12f: {  	_ =	swait.ge [sflag:s3], $0x1000  }
0x130: {  	[sflag:s3] =	ssyncset.done $0x0  }
0x131: {  	[sflag:s3] =	ssyncadd.s32 $0xFFFFF000  }
0x132: {  	[spmem:s2] =	stream.indirect.scatter.add.f32 [tilespmem:s18], [sflag:$0x3], $0x80, s16, s5, $0xb8;
	[tilespmem:$0x1E800] =	vst v63  }
0x133: {  	_ =	swait.ge [sflag:s14], $0x4000  }
0x134: {  	[sflag:s14] =	ssyncset.done $0x0  }
0x135: {  	[sflag:s14] =	ssyncadd.s32 $0xFFFFC000  }
0x136: {  	_ =	swait.ge [sflag:s8], $0x1000  }
0x137: {  	[sflag:s8] =	ssyncset.done $0x0  }
0x138: {  	[sflag:s8] =	ssyncadd.s32 $0xFFFFF000  }
0x139: {  	_ =	swait.ge [sflag:s8], $0x1000  }
0x13a: {  	[sflag:s8] =	ssyncset.done $0x0  }
0x13b: {  	[sflag:s8] =	ssyncadd.s32 $0xFFFFF000  }
0x13c: {  	_ =	swait.ge [sflag:s8], $0x1000  }
0x13d: {  	[sflag:s8] =	ssyncset.done $0x0  }
0x13e: {  	[sflag:s8] =	ssyncadd.s32 $0xFFFFF000  }
0x13f: {  	_ =	swait.ge [sflag:s8], $0x1000  }
0x140: {  	[sflag:s8] =	ssyncset.done $0x0  }
0x141: {  	[sflag:s8] =	ssyncadd.s32 $0xFFFFF000  }
0x142: {  	[spmem:s2] =	stream.indirect.scatter.add.f32 [tilespmem:s26], [sflag:$0x3], $0x80, s9, s5, $0xb8;
	[tilespmem:$0x1E800] =	vst v63  }
0x143: {  	_ =	swait.ge [sflag:s14], $0x4000  }
0x144: {  	[sflag:s14] =	ssyncset.done $0x0  }
0x145: {  	[sflag:s14] =	ssyncadd.s32 $0xFFFFC000  }
0x146: {  	[bflag:$0x0] =	sbarrier.arrive $0xFFFF  }
0x147: {  	s11 =	rddreg [dreg:$0x8]  }
0x148: {  	[hbm:s11], [sflag:s6] =	dma.local [spmem:s13], $0x2800  }
0x149: {  	_ =	swait.ge [sflag:s14], $0x2800  }
0x14a: {  	s10 =	sadd.s32 $0x1, s10;
	s19 =	rddreg [dreg:$0x9]  }
0x14b: {  	p0 =	sne.s32 s10, s19  }
.Ltmp2:
0x14c: {  	_ = 	snop;
	(pc) =	sbr.rel @p0 .LBB2_1-.Ltmp2, $3  }
0x14d: {  	_ =	sdelay $0x1  }
0x14e: {  	[sflag:s14] =	ssyncset.done $0x0  }
0x14f: {  	[sflag:s14] =	ssyncadd.s32 $0xFFFFD800  }
0x150: {  	_ =	sfence.sel $0x180000  }
0x151: {  	[bflag:$0x0] =	sbarrier.arrive $0xFFFF  }
0x152: {  	_ =	strace $0x9000004A  }
0x153: {  	s0 =	stileid.u32;
	[bflag:$0x2] =	sbarrier.arrive $0xFFFF  }
0x154: {  	p0 =	sne.s32 s0, $0x0;
	s0 =	rddreg [dreg:$0x3]  }
0x155: {  	s0 =	sadd.s32 @!p0 $0x100000, s0  }
0x156: {  	[sflag:s0] =	ssyncadd.tile.s32 @!p0 $0x1;
	_ =	shalt  }
.Lfunc_end2:
_tile_overlayer_lowered:
.L_overlay_start_2:
0x157: {  	(tag) =	ssettag $0x2  }
0x158: {  	s0 =	rddreg [dreg:$0x0];
	s2 =	stileid.u32  }
0x159: {  	s1 =	rddreg [dreg:$0x1];
	p0 =	sne.s32 s2, $0x0  }
0x15a: {  	s3 =	rddreg [dreg:$0x2];
	[bflag:$0x3] =	sbarrier.arrive $0xFFFF;
	s2 =	simm.s32 @!p0 $0x1C03  }
0x15b: {  	[timem:s3], [sflag:s2] =	dma.local @!p0 [hbm:s0], s1  }
0x15c: {  	s0 =	simm.s32 @!p0 $0x3  }
0x15d: {  	_ =	swait.ge @!p0 [sflag:s0], s1  }
0x15e: {  	s1 =	ssub.s32 @!p0 $0x0, s1;
	[sflag:s0] =	ssyncset.done @!p0 $0x0  }
0x15f: {  	[sflag:s0] =	ssyncadd.s32 @!p0 s1  }
0x160: {  	[bflag:$0x3] =	sbarrier.arrive $0xFFFF  }
0x161: {  	_ =	shalt  }

// kernel: kernel.7.cloned.1.call-start
scs
__scs_entry_jumppad:
0x0: {  	(pc) =	sbr.rel $0x88, $3  }
0x1: {  	(tag) =	ssettag $0x0;
	lr =	simm.s32 $0x1  }
0x2: {  	[smem:$0x3F9C] =	sst lr;
	_ =	strace $0xD0000000  }
0x3: {  	_ = 	snop  }
0x4: {  	_ = 	snop  }
0x5: {  	_ = 	snop  }
0x6: {  	_ = 	snop  }
0x7: {  	_ = 	snop  }
__scs_overlays_trampoline_lowered:
0x8: {  	[smem:$0x3FAB] =	sst s0  }
0x9: {  	[smem:$0x3FAC] =	sst s1  }
0xa: {  	[smem:$0x3FAD] =	sst s2  }
0xb: {  	[smem:$0x3FAE] =	sst s3  }
0xc: {  	[smem:$0x3FAF] =	sst s4  }
0xd: {  	[smem:$0x3FB0] =	sst s5  }
0xe: {  	[smem:$0x3FB1] =	sst s6  }
0xf: {  	[smem:$0x3FB2] =	sst s7  }
0x10: {  	[smem:$0x3FB3] =	sst s8  }
0x11: {  	[smem:$0x3FB4] =	sst s9;
	s0 =	simm.s32 @!p0 $0x0  }
0x12: {  	s1 =	sld [smem:$0x3F9A];
	s0 =	simm.s32 @p0 $0x1  }
0x13: {  	[smem:$0x3FB5] =	sst s0;
	s0 =	simm.s32 @!p1 $0x0  }
0x14: {  	s2 =	sld [smem:$0x3F99];
	s0 =	simm.s32 @p1 $0x1  }
0x15: {  	[smem:$0x3FB6] =	sst s0;
	s0 =	simm.s32 @!p2 $0x0  }
0x16: {  	s3 =	sld [smem:$0x3FDB];
	s0 =	simm.s32 @p2 $0x1  }
0x17: {  	s4 =	simm.s32 $0x1BF5;
	[smem:$0x3FB8] =	sst s0  }
0x18: {  	s0 =	sld [smem:$0x3F9B];
	_ =	swait.ge [sflag:s4], $0x0  }
0x19: {  	s7 =	sld [smem:$0x3F9C]  }
0x1a: {  	s8 =	sadd.s32 $0xFFFFE003, lr  }
0x1b: {  	s9 =	sadd.s32 $0xFFFFFEF7, lr;
	s5 =	simm.s32 $0xFFFFFFFF;
	p2 =	slt.u32 s8, $0xFFFFF086  }
0x1c: {  	p1 =	slt.u32 s9, $0xF7A;
	s5 =	simm.s32 @!p2 $0x0  }
0x1d: {  	s5 =	simm.s32 @p1 $0x1;
	p0 =	seq.s32 s7, s2  }
0x1e: {  	s7 =	smul.u32 @!p0 $0xF7A, s2;
	p2 =	seq.s32 @!p0 s5, $0x0  }
0x1f: {  	s9 =	smul.u32 $0xF7A, s1;
	s8 =	simm.s32 @!p0 $0x1BF5;
	p2 =	por !p2, p0  }
0x20: {  	[sflag:s8] =	ssyncset.s32 @!p0 $0xFFFFF086;
	s6 =	sadd.s32 @!p0 s3, s7;
	s7 =	simm.s32 @!p0 $0x108  }
0x21: {  	s3 =	sadd.s32 s3, s9;
	s6 =	sadd.s32 @!p0 $0x88, s6;
	s7 =	simm.s32 @p2 $0x1082  }
0x22: {  	[simem:s7], [sflag:s8] =	dma.local @!p0 [hbm:s6], $0xF7A  }
0x23: {  	s9 =	sor.u32 $0xD0000000, s2;
	s6 =	simm.s32 $0x108;
	_ =	swait.ge @!p0 [sflag:s8], $0x0  }
0x24: {  	s3 =	sadd.s32 $0x88, s3;
	s6 =	simm.s32 @!p1 $0x1082;
	[sflag:s4] =	ssyncset.s32 $0xFFFFF086  }
0x25: {  	[simem:s6], [sflag:s4] =	dma.local [hbm:s3], $0xF7A  }
0x26: {  	[smem:$0x3F9C] =	sst s1;
	(tag) =	ssettag s2;
	_ =	strace s9  }
0x27: {  	s1 =	sld [smem:$0x3FAC]  }
0x28: {  	s2 =	sld [smem:$0x3FAD]  }
0x29: {  	s4 =	sld [smem:$0x3FAF]  }
0x2a: {  	p0 =	seq.s32 s5, $0x0;
	s5 =	sld [smem:$0x3FB0]  }
0x2b: {  	s6 =	sld [smem:$0x3FB1]  }
0x2c: {  	s7 =	sld [smem:$0x3FB2]  }
0x2d: {  	s3 =	simm.s32 $0x108;
	s8 =	sld [smem:$0x3FB3]  }
0x2e: {  	s3 =	simm.s32 @!p0 $0x1082;
	s9 =	sld [smem:$0x3FB4]  }
0x2f: {  	lr =	sadd.s32 s0, s3;
	s0 =	sld [smem:$0x3FAB]  }
0x30: {  	s3 =	sld [smem:$0x3FAE]  }
0x31: {  	[smem:$0x3FB7] =	sst s10  }
0x32: {  	s10 =	sld [smem:$0x3FB5];
	_ =	sdelay $0x3  }
0x33: {  	p0 =	seq.s32 s10, $0x1;
	s10 =	sld [smem:$0x3FB7];
	_ =	sdelay $0x3  }
0x34: {  	[smem:$0x3FB7] =	sst s10  }
0x35: {  	s10 =	sld [smem:$0x3FB6];
	_ =	sdelay $0x3  }
0x36: {  	p1 =	seq.s32 s10, $0x1;
	s10 =	sld [smem:$0x3FB7];
	_ =	sdelay $0x3  }
0x37: {  	[smem:$0x3FB7] =	sst s10  }
0x38: {  	s10 =	sld [smem:$0x3FB8]  }
0x39: {  	_ = 	snop;
	(pc) =	sbr.ind lr, $3  }
0x3a: {  	_ = 	snop  }
0x3b: {  	_ = 	snop  }
0x3c: {  	p2 =	seq.s32 s10, $0x1;
	s10 =	sld [smem:$0x3FB7]  }
0x3d: {  	_ =	shalt  }
0x3e: {  	_ =	shalt  }
0x3f: {  	_ =	shalt  }
0x40: {  	_ =	shalt  }
0x41: {  	_ =	shalt  }
0x42: {  	_ =	shalt  }
0x43: {  	_ =	shalt  }
0x44: {  	_ =	shalt  }
0x45: {  	_ =	shalt  }
0x46: {  	_ =	shalt  }
0x47: {  	_ =	shalt  }
0x48: {  	_ =	shalt  }
0x49: {  	_ =	shalt  }
0x4a: {  	_ =	shalt  }
0x4b: {  	_ =	shalt  }
0x4c: {  	_ =	shalt  }
0x4d: {  	_ =	shalt  }
0x4e: {  	_ =	shalt  }
0x4f: {  	_ =	shalt  }
0x50: {  	_ =	shalt  }
0x51: {  	_ =	shalt  }
0x52: {  	_ =	shalt  }
0x53: {  	_ =	shalt  }
0x54: {  	_ =	shalt  }
0x55: {  	_ =	shalt  }
0x56: {  	_ =	shalt  }
0x57: {  	_ =	shalt  }
0x58: {  	_ =	shalt  }
0x59: {  	_ =	shalt  }
0x5a: {  	_ =	shalt  }
0x5b: {  	_ =	shalt  }
0x5c: {  	_ =	shalt  }
0x5d: {  	_ =	shalt  }
0x5e: {  	_ =	shalt  }
0x5f: {  	_ =	shalt  }
0x60: {  	_ =	shalt  }
0x61: {  	_ =	shalt  }
0x62: {  	_ =	shalt  }
0x63: {  	_ =	shalt  }
0x64: {  	_ =	shalt  }
0x65: {  	_ =	shalt  }
0x66: {  	_ =	shalt  }
0x67: {  	_ =	shalt  }
0x68: {  	_ =	shalt  }
0x69: {  	_ =	shalt  }
0x6a: {  	_ =	shalt  }
0x6b: {  	_ =	shalt  }
0x6c: {  	_ =	shalt  }
0x6d: {  	_ =	shalt  }
0x6e: {  	_ =	shalt  }
0x6f: {  	_ =	shalt  }
0x70: {  	_ =	shalt  }
0x71: {  	_ =	shalt  }
0x72: {  	_ =	shalt  }
0x73: {  	_ =	shalt  }
0x74: {  	_ =	shalt  }
0x75: {  	_ =	shalt  }
0x76: {  	_ =	shalt  }
0x77: {  	_ =	shalt  }
0x78: {  	_ =	shalt  }
0x79: {  	_ =	shalt  }
0x7a: {  	_ =	shalt  }
0x7b: {  	_ =	shalt  }
0x7c: {  	_ =	shalt  }
0x7d: {  	_ =	shalt  }
0x7e: {  	_ =	shalt  }
0x7f: {  	_ =	shalt  }
0x80: {  	_ =	shalt  }
0x81: {  	_ =	shalt  }
0x82: {  	_ =	shalt  }
0x83: {  	_ =	shalt  }
0x84: {  	_ =	shalt  }
0x85: {  	_ =	shalt  }
0x86: {  	_ =	shalt  }
0x87: {  	_ =	shalt  }
.Lfunc_end0:
.L_simem_size_0:
called_computation_lowered:
.L_overlay_start_0:
0x88: {  	s2 =	sld [smem:$0x3FD9]  }
0x89: {  	s3 =	sld [smem:$0x3FFE];
	_ =	sdelay $0x1  }
0x8a: {  	s1 =	srdreg.scid  }
0x8b: {  	s0 =	sand.u32 $0x1, s1  }
0x8c: {  	s16 =	sshll.u32 s0, $0xA;
	s2 =	sadd.s32 s3, s2  }
0x8d: {  	s2 =	sadd.s32 s2, s16  }
0x8e: {  	[smem:$0x3FC3] =	sst s2  }
0x8f: {  	_ = 	snop  }
0x90: {  	(tm) =	ssettm $0x1  }
0x91: {  	s17 =	sld [smem:$0x3FFB];
	_ =	sdelay $0x3  }
0x92: {  	_ =	strace s17  }
0x93: {  	s2 =	sld [smem:$0x3FFC];
	_ =	sdelay $0x3  }
0x94: {  	_ =	strace s2  }
0x95: {  	s2 =	sld [smem:$0x3FFD];
	_ =	sdelay $0x3  }
0x96: {  	_ =	strace s2  }
0x97: {  	_ =	strace $0x8FFFFFFF  }
0x98: {  	s18 =	sld [smem:$0x3FDB];
	_ =	sdelay $0x1  }
0x99: {  	s19 =	simm.s32 $_scs_section_size  }
0x9a: {  	s4 =	simm.s32 $_size__tile_overlayer_lowered;
	s5 =	simm.s32 $_tile_overlayer_lowered  }
0x9b: {  	s22 =	simm.s32 $0x1BFF;
	s21 =	sshll.u32 s5, $0x1;
	s2 =	sadd.s32 s19, s18  }
0x9c: {  	s6 =	simm.s32 $0x0;
	s20 =	sshll.u32 s4, $0x1;
	s4 =	sadd.s32 s21, s2  }
0x9d: {  	[timem:s6], [sflag:s22] =	dma.local [hbm:s4], s20  }
0x9e: {  	_ =	swait.ge [sflag:s22], s20  }
0x9f: {  	s3 =	ssub.s32 $0x0, s20;
	[sflag:s22] =	ssyncset.done $0x0  }
0xa0: {  	[sflag:s22] =	ssyncadd.s32 s3;
	_ =	sdelay $0x1  }
0xa1: {  	s23 =	simm.s32 $0x1B8B  }
0xa2: {  	_ =	swait.ge [sflag:s23], $0x1  }
0xa3: {  	[sflag:s23] =	ssyncset.done $0x0  }
0xa4: {  	s25 =	simm.s32 $0x1B8E;
	s24 =	sld [smem:$0x3FFE];
	[sflag:s23] =	ssyncadd.s32 $0xFFFFFFFF  }
0xa5: {  	s26 =	simm.s32 $execute0_lowered;
	[smem:$0x3FD2] =	sst s25  }
0xa6: {  	s4 =	sshll.u32 s26, $0x1;
	_ =	strace $0x80000046;
	[dreg:$0x1] =	wrdreg $0xFFFFFFFF  }
0xa7: {  	s28 =	simm.s32 $_size_execute0_lowered;
	s2 =	sadd.s32 s2, s4;
	[dreg:$0x0] =	wrdreg $0x0  }
0xa8: {  	s4 =	sshll.u32 s28, $0x1;
	[dreg:$0x2] =	wrdreg s2  }
0xa9: {  	[dreg:$0x3] =	wrdreg s4  }
0xaa: {  	[dreg:$0x4] =	wrdreg $0xC0  }
0xab: {  	_ =	task [dreg:s6], $0x5FFFF  }
0xac: {  	[dreg:$0x1] =	wrdreg $0xFFFFFFFF  }
0xad: {  	[dreg:$0x0] =	wrdreg $0x60  }
0xae: {  	[dreg:$0x2] =	wrdreg s24  }
0xaf: {  	[dreg:$0x3] =	wrdreg $0x0  }
0xb0: {  	[dreg:$0x4] =	wrdreg $0x9  }
0xb1: {  	_ =	task.clear_ibuf [dreg:s6], $0x5FFFF;
	_ =	strace $0x90000046  }
0xb2: {  	s29 =	simm.s32 $0x9;
	_ =	strace $0x80000048  }
0xb3: {  	_ =	swait.ge [sflag:s29], $0x1  }
0xb4: {  	[sflag:s29] =	ssyncadd.s32 $0xFFFFFFFF  }
0xb5: {  	_ =	strace $0x90000048  }
0xb6: {  	_ =	sfence  }
0xb7: {  	s30 =	sld [smem:$0x0];
	_ =	sdelay $0x2  }
0xb8: {  	s31 =	sshll.u32 s1, $0xD;
	s1 =	sshrl.u32 s1, $0x2  }
0xb9: {  	s3 =	sand.u32 $0x4000, s31;
	s1 =	sadd.s32 s1, s30  }
0xba: {  	s0 =	sor.u32 s3, s0;
	s1 =	sshll.u32 s1, $0x11  }
0xbb: {  	s0 =	sor.u32 s1, s0  }
0xbc: {  	s0 =	sadd.s32 $0x8F2B, s0  }
0xbd: {  	[sflag:s0] =	ssyncadd.remote.s32 $0x1  }
0xbe: {  	_ =	sfence.sel $0xFFFF  }
0xbf: {  	[dreg:$0x0] =	wrdreg $0xFFFFFFFF;
	(pc) =	sbr.abs _section_cstart, $3  }
0xc0: {  	[dreg:$0x1] =	wrdreg $0xFFFFFFFF  }
0xc1: {  	_ =	task.clear_ibuf [dreg:s6], $0x2FFFF;
	_ =	strace $0x9FFFFFFF  }
0xc2: {  	(tm) =	ssettm $0x7FFFFFFF  }
0xc3: {  	_ =	shalt  }
tec
execute0_lowered:
.L_overlay_start_1:
0x0: {  	(tag) =	ssettag $0x1  }
0x1: {  	s0 =	srdreg.scid  }
0x2: {  	s11 =	stileid.u32;
	s6 =	rddreg [dreg:$0x0]  }
0x3: {  	s2 =	rddreg [dreg:$0x1];
	s3 =	simm.s32 $0x0;
	s9 =	simm.s32 $0x14000  }
0x4: {  	s10 =	simm.s32 $0x2;
	s14 =	simm.s32 $0x80;
	s21 =	simm.s32 $0x14C80  }
0x5: {  	s22 =	simm.s32 $0x14D00;
	s23 =	simm.s32 $0x14D80;
	s28 =	simm.s32 $0x14F80  }
0x6: {  	s29 =	simm.s32 $0x15000;
	s30 =	simm.s32 $0x15080;
	s31 =	simm.s32 $0x15100  }
0x7: {  	s15 =	simm.s32 $0x15280;
	s16 =	simm.s32 $0x15300;
	s17 =	simm.s32 $0x15380  }
0x8: {  	s18 =	simm.s32 $0x1;
	s19 =	simm.s32 $0x0;
	s0 =	sand.u32 $0x1, s0  }
0x9: {  	s5 =	smul.u32 $0x2800, s11;
	[smem:$0x7FF] =	sst s3;
	s4 =	sadd.s32 $0x6A00, s6  }
0xa: {  	s8 =	smul.u32 $0x50000, s11;
	s26 =	sshll.u32 s11, $0x6;
	s1 =	sshll.u32 s0, $0x4  }
0xb: {  	s7 =	smul.u32 $0x28000, s0;
	_ =	strace $0x80000047;
	s0 =	ssub.s32 $0x2, s0  }
0xc: {  	s12 =	sor.u32 $0x1C02, s26;
	s26 =	simm.s32 $0x14F00;
	s1 =	sor.u32 s11, s1  }
0xd: {  	s24 =	sshrl.u32 s0, $0x1;
	s25 =	sshrl.u32 s8, $0x2;
	s11 =	simm.s32 $0x15400  }
0xe: {  	s1 =	smul.u32 $0x280, s1;
	s7 =	sadd.s32 s5, s7;
	s5 =	sadd.s32 $0x7200, s6  }
0xf: {  	s0 =	ssub.s32 s0, s24;
	s24 =	simm.s32 $0x14E00;
	s7 =	sadd.s32 s7, s6  }
0x10: {  	s8 =	smax.u32 s0, $0x1;
	s0 =	simm.s32 $0x15200;
	s1 =	sadd.s32 s1, s6  }
0x11: {  	s7 =	sadd.s32 $0x9A00, s7;
	s6 =	sadd.s32 $0x1A00, s1;
	s1 =	sadd.s32 s25, s2  }
0x12: {  	s25 =	simm.s32 $0x14E80;
	s13 =	sshrl.u32 s1, $0x3;
	s1 =	simm.s32 $0x15180  }
.LBB2_1:
0x13: {  	[tilespmem:s9], [sflag:$0x2] =	stream.linear.gather [hbm4b:s6+s3], $0x1400, $0x38;
	[tilespmem:$0x19400] =	vst v63  }
0x14: {  	_ =	swait.ge [sflag:s10], $0x1400  }
0x15: {  	[sflag:s10] =	ssyncset.done $0x0  }
0x16: {  	[sflag:s10] =	ssyncadd.s32 $0xFFFFEC00  }
0x17: {  	[tilespmem:s11], [sflag:$0x2] =	stream.linear.gather [hbm4b:s4+s3], $0x4000, $0x38;
	[tilespmem:$0x19400] =	vst v63  }
0x18: {  	_ =	swait.ge [sflag:s10], $0x4000  }
0x19: {  	[sflag:s10] =	ssyncset.done $0x0  }
0x1a: {  	[sflag:s10] =	ssyncadd.s32 $0xFFFFC000  }
0x1b: {  	[spmem:s13], [sflag:s12] =	dma.local [hbm:s5], $0x2800  }
0x1c: {  	_ =	swait.ge [sflag:s10], $0x2800  }
0x1d: {  	[sflag:s10] =	ssyncset.done $0x0  }
0x1e: {  	[sflag:s10] =	ssyncadd.s32 $0xFFFFD800  }
0x1f: {  	[bflag:$0x0] =	sbarrier.arrive $0xFFFF  }
0x20: {  	[spmem:s2] =	stream.indirect.scatter.add.f32 [tilespmem:s11], [sflag:$0x1], $0x80, s9, s14, $0xb8;
	[tilespmem:$0x19400] =	vst v63  }
0x21: {  	s20 =	simm.s32 $0x14080  }
0x22: {  	[spmem:s2] =	stream.indirect.scatter.add.f32 [tilespmem:s11], [sflag:$0x1], $0x80, s20, s14, $0xb8;
	[tilespmem:$0x19400] =	vst v63  }
0x23: {  	s20 =	simm.s32 $0x14100  }
0x24: {  	[spmem:s2] =	stream.indirect.scatter.add.f32 [tilespmem:s11], [sflag:$0x1], $0x80, s20, s14, $0xb8;
	[tilespmem:$0x19400] =	vst v63  }
0x25: {  	s20 =	simm.s32 $0x14180  }
0x26: {  	[spmem:s2] =	stream.indirect.scatter.add.f32 [tilespmem:s11], [sflag:$0x1], $0x80, s20, s14, $0xb8;
	[tilespmem:$0x19400] =	vst v63  }
0x27: {  	s20 =	simm.s32 $0x14200  }
0x28: {  	[spmem:s2] =	stream.indirect.scatter.add.f32 [tilespmem:s11], [sflag:$0x1], $0x80, s20, s14, $0xb8;
	[tilespmem:$0x19400] =	vst v63  }
0x29: {  	s20 =	simm.s32 $0x14280  }
0x2a: {  	[spmem:s2] =	stream.indirect.scatter.add.f32 [tilespmem:s11], [sflag:$0x1], $0x80, s20, s14, $0xb8;
	[tilespmem:$0x19400] =	vst v63  }
0x2b: {  	s20 =	simm.s32 $0x14300  }
0x2c: {  	[spmem:s2] =	stream.indirect.scatter.add.f32 [tilespmem:s11], [sflag:$0x1], $0x80, s20, s14, $0xb8;
	[tilespmem:$0x19400] =	vst v63  }
0x2d: {  	s20 =	simm.s32 $0x14380  }
0x2e: {  	[spmem:s2] =	stream.indirect.scatter.add.f32 [tilespmem:s11], [sflag:$0x1], $0x80, s20, s14, $0xb8;
	[tilespmem:$0x19400] =	vst v63  }
0x2f: {  	s20 =	simm.s32 $0x14400  }
0x30: {  	[spmem:s2] =	stream.indirect.scatter.add.f32 [tilespmem:s11], [sflag:$0x1], $0x80, s20, s14, $0xb8;
	[tilespmem:$0x19400] =	vst v63  }
0x31: {  	s20 =	simm.s32 $0x14480  }
0x32: {  	[spmem:s2] =	stream.indirect.scatter.add.f32 [tilespmem:s11], [sflag:$0x1], $0x80, s20, s14, $0xb8;
	[tilespmem:$0x19400] =	vst v63  }
0x33: {  	s20 =	simm.s32 $0x14500  }
0x34: {  	[spmem:s2] =	stream.indirect.scatter.add.f32 [tilespmem:s11], [sflag:$0x1], $0x80, s20, s14, $0xb8;
	[tilespmem:$0x19400] =	vst v63  }
0x35: {  	s20 =	simm.s32 $0x14580  }
0x36: {  	[spmem:s2] =	stream.indirect.scatter.add.f32 [tilespmem:s11], [sflag:$0x1], $0x80, s20, s14, $0xb8;
	[tilespmem:$0x19400] =	vst v63  }
0x37: {  	s20 =	simm.s32 $0x14600  }
0x38: {  	[spmem:s2] =	stream.indirect.scatter.add.f32 [tilespmem:s11], [sflag:$0x1], $0x80, s20, s14, $0xb8;
	[tilespmem:$0x19400] =	vst v63  }
0x39: {  	s20 =	simm.s32 $0x14680  }
0x3a: {  	[spmem:s2] =	stream.indirect.scatter.add.f32 [tilespmem:s11], [sflag:$0x1], $0x80, s20, s14, $0xb8;
	[tilespmem:$0x19400] =	vst v63  }
0x3b: {  	s20 =	simm.s32 $0x14700  }
0x3c: {  	[spmem:s2] =	stream.indirect.scatter.add.f32 [tilespmem:s11], [sflag:$0x1], $0x80, s20, s14, $0xb8;
	[tilespmem:$0x19400] =	vst v63  }
0x3d: {  	s20 =	simm.s32 $0x14780  }
0x3e: {  	[spmem:s2] =	stream.indirect.scatter.add.f32 [tilespmem:s11], [sflag:$0x1], $0x80, s20, s14, $0xb8;
	[tilespmem:$0x19400] =	vst v63  }
0x3f: {  	s20 =	simm.s32 $0x14800  }
0x40: {  	[spmem:s2] =	stream.indirect.scatter.add.f32 [tilespmem:s11], [sflag:$0x1], $0x80, s20, s14, $0xb8;
	[tilespmem:$0x19400] =	vst v63  }
0x41: {  	s20 =	simm.s32 $0x14880  }
0x42: {  	[spmem:s2] =	stream.indirect.scatter.add.f32 [tilespmem:s11], [sflag:$0x1], $0x80, s20, s14, $0xb8;
	[tilespmem:$0x19400] =	vst v63  }
0x43: {  	s20 =	simm.s32 $0x14900  }
0x44: {  	[spmem:s2] =	stream.indirect.scatter.add.f32 [tilespmem:s11], [sflag:$0x1], $0x80, s20, s14, $0xb8;
	[tilespmem:$0x19400] =	vst v63  }
0x45: {  	s20 =	simm.s32 $0x14980  }
0x46: {  	[spmem:s2] =	stream.indirect.scatter.add.f32 [tilespmem:s11], [sflag:$0x1], $0x80, s20, s14, $0xb8;
	[tilespmem:$0x19400] =	vst v63  }
0x47: {  	s20 =	simm.s32 $0x14A00  }
0x48: {  	[spmem:s2] =	stream.indirect.scatter.add.f32 [tilespmem:s11], [sflag:$0x1], $0x80, s20, s14, $0xb8;
	[tilespmem:$0x19400] =	vst v63  }
0x49: {  	s20 =	simm.s32 $0x14A80  }
0x4a: {  	[spmem:s2] =	stream.indirect.scatter.add.f32 [tilespmem:s11], [sflag:$0x1], $0x80, s20, s14, $0xb8;
	[tilespmem:$0x19400] =	vst v63  }
0x4b: {  	s20 =	simm.s32 $0x14B00  }
0x4c: {  	[spmem:s2] =	stream.indirect.scatter.add.f32 [tilespmem:s11], [sflag:$0x1], $0x80, s20, s14, $0xb8;
	[tilespmem:$0x19400] =	vst v63  }
0x4d: {  	s20 =	simm.s32 $0x14B80  }
0x4e: {  	[spmem:s2] =	stream.indirect.scatter.add.f32 [tilespmem:s11], [sflag:$0x1], $0x80, s20, s14, $0xb8;
	[tilespmem:$0x19400] =	vst v63  }
0x4f: {  	s20 =	simm.s32 $0x14C00  }
0x50: {  	[spmem:s2] =	stream.indirect.scatter.add.f32 [tilespmem:s11], [sflag:$0x1], $0x80, s20, s14, $0xb8;
	[tilespmem:$0x19400] =	vst v63  }
0x51: {  	_ = 	snop  }
0x52: {  	[spmem:s2] =	stream.indirect.scatter.add.f32 [tilespmem:s11], [sflag:$0x1], $0x80, s21, s14, $0xb8;
	[tilespmem:$0x19400] =	vst v63  }
0x53: {  	_ = 	snop  }
0x54: {  	[spmem:s2] =	stream.indirect.scatter.add.f32 [tilespmem:s11], [sflag:$0x1], $0x80, s22, s14, $0xb8;
	[tilespmem:$0x19400] =	vst v63  }
0x55: {  	_ = 	snop  }
0x56: {  	[spmem:s2] =	stream.indirect.scatter.add.f32 [tilespmem:s11], [sflag:$0x1], $0x80, s23, s14, $0xb8;
	[tilespmem:$0x19400] =	vst v63  }
0x57: {  	_ = 	snop  }
0x58: {  	[spmem:s2] =	stream.indirect.scatter.add.f32 [tilespmem:s11], [sflag:$0x1], $0x80, s24, s14, $0xb8;
	[tilespmem:$0x19400] =	vst v63  }
0x59: {  	_ = 	snop  }
0x5a: {  	[spmem:s2] =	stream.indirect.scatter.add.f32 [tilespmem:s11], [sflag:$0x1], $0x80, s25, s14, $0xb8;
	[tilespmem:$0x19400] =	vst v63  }
0x5b: {  	_ = 	snop  }
0x5c: {  	[spmem:s2] =	stream.indirect.scatter.add.f32 [tilespmem:s11], [sflag:$0x1], $0x80, s26, s14, $0xb8;
	[tilespmem:$0x19400] =	vst v63  }
0x5d: {  	_ = 	snop  }
0x5e: {  	[spmem:s2] =	stream.indirect.scatter.add.f32 [tilespmem:s11], [sflag:$0x1], $0x80, s28, s14, $0xb8;
	[tilespmem:$0x19400] =	vst v63  }
0x5f: {  	_ = 	snop  }
0x60: {  	[spmem:s2] =	stream.indirect.scatter.add.f32 [tilespmem:s11], [sflag:$0x1], $0x80, s29, s14, $0xb8;
	[tilespmem:$0x19400] =	vst v63  }
0x61: {  	_ = 	snop  }
0x62: {  	[spmem:s2] =	stream.indirect.scatter.add.f32 [tilespmem:s11], [sflag:$0x1], $0x80, s30, s14, $0xb8;
	[tilespmem:$0x19400] =	vst v63  }
0x63: {  	_ = 	snop  }
0x64: {  	[spmem:s2] =	stream.indirect.scatter.add.f32 [tilespmem:s11], [sflag:$0x1], $0x80, s31, s14, $0xb8;
	[tilespmem:$0x19400] =	vst v63  }
0x65: {  	_ = 	snop  }
0x66: {  	[spmem:s2] =	stream.indirect.scatter.add.f32 [tilespmem:s11], [sflag:$0x1], $0x80, s1, s14, $0xb8;
	[tilespmem:$0x19400] =	vst v63  }
0x67: {  	_ = 	snop  }
0x68: {  	[spmem:s2] =	stream.indirect.scatter.add.f32 [tilespmem:s11], [sflag:$0x1], $0x80, s0, s14, $0xb8;
	[tilespmem:$0x19400] =	vst v63  }
0x69: {  	_ = 	snop  }
0x6a: {  	[spmem:s2] =	stream.indirect.scatter.add.f32 [tilespmem:s11], [sflag:$0x1], $0x80, s15, s14, $0xb8;
	[tilespmem:$0x19400] =	vst v63  }
0x6b: {  	_ = 	snop  }
0x6c: {  	[spmem:s2] =	stream.indirect.scatter.add.f32 [tilespmem:s11], [sflag:$0x1], $0x80, s16, s14, $0xb8;
	[tilespmem:$0x19400] =	vst v63  }
0x6d: {  	_ = 	snop  }
0x6e: {  	[spmem:s2] =	stream.indirect.scatter.add.f32 [tilespmem:s11], [sflag:$0x1], $0x80, s17, s14, $0xb8;
	[tilespmem:$0x19400] =	vst v63  }
0x6f: {  	_ =	swait.ge [sflag:s18], $0x4000  }
0x70: {  	s20 =	simm.s32 $0x27;
	[sflag:s18] =	ssyncset.done $0x0  }
.LBB2_2:
0x71: {  	p0 =	sne.s32 s20, $0x1;
	s20 =	sadd.s32 $0xFFFFFFFF, s20;
	[sflag:s18] =	ssyncadd.s32 $0xFFFFC000  }
.Ltmp0:
0x72: {  	(pc) =	sbr.rel @p0 .LBB2_2-.Ltmp0, $3  }
0x73: {  	_ =	sdelay $0x1  }
0x74: {  	_ =	swait.ge [sflag:s18], $0x4000  }
0x75: {  	[sflag:s18] =	ssyncset.done $0x0  }
0x76: {  	s19 =	sadd.s32 $0x1, s19  }
0x77: {  	[sflag:s18] =	ssyncadd.s32 $0xFFFFC000;
	p0 =	sne.s32 s19, s8  }
.Ltmp1:
0x78: {  	[bflag:$0x0] =	sbarrier.arrive $0xFFFF;
	(pc) =	sbr.rel @p0 .LBB2_1-.Ltmp1, $4  }
0x79: {  	[hbm:s7], [sflag:s12] =	dma.local [spmem:s13], $0x2800  }
0x7a: {  	_ =	swait.ge [sflag:s10], $0x2800  }
0x7b: {  	[sflag:s10] =	ssyncset.done $0x0  }
0x7c: {  	[sflag:s10] =	ssyncadd.s32 $0xFFFFD800  }
0x7d: {  	_ =	sfence.sel $0x180000  }
0x7e: {  	[bflag:$0x0] =	sbarrier.arrive $0xFFFF  }
0x7f: {  	_ =	strace $0x90000047  }
0x80: {  	s0 =	stileid.u32;
	[bflag:$0x2] =	sbarrier.arrive $0xFFFF  }
0x81: {  	p0 =	sne.s32 s0, $0x0;
	s0 =	rddreg [dreg:$0x2]  }
0x82: {  	s0 =	sadd.s32 @!p0 $0x100000, s0  }
0x83: {  	[sflag:s0] =	ssyncadd.tile.s32 @!p0 $0x1;
	_ =	shalt  }
.Lfunc_end2:
_tile_overlayer_lowered:
.L_overlay_start_2:
0x84: {  	(tag) =	ssettag $0x2  }
0x85: {  	s0 =	rddreg [dreg:$0x0];
	s2 =	stileid.u32  }
0x86: {  	s1 =	rddreg [dreg:$0x1];
	p0 =	sne.s32 s2, $0x0  }
0x87: {  	s3 =	rddreg [dreg:$0x2];
	[bflag:$0x3] =	sbarrier.arrive $0xFFFF;
	s2 =	simm.s32 @!p0 $0x1C02  }
0x88: {  	[timem:s3], [sflag:s2] =	dma.local @!p0 [hbm:s0], s1  }
0x89: {  	s0 =	simm.s32 @!p0 $0x2  }
0x8a: {  	_ =	swait.ge @!p0 [sflag:s0], s1  }
0x8b: {  	s1 =	ssub.s32 @!p0 $0x0, s1;
	[sflag:s0] =	ssyncset.done @!p0 $0x0  }
0x8c: {  	[sflag:s0] =	ssyncadd.s32 @!p0 s1  }
0x8d: {  	[bflag:$0x3] =	sbarrier.arrive $0xFFFF  }
0x8e: {  	_ =	shalt  }

</sc_bundles>
